<compile_context>
chip_gen: v7x
topology: tpu7x:2x2x1
jax: 0.10.2.dev20260603
libtpu: 0.0.44.dev20260713+nightly
codegen_flags: <defaults>
</compile_context>

<pallas_src>
import functools

import jax
import jax.numpy as jnp
from jax import lax
from jax.experimental import pallas as pl
from jax.experimental.pallas import tpu as pltpu
from jax.experimental.pallas import tpu_sc as plsc

EMBED_DIM = 128
NC, NS, L = 2, 16, 16
NW = NC * NS
CHUNK = 128


def _sc_lookup(idx_flat, w32, scales):
    n = idx_flat.shape[0]
    n_per_w = n // NW
    n_chunks = n_per_w // CHUNK
    mesh = plsc.VectorSubcoreMesh(core_axis_name="c", subcore_axis_name="s")

    @functools.partial(
        pl.kernel,
        out_type=jax.ShapeDtypeStruct((n, EMBED_DIM), jnp.float32),
        mesh=mesh,
        compiler_params=pltpu.CompilerParams(
            needs_layout_passes=False, use_tc_tiling_on_sc=False),
        scratch_types=[
            pltpu.VMEM((n_per_w,), jnp.int32),
            pltpu.VMEM((2, CHUNK), jnp.int32),
            pltpu.VMEM((2, CHUNK), jnp.int32),
            pltpu.VMEM((2, CHUNK), jnp.int32),
            pltpu.VMEM((2, CHUNK, EMBED_DIM), jnp.int32),
            pltpu.VMEM((2, CHUNK, EMBED_DIM), jnp.int32),
            pltpu.VMEM((2, CHUNK, EMBED_DIM), jnp.float32),
            pltpu.SemaphoreType.DMA,
            pltpu.SemaphoreType.DMA,
            pltpu.SemaphoreType.DMA,
            pltpu.SemaphoreType.DMA,
            pltpu.SemaphoreType.DMA,
            pltpu.SemaphoreType.DMA,
        ],
    )
    def body(idx_hbm, w_hbm, s_hbm, out_hbm,
             idx_v, sidx_v, gidx_v, shift_v, wrows_v, srows_v, out_v,
             sem_w0, sem_s0, sem_w1, sem_s1, sem_o0, sem_o1):
        wid = lax.axis_index("s") * NC + lax.axis_index("c")
        base = wid * n_per_w

        pltpu.sync_copy(idx_hbm.at[pl.ds(base, n_per_w)], idx_v)

        sems = ((sem_w0, sem_s0, sem_o0), (sem_w1, sem_s1, sem_o1))

        def stage(c, buf):
            sw, ss, _ = sems[buf]
            for t in range(CHUNK // L):
                v = idx_v[pl.ds(c * CHUNK + t * L, L)]
                sidx_v[buf, pl.ds(t * L, L)] = v >> 2
                gidx_v[buf, pl.ds(t * L, L)] = v >> 6
                shift_v[buf, pl.ds(t * L, L)] = (
                    ((v & 2) << 3) | ((v & 1) << 2) | ((v & 32) << 3))
            pltpu.async_copy(
                w_hbm.at[sidx_v.at[buf]], wrows_v.at[buf], sw)
            pltpu.async_copy(
                s_hbm.at[gidx_v.at[buf]], srows_v.at[buf], ss)

        def wait_gathers(buf):
            sw, ss, _ = sems[buf]
            pltpu.make_async_copy(w_hbm.at[sidx_v.at[buf]],
                                  wrows_v.at[buf], sw).wait()
            pltpu.make_async_copy(s_hbm.at[gidx_v.at[buf]],
                                  srows_v.at[buf], ss).wait()

        def wait_out(buf):
            _, _, so = sems[buf]
            pltpu.make_async_copy(out_v.at[buf],
                                  out_hbm.at[pl.ds(0, CHUNK)], so).wait()

        def compute(buf):
            @plsc.parallel_loop(0, CHUNK, unroll=2)
            def _(i):
                meta = plsc.load_gather(
                    shift_v.at[buf], [jnp.broadcast_to(i, (L,))])
                tot = meta & 31
                sshift = (meta >> 4) & 16
                for j in range(EMBED_DIM // L):
                    w = wrows_v[buf, i, pl.ds(j * L, L)]
                    f = ((w >> tot) & 15).astype(jnp.float32) - 8.0
                    sp = srows_v[buf, i, pl.ds(j * L, L)]
                    s = plsc.bitcast(((sp >> sshift) << 16), jnp.float32)
                    out_v[buf, i, pl.ds(j * L, L)] = f * s

        def issue_out(c, buf):
            _, _, so = sems[buf]
            pltpu.async_copy(out_v.at[buf],
                             out_hbm.at[pl.ds(base + c * CHUNK, CHUNK)], so)

        def half(c2, c, buf):
            nxt = c + 1

            @pl.when(nxt < n_chunks)
            def _():
                stage(nxt, 1 - buf)

            wait_gathers(buf)

            @pl.when(c2 > 0)
            def _():
                wait_out(buf)

            compute(buf)
            issue_out(c, buf)

        stage(0, 0)

        def chunk_pair(c2, _):
            half(c2, 2 * c2, 0)
            half(c2, 2 * c2 + 1, 1)
            return 0

        lax.fori_loop(0, n_chunks // 2, chunk_pair, 0)
        wait_out(0)
        wait_out(1)

    return body(idx_flat, w32, scales)


def kernel(input, weight, weight_scale):
    b, h = input.shape
    idx_t = jnp.transpose(input).reshape(b * h)
    w32 = (weight[0::2].astype(jnp.int32)
           | (weight[1::2].astype(jnp.int32) << 16))
    sb = jax.lax.bitcast_convert_type(
        weight_scale.astype(jnp.bfloat16), jnp.uint16).astype(jnp.int32)
    spair = sb[0::2] | (sb[1::2] << 16)
    out = _sc_lookup(idx_t, w32, spair)
    return jnp.transpose(out.reshape(h, b, EMBED_DIM), (1, 0, 2))

# --- scband reference (transcript-rebuilt; emitter-appended) ---
"""Pipeline reference for scband-qembedding-33174327394652 (READ-ONLY COPY).

The authoritative reference and input builder live on the scoring server;
editing this copy changes nothing except your own understanding.
"""

import jax, jax.numpy as jnp
import numpy as np

NUM_EMBEDDINGS = 1000000
EMBEDDING_DIM = 128
GROUP_SIZE = 32
GROUPS = NUM_EMBEDDINGS // GROUP_SIZE
BATCH = 16384
HIST = 20


def setup_inputs(seed: int = 0) -> dict:
    key = jax.random.key(seed)
    k1, k2, k3 = jax.random.split(key, 3)
    inp = jax.random.randint(k1, (BATCH, HIST), 0, NUM_EMBEDDINGS, dtype=jnp.int32)
    # packed 4-bit weights: two nibbles per uint8 byte, rows = num_embeddings // 2
    weight = jax.random.randint(k2, (NUM_EMBEDDINGS // 2, EMBEDDING_DIM), 0, 256, dtype=jnp.int32).astype(jnp.uint8)
    weight_scale = jax.random.uniform(k3, (GROUPS, EMBEDDING_DIM), dtype=jnp.float32, minval=0.001, maxval=0.02)
    return {"input": inp, "weight": weight, "weight_scale": weight_scale}


def reference(input, weight, weight_scale):
    group_idx = input // GROUP_SIZE
    embed_idx = input // 2
    scales = jnp.take(weight_scale, group_idx, axis=0)
    embeddings = jnp.take(weight, embed_idx, axis=0)
    shifts = ((input % 2) * 4)[..., None].astype(jnp.uint8)
    embeddings = (jnp.right_shift(embeddings, shifts) & jnp.uint8(15)).astype(jnp.int8)
    out = (embeddings.astype(jnp.float32) - 8.0) * scales
    return out

if __name__ == "__main__":
    import jax
    _d = setup_inputs()
    print(jax.jit(kernel)(*tuple(_d.values())))

</pallas_src>

<mosaic_0001>
#map = affine_map<(d0, d1) -> (0)>
#map1 = affine_map<(d0, d1) -> (0, 0)>
module attributes {stable_mosaic.version = 14 : i64} {
  func.func @body(%arg0: i32, %arg1: i32, %arg2: memref<327680xi32, #tpu.memory_space<hbm>>, %arg3: memref<250000x128xi32, #tpu.memory_space<hbm>>, %arg4: memref<15625x128xi32, #tpu.memory_space<hbm>>, %arg5: memref<327680x128xf32, #tpu.memory_space<hbm>>, %arg6: memref<10240xi32, #tpu.memory_space<vmem>>, %arg7: memref<2x128xi32, #tpu.memory_space<vmem>>, %arg8: memref<2x128xi32, #tpu.memory_space<vmem>>, %arg9: memref<2x128xi32, #tpu.memory_space<vmem>>, %arg10: memref<2x128x128xi32, #tpu.memory_space<vmem>>, %arg11: memref<2x128x128xi32, #tpu.memory_space<vmem>>, %arg12: memref<2x128x128xf32, #tpu.memory_space<vmem>>, %arg13: memref<!tpu.dma_semaphore, #tpu.memory_space<semaphore_mem>>, %arg14: memref<!tpu.dma_semaphore, #tpu.memory_space<semaphore_mem>>, %arg15: memref<!tpu.dma_semaphore, #tpu.memory_space<semaphore_mem>>, %arg16: memref<!tpu.dma_semaphore, #tpu.memory_space<semaphore_mem>>, %arg17: memref<!tpu.dma_semaphore, #tpu.memory_space<semaphore_mem>>, %arg18: memref<!tpu.dma_semaphore, #tpu.memory_space<semaphore_mem>>) attributes {dimension_semantics = [#tpu.dimension_semantics<core_parallel>, #tpu.dimension_semantics<subcore_parallel>], iteration_bounds = array<i64: 2, 16>, scalar_prefetch = 0 : i64, scratch_operands = 13 : i64, tpu.core_type = #tpu.core_type<sc_vector_subcore>, window_params = [{transform_indices = #map}, {transform_indices = #map1}, {transform_indices = #map1}, {transform_indices = #map1}]} {
    %mul3A = arith.constant 2 : i32
    %mul3A_0 = arith.muli %arg1, %mul3A : i32
    %add3A = arith.addi %mul3A_0, %arg0 : i32
    %mul3A_1 = arith.constant 10240 : i32
    %mul3A_2 = arith.muli %add3A, %mul3A_1 : i32
    "tpu.region"() ({
      %run_scoped3A = tpu.sem_alloc : memref<!tpu.dma_semaphore, #tpu.memory_space<semaphore_mem>>
      %dma_start3A_375 = tpu.memref_slice %arg2[%mul3A_2] : memref<327680xi32, #tpu.memory_space<hbm>> -> memref<10240xi32, #tpu.memory_space<hbm>>
      %dma_start3A_376 = tpu.memref_slice %arg2[%mul3A_2] : memref<327680xi32, #tpu.memory_space<hbm>> -> memref<10240xi32, #tpu.memory_space<hbm>>
      tpu.enqueue_dma source(%dma_start3A_376 : memref<10240xi32, #tpu.memory_space<hbm>>) target(%arg6 : memref<10240xi32, #tpu.memory_space<vmem>>) target_semaphore(%run_scoped3A : memref<!tpu.dma_semaphore, #tpu.memory_space<semaphore_mem>>)
      %dma_wait3A_377 = tpu.memref_slice %arg2[%mul3A_2] : memref<327680xi32, #tpu.memory_space<hbm>> -> memref<10240xi32, #tpu.memory_space<hbm>>
      %dma_wait3A_378 = tpu.memref_slice %arg2[%mul3A_2] : memref<327680xi32, #tpu.memory_space<hbm>> -> memref<10240xi32, #tpu.memory_space<hbm>>
      tpu.wait_dma2 semaphore(%run_scoped3A : memref<!tpu.dma_semaphore, #tpu.memory_space<semaphore_mem>>) src(%dma_wait3A_378 : memref<10240xi32, #tpu.memory_space<hbm>>) dst(%arg6 : memref<10240xi32, #tpu.memory_space<vmem>>)
      tpu.yield
    }) : () -> ()
    %get3A = arith.constant 0 : index
    %get3A_3 = tpu.vector_load %arg6[%get3A] {strides = array<i32>} : memref<10240xi32, #tpu.memory_space<vmem>>, vector<16xi32>,
    %shift_right_arithmetic3A = arith.constant 2 : i32
    %shift_right_arithmetic3A_4 = vector.broadcast %shift_right_arithmetic3A : i32 to vector<16xi32>
    %shift_right_arithmetic3A_5 = arith.shrsi %get3A_3, %shift_right_arithmetic3A_4 : vector<16xi32>
    %swap3A = arith.constant 0 : i32
    %swap3A_6 = arith.index_cast %swap3A : i32 to index
    %swap3A_7 = arith.constant 0 : index
    %swap3A_8 = tpu.vector_load %arg7[%swap3A_6, %swap3A_7] {strides = array<i32>} : memref<2x128xi32, #tpu.memory_space<vmem>>, vector<16xi32>,
    tpu.vector_store %arg7[%swap3A_6, %swap3A_7], %shift_right_arithmetic3A_5 {strides = array<i32>} : memref<2x128xi32, #tpu.memory_space<vmem>>, vector<16xi32>,
    %shift_right_arithmetic3A_9 = arith.constant 6 : i32
    %shift_right_arithmetic3A_10 = vector.broadcast %shift_right_arithmetic3A_9 : i32 to vector<16xi32>
    %shift_right_arithmetic3A_11 = arith.shrsi %get3A_3, %shift_right_arithmetic3A_10 : vector<16xi32>
    %swap3A_12 = arith.constant 0 : i32
    %swap3A_13 = arith.index_cast %swap3A_12 : i32 to index
    %swap3A_14 = arith.constant 0 : index
    %swap3A_15 = tpu.vector_load %arg8[%swap3A_13, %swap3A_14] {strides = array<i32>} : memref<2x128xi32, #tpu.memory_space<vmem>>, vector<16xi32>,
    tpu.vector_store %arg8[%swap3A_13, %swap3A_14], %shift_right_arithmetic3A_11 {strides = array<i32>} : memref<2x128xi32, #tpu.memory_space<vmem>>, vector<16xi32>,
    %and3A = arith.constant 2 : i32
    %and3A_16 = vector.broadcast %and3A : i32 to vector<16xi32>
    %and3A_17 = arith.andi %get3A_3, %and3A_16 : vector<16xi32>
    %shift_left3A = arith.constant 3 : i32
    %shift_left3A_18 = vector.broadcast %shift_left3A : i32 to vector<16xi32>
    %shift_left3A_19 = arith.shli %and3A_17, %shift_left3A_18 : vector<16xi32>
    %and3A_20 = arith.constant 1 : i32
    %and3A_21 = vector.broadcast %and3A_20 : i32 to vector<16xi32>
    %and3A_22 = arith.andi %get3A_3, %and3A_21 : vector<16xi32>
    %shift_left3A_23 = arith.constant 2 : i32
    %shift_left3A_24 = vector.broadcast %shift_left3A_23 : i32 to vector<16xi32>
    %shift_left3A_25 = arith.shli %and3A_22, %shift_left3A_24 : vector<16xi32>
    %or3A = arith.ori %shift_left3A_19, %shift_left3A_25 : vector<16xi32>
    %and3A_26 = arith.constant 32 : i32
    %and3A_27 = vector.broadcast %and3A_26 : i32 to vector<16xi32>
    %and3A_28 = arith.andi %get3A_3, %and3A_27 : vector<16xi32>
    %shift_left3A_29 = arith.constant 3 : i32
    %shift_left3A_30 = vector.broadcast %shift_left3A_29 : i32 to vector<16xi32>
    %shift_left3A_31 = arith.shli %and3A_28, %shift_left3A_30 : vector<16xi32>
    %or3A_32 = arith.ori %or3A, %shift_left3A_31 : vector<16xi32>
    %swap3A_33 = arith.constant 0 : i32
    %swap3A_34 = arith.index_cast %swap3A_33 : i32 to index
    %swap3A_35 = arith.constant 0 : index
    %swap3A_36 = tpu.vector_load %arg9[%swap3A_34, %swap3A_35] {strides = array<i32>} : memref<2x128xi32, #tpu.memory_space<vmem>>, vector<16xi32>,
    tpu.vector_store %arg9[%swap3A_34, %swap3A_35], %or3A_32 {strides = array<i32>} : memref<2x128xi32, #tpu.memory_space<vmem>>, vector<16xi32>,
    %get3A_37 = arith.constant 16 : index
    %get3A_38 = tpu.vector_load %arg6[%get3A_37] {strides = array<i32>} : memref<10240xi32, #tpu.memory_space<vmem>>, vector<16xi32>,
    %shift_right_arithmetic3A_39 = arith.constant 2 : i32
    %shift_right_arithmetic3A_40 = vector.broadcast %shift_right_arithmetic3A_39 : i32 to vector<16xi32>
    %shift_right_arithmetic3A_41 = arith.shrsi %get3A_38, %shift_right_arithmetic3A_40 : vector<16xi32>
    %swap3A_42 = arith.constant 0 : i32
    %swap3A_43 = arith.index_cast %swap3A_42 : i32 to index
    %swap3A_44 = arith.constant 16 : index
    %swap3A_45 = tpu.vector_load %arg7[%swap3A_43, %swap3A_44] {strides = array<i32>} : memref<2x128xi32, #tpu.memory_space<vmem>>, vector<16xi32>,
    tpu.vector_store %arg7[%swap3A_43, %swap3A_44], %shift_right_arithmetic3A_41 {strides = array<i32>} : memref<2x128xi32, #tpu.memory_space<vmem>>, vector<16xi32>,
    %shift_right_arithmetic3A_46 = arith.constant 6 : i32
    %shift_right_arithmetic3A_47 = vector.broadcast %shift_right_arithmetic3A_46 : i32 to vector<16xi32>
    %shift_right_arithmetic3A_48 = arith.shrsi %get3A_38, %shift_right_arithmetic3A_47 : vector<16xi32>
    %swap3A_49 = arith.constant 0 : i32
    %swap3A_50 = arith.index_cast %swap3A_49 : i32 to index
    %swap3A_51 = arith.constant 16 : index
    %swap3A_52 = tpu.vector_load %arg8[%swap3A_50, %swap3A_51] {strides = array<i32>} : memref<2x128xi32, #tpu.memory_space<vmem>>, vector<16xi32>,
    tpu.vector_store %arg8[%swap3A_50, %swap3A_51], %shift_right_arithmetic3A_48 {strides = array<i32>} : memref<2x128xi32, #tpu.memory_space<vmem>>, vector<16xi32>,
    %and3A_53 = arith.constant 2 : i32
    %and3A_54 = vector.broadcast %and3A_53 : i32 to vector<16xi32>
    %and3A_55 = arith.andi %get3A_38, %and3A_54 : vector<16xi32>
    %shift_left3A_56 = arith.constant 3 : i32
    %shift_left3A_57 = vector.broadcast %shift_left3A_56 : i32 to vector<16xi32>
    %shift_left3A_58 = arith.shli %and3A_55, %shift_left3A_57 : vector<16xi32>
    %and3A_59 = arith.constant 1 : i32
    %and3A_60 = vector.broadcast %and3A_59 : i32 to vector<16xi32>
    %and3A_61 = arith.andi %get3A_38, %and3A_60 : vector<16xi32>
    %shift_left3A_62 = arith.constant 2 : i32
    %shift_left3A_63 = vector.broadcast %shift_left3A_62 : i32 to vector<16xi32>
    %shift_left3A_64 = arith.shli %and3A_61, %shift_left3A_63 : vector<16xi32>
    %or3A_65 = arith.ori %shift_left3A_58, %shift_left3A_64 : vector<16xi32>
    %and3A_66 = arith.constant 32 : i32
    %and3A_67 = vector.broadcast %and3A_66 : i32 to vector<16xi32>
    %and3A_68 = arith.andi %get3A_38, %and3A_67 : vector<16xi32>
    %shift_left3A_69 = arith.constant 3 : i32
    %shift_left3A_70 = vector.broadcast %shift_left3A_69 : i32 to vector<16xi32>
    %shift_left3A_71 = arith.shli %and3A_68, %shift_left3A_70 : vector<16xi32>
    %or3A_72 = arith.ori %or3A_65, %shift_left3A_71 : vector<16xi32>
    %swap3A_73 = arith.constant 0 : i32
    %swap3A_74 = arith.index_cast %swap3A_73 : i32 to index
    %swap3A_75 = arith.constant 16 : index
    %swap3A_76 = tpu.vector_load %arg9[%swap3A_74, %swap3A_75] {strides = array<i32>} : memref<2x128xi32, #tpu.memory_space<vmem>>, vector<16xi32>,
    tpu.vector_store %arg9[%swap3A_74, %swap3A_75], %or3A_72 {strides = array<i32>} : memref<2x128xi32, #tpu.memory_space<vmem>>, vector<16xi32>,
    %get3A_77 = arith.constant 32 : index
    %get3A_78 = tpu.vector_load %arg6[%get3A_77] {strides = array<i32>} : memref<10240xi32, #tpu.memory_space<vmem>>, vector<16xi32>,
    %shift_right_arithmetic3A_79 = arith.constant 2 : i32
    %shift_right_arithmetic3A_80 = vector.broadcast %shift_right_arithmetic3A_79 : i32 to vector<16xi32>
    %shift_right_arithmetic3A_81 = arith.shrsi %get3A_78, %shift_right_arithmetic3A_80 : vector<16xi32>
    %swap3A_82 = arith.constant 0 : i32
    %swap3A_83 = arith.index_cast %swap3A_82 : i32 to index
    %swap3A_84 = arith.constant 32 : index
    %swap3A_85 = tpu.vector_load %arg7[%swap3A_83, %swap3A_84] {strides = array<i32>} : memref<2x128xi32, #tpu.memory_space<vmem>>, vector<16xi32>,
    tpu.vector_store %arg7[%swap3A_83, %swap3A_84], %shift_right_arithmetic3A_81 {strides = array<i32>} : memref<2x128xi32, #tpu.memory_space<vmem>>, vector<16xi32>,
    %shift_right_arithmetic3A_86 = arith.constant 6 : i32
    %shift_right_arithmetic3A_87 = vector.broadcast %shift_right_arithmetic3A_86 : i32 to vector<16xi32>
    %shift_right_arithmetic3A_88 = arith.shrsi %get3A_78, %shift_right_arithmetic3A_87 : vector<16xi32>
    %swap3A_89 = arith.constant 0 : i32
    %swap3A_90 = arith.index_cast %swap3A_89 : i32 to index
    %swap3A_91 = arith.constant 32 : index
    %swap3A_92 = tpu.vector_load %arg8[%swap3A_90, %swap3A_91] {strides = array<i32>} : memref<2x128xi32, #tpu.memory_space<vmem>>, vector<16xi32>,
    tpu.vector_store %arg8[%swap3A_90, %swap3A_91], %shift_right_arithmetic3A_88 {strides = array<i32>} : memref<2x128xi32, #tpu.memory_space<vmem>>, vector<16xi32>,
    %and3A_93 = arith.constant 2 : i32
    %and3A_94 = vector.broadcast %and3A_93 : i32 to vector<16xi32>
    %and3A_95 = arith.andi %get3A_78, %and3A_94 : vector<16xi32>
    %shift_left3A_96 = arith.constant 3 : i32
    %shift_left3A_97 = vector.broadcast %shift_left3A_96 : i32 to vector<16xi32>
    %shift_left3A_98 = arith.shli %and3A_95, %shift_left3A_97 : vector<16xi32>
    %and3A_99 = arith.constant 1 : i32
    %and3A_100 = vector.broadcast %and3A_99 : i32 to vector<16xi32>
    %and3A_101 = arith.andi %get3A_78, %and3A_100 : vector<16xi32>
    %shift_left3A_102 = arith.constant 2 : i32
    %shift_left3A_103 = vector.broadcast %shift_left3A_102 : i32 to vector<16xi32>
    %shift_left3A_104 = arith.shli %and3A_101, %shift_left3A_103 : vector<16xi32>
    %or3A_105 = arith.ori %shift_left3A_98, %shift_left3A_104 : vector<16xi32>
    %and3A_106 = arith.constant 32 : i32
    %and3A_107 = vector.broadcast %and3A_106 : i32 to vector<16xi32>
    %and3A_108 = arith.andi %get3A_78, %and3A_107 : vector<16xi32>
    %shift_left3A_109 = arith.constant 3 : i32
    %shift_left3A_110 = vector.broadcast %shift_left3A_109 : i32 to vector<16xi32>
    %shift_left3A_111 = arith.shli %and3A_108, %shift_left3A_110 : vector<16xi32>
    %or3A_112 = arith.ori %or3A_105, %shift_left3A_111 : vector<16xi32>
    %swap3A_113 = arith.constant 0 : i32
    %swap3A_114 = arith.index_cast %swap3A_113 : i32 to index
    %swap3A_115 = arith.constant 32 : index
    %swap3A_116 = tpu.vector_load %arg9[%swap3A_114, %swap3A_115] {strides = array<i32>} : memref<2x128xi32, #tpu.memory_space<vmem>>, vector<16xi32>,
    tpu.vector_store %arg9[%swap3A_114, %swap3A_115], %or3A_112 {strides = array<i32>} : memref<2x128xi32, #tpu.memory_space<vmem>>, vector<16xi32>,
    %get3A_117 = arith.constant 48 : index
    %get3A_118 = tpu.vector_load %arg6[%get3A_117] {strides = array<i32>} : memref<10240xi32, #tpu.memory_space<vmem>>, vector<16xi32>,
    %shift_right_arithmetic3A_119 = arith.constant 2 : i32
    %shift_right_arithmetic3A_120 = vector.broadcast %shift_right_arithmetic3A_119 : i32 to vector<16xi32>
    %shift_right_arithmetic3A_121 = arith.shrsi %get3A_118, %shift_right_arithmetic3A_120 : vector<16xi32>
    %swap3A_122 = arith.constant 0 : i32
    %swap3A_123 = arith.index_cast %swap3A_122 : i32 to index
    %swap3A_124 = arith.constant 48 : index
    %swap3A_125 = tpu.vector_load %arg7[%swap3A_123, %swap3A_124] {strides = array<i32>} : memref<2x128xi32, #tpu.memory_space<vmem>>, vector<16xi32>,
    tpu.vector_store %arg7[%swap3A_123, %swap3A_124], %shift_right_arithmetic3A_121 {strides = array<i32>} : memref<2x128xi32, #tpu.memory_space<vmem>>, vector<16xi32>,
    %shift_right_arithmetic3A_126 = arith.constant 6 : i32
    %shift_right_arithmetic3A_127 = vector.broadcast %shift_right_arithmetic3A_126 : i32 to vector<16xi32>
    %shift_right_arithmetic3A_128 = arith.shrsi %get3A_118, %shift_right_arithmetic3A_127 : vector<16xi32>
    %swap3A_129 = arith.constant 0 : i32
    %swap3A_130 = arith.index_cast %swap3A_129 : i32 to index
    %swap3A_131 = arith.constant 48 : index
    %swap3A_132 = tpu.vector_load %arg8[%swap3A_130, %swap3A_131] {strides = array<i32>} : memref<2x128xi32, #tpu.memory_space<vmem>>, vector<16xi32>,
    tpu.vector_store %arg8[%swap3A_130, %swap3A_131], %shift_right_arithmetic3A_128 {strides = array<i32>} : memref<2x128xi32, #tpu.memory_space<vmem>>, vector<16xi32>,
    %and3A_133 = arith.constant 2 : i32
    %and3A_134 = vector.broadcast %and3A_133 : i32 to vector<16xi32>
    %and3A_135 = arith.andi %get3A_118, %and3A_134 : vector<16xi32>
    %shift_left3A_136 = arith.constant 3 : i32
    %shift_left3A_137 = vector.broadcast %shift_left3A_136 : i32 to vector<16xi32>
    %shift_left3A_138 = arith.shli %and3A_135, %shift_left3A_137 : vector<16xi32>
    %and3A_139 = arith.constant 1 : i32
    %and3A_140 = vector.broadcast %and3A_139 : i32 to vector<16xi32>
    %and3A_141 = arith.andi %get3A_118, %and3A_140 : vector<16xi32>
    %shift_left3A_142 = arith.constant 2 : i32
    %shift_left3A_143 = vector.broadcast %shift_left3A_142 : i32 to vector<16xi32>
    %shift_left3A_144 = arith.shli %and3A_141, %shift_left3A_143 : vector<16xi32>
    %or3A_145 = arith.ori %shift_left3A_138, %shift_left3A_144 : vector<16xi32>
    %and3A_146 = arith.constant 32 : i32
    %and3A_147 = vector.broadcast %and3A_146 : i32 to vector<16xi32>
    %and3A_148 = arith.andi %get3A_118, %and3A_147 : vector<16xi32>
    %shift_left3A_149 = arith.constant 3 : i32
    %shift_left3A_150 = vector.broadcast %shift_left3A_149 : i32 to vector<16xi32>
    %shift_left3A_151 = arith.shli %and3A_148, %shift_left3A_150 : vector<16xi32>
    %or3A_152 = arith.ori %or3A_145, %shift_left3A_151 : vector<16xi32>
    %swap3A_153 = arith.constant 0 : i32
    %swap3A_154 = arith.index_cast %swap3A_153 : i32 to index
    %swap3A_155 = arith.constant 48 : index
    %swap3A_156 = tpu.vector_load %arg9[%swap3A_154, %swap3A_155] {strides = array<i32>} : memref<2x128xi32, #tpu.memory_space<vmem>>, vector<16xi32>,
    tpu.vector_store %arg9[%swap3A_154, %swap3A_155], %or3A_152 {strides = array<i32>} : memref<2x128xi32, #tpu.memory_space<vmem>>, vector<16xi32>,
    %get3A_157 = arith.constant 64 : index
    %get3A_158 = tpu.vector_load %arg6[%get3A_157] {strides = array<i32>} : memref<10240xi32, #tpu.memory_space<vmem>>, vector<16xi32>,
    %shift_right_arithmetic3A_159 = arith.constant 2 : i32
    %shift_right_arithmetic3A_160 = vector.broadcast %shift_right_arithmetic3A_159 : i32 to vector<16xi32>
    %shift_right_arithmetic3A_161 = arith.shrsi %get3A_158, %shift_right_arithmetic3A_160 : vector<16xi32>
    %swap3A_162 = arith.constant 0 : i32
    %swap3A_163 = arith.index_cast %swap3A_162 : i32 to index
    %swap3A_164 = arith.constant 64 : index
    %swap3A_165 = tpu.vector_load %arg7[%swap3A_163, %swap3A_164] {strides = array<i32>} : memref<2x128xi32, #tpu.memory_space<vmem>>, vector<16xi32>,
    tpu.vector_store %arg7[%swap3A_163, %swap3A_164], %shift_right_arithmetic3A_161 {strides = array<i32>} : memref<2x128xi32, #tpu.memory_space<vmem>>, vector<16xi32>,
    %shift_right_arithmetic3A_166 = arith.constant 6 : i32
    %shift_right_arithmetic3A_167 = vector.broadcast %shift_right_arithmetic3A_166 : i32 to vector<16xi32>
    %shift_right_arithmetic3A_168 = arith.shrsi %get3A_158, %shift_right_arithmetic3A_167 : vector<16xi32>
    %swap3A_169 = arith.constant 0 : i32
    %swap3A_170 = arith.index_cast %swap3A_169 : i32 to index
    %swap3A_171 = arith.constant 64 : index
    %swap3A_172 = tpu.vector_load %arg8[%swap3A_170, %swap3A_171] {strides = array<i32>} : memref<2x128xi32, #tpu.memory_space<vmem>>, vector<16xi32>,
    tpu.vector_store %arg8[%swap3A_170, %swap3A_171], %shift_right_arithmetic3A_168 {strides = array<i32>} : memref<2x128xi32, #tpu.memory_space<vmem>>, vector<16xi32>,
    %and3A_173 = arith.constant 2 : i32
    %and3A_174 = vector.broadcast %and3A_173 : i32 to vector<16xi32>
    %and3A_175 = arith.andi %get3A_158, %and3A_174 : vector<16xi32>
    %shift_left3A_176 = arith.constant 3 : i32
    %shift_left3A_177 = vector.broadcast %shift_left3A_176 : i32 to vector<16xi32>
    %shift_left3A_178 = arith.shli %and3A_175, %shift_left3A_177 : vector<16xi32>
    %and3A_179 = arith.constant 1 : i32
    %and3A_180 = vector.broadcast %and3A_179 : i32 to vector<16xi32>
    %and3A_181 = arith.andi %get3A_158, %and3A_180 : vector<16xi32>
    %shift_left3A_182 = arith.constant 2 : i32
    %shift_left3A_183 = vector.broadcast %shift_left3A_182 : i32 to vector<16xi32>
    %shift_left3A_184 = arith.shli %and3A_181, %shift_left3A_183 : vector<16xi32>
    %or3A_185 = arith.ori %shift_left3A_178, %shift_left3A_184 : vector<16xi32>
    %and3A_186 = arith.constant 32 : i32
    %and3A_187 = vector.broadcast %and3A_186 : i32 to vector<16xi32>
    %and3A_188 = arith.andi %get3A_158, %and3A_187 : vector<16xi32>
    %shift_left3A_189 = arith.constant 3 : i32
    %shift_left3A_190 = vector.broadcast %shift_left3A_189 : i32 to vector<16xi32>
    %shift_left3A_191 = arith.shli %and3A_188, %shift_left3A_190 : vector<16xi32>
    %or3A_192 = arith.ori %or3A_185, %shift_left3A_191 : vector<16xi32>
    %swap3A_193 = arith.constant 0 : i32
    %swap3A_194 = arith.index_cast %swap3A_193 : i32 to index
    %swap3A_195 = arith.constant 64 : index
    %swap3A_196 = tpu.vector_load %arg9[%swap3A_194, %swap3A_195] {strides = array<i32>} : memref<2x128xi32, #tpu.memory_space<vmem>>, vector<16xi32>,
    tpu.vector_store %arg9[%swap3A_194, %swap3A_195], %or3A_192 {strides = array<i32>} : memref<2x128xi32, #tpu.memory_space<vmem>>, vector<16xi32>,
    %get3A_197 = arith.constant 80 : index
    %get3A_198 = tpu.vector_load %arg6[%get3A_197] {strides = array<i32>} : memref<10240xi32, #tpu.memory_space<vmem>>, vector<16xi32>,
    %shift_right_arithmetic3A_199 = arith.constant 2 : i32
    %shift_right_arithmetic3A_200 = vector.broadcast %shift_right_arithmetic3A_199 : i32 to vector<16xi32>
    %shift_right_arithmetic3A_201 = arith.shrsi %get3A_198, %shift_right_arithmetic3A_200 : vector<16xi32>
    %swap3A_202 = arith.constant 0 : i32
    %swap3A_203 = arith.index_cast %swap3A_202 : i32 to index
    %swap3A_204 = arith.constant 80 : index
    %swap3A_205 = tpu.vector_load %arg7[%swap3A_203, %swap3A_204] {strides = array<i32>} : memref<2x128xi32, #tpu.memory_space<vmem>>, vector<16xi32>,
    tpu.vector_store %arg7[%swap3A_203, %swap3A_204], %shift_right_arithmetic3A_201 {strides = array<i32>} : memref<2x128xi32, #tpu.memory_space<vmem>>, vector<16xi32>,
    %shift_right_arithmetic3A_206 = arith.constant 6 : i32
    %shift_right_arithmetic3A_207 = vector.broadcast %shift_right_arithmetic3A_206 : i32 to vector<16xi32>
    %shift_right_arithmetic3A_208 = arith.shrsi %get3A_198, %shift_right_arithmetic3A_207 : vector<16xi32>
    %swap3A_209 = arith.constant 0 : i32
    %swap3A_210 = arith.index_cast %swap3A_209 : i32 to index
    %swap3A_211 = arith.constant 80 : index
    %swap3A_212 = tpu.vector_load %arg8[%swap3A_210, %swap3A_211] {strides = array<i32>} : memref<2x128xi32, #tpu.memory_space<vmem>>, vector<16xi32>,
    tpu.vector_store %arg8[%swap3A_210, %swap3A_211], %shift_right_arithmetic3A_208 {strides = array<i32>} : memref<2x128xi32, #tpu.memory_space<vmem>>, vector<16xi32>,
    %and3A_213 = arith.constant 2 : i32
    %and3A_214 = vector.broadcast %and3A_213 : i32 to vector<16xi32>
    %and3A_215 = arith.andi %get3A_198, %and3A_214 : vector<16xi32>
    %shift_left3A_216 = arith.constant 3 : i32
    %shift_left3A_217 = vector.broadcast %shift_left3A_216 : i32 to vector<16xi32>
    %shift_left3A_218 = arith.shli %and3A_215, %shift_left3A_217 : vector<16xi32>
    %and3A_219 = arith.constant 1 : i32
    %and3A_220 = vector.broadcast %and3A_219 : i32 to vector<16xi32>
    %and3A_221 = arith.andi %get3A_198, %and3A_220 : vector<16xi32>
    %shift_left3A_222 = arith.constant 2 : i32
    %shift_left3A_223 = vector.broadcast %shift_left3A_222 : i32 to vector<16xi32>
    %shift_left3A_224 = arith.shli %and3A_221, %shift_left3A_223 : vector<16xi32>
    %or3A_225 = arith.ori %shift_left3A_218, %shift_left3A_224 : vector<16xi32>
    %and3A_226 = arith.constant 32 : i32
    %and3A_227 = vector.broadcast %and3A_226 : i32 to vector<16xi32>
    %and3A_228 = arith.andi %get3A_198, %and3A_227 : vector<16xi32>
    %shift_left3A_229 = arith.constant 3 : i32
    %shift_left3A_230 = vector.broadcast %shift_left3A_229 : i32 to vector<16xi32>
    %shift_left3A_231 = arith.shli %and3A_228, %shift_left3A_230 : vector<16xi32>
    %or3A_232 = arith.ori %or3A_225, %shift_left3A_231 : vector<16xi32>
    %swap3A_233 = arith.constant 0 : i32
    %swap3A_234 = arith.index_cast %swap3A_233 : i32 to index
    %swap3A_235 = arith.constant 80 : index
    %swap3A_236 = tpu.vector_load %arg9[%swap3A_234, %swap3A_235] {strides = array<i32>} : memref<2x128xi32, #tpu.memory_space<vmem>>, vector<16xi32>,
    tpu.vector_store %arg9[%swap3A_234, %swap3A_235], %or3A_232 {strides = array<i32>} : memref<2x128xi32, #tpu.memory_space<vmem>>, vector<16xi32>,
    %get3A_237 = arith.constant 96 : index
    %get3A_238 = tpu.vector_load %arg6[%get3A_237] {strides = array<i32>} : memref<10240xi32, #tpu.memory_space<vmem>>, vector<16xi32>,
    %shift_right_arithmetic3A_239 = arith.constant 2 : i32
    %shift_right_arithmetic3A_240 = vector.broadcast %shift_right_arithmetic3A_239 : i32 to vector<16xi32>
    %shift_right_arithmetic3A_241 = arith.shrsi %get3A_238, %shift_right_arithmetic3A_240 : vector<16xi32>
    %swap3A_242 = arith.constant 0 : i32
    %swap3A_243 = arith.index_cast %swap3A_242 : i32 to index
    %swap3A_244 = arith.constant 96 : index
    %swap3A_245 = tpu.vector_load %arg7[%swap3A_243, %swap3A_244] {strides = array<i32>} : memref<2x128xi32, #tpu.memory_space<vmem>>, vector<16xi32>,
    tpu.vector_store %arg7[%swap3A_243, %swap3A_244], %shift_right_arithmetic3A_241 {strides = array<i32>} : memref<2x128xi32, #tpu.memory_space<vmem>>, vector<16xi32>,
    %shift_right_arithmetic3A_246 = arith.constant 6 : i32
    %shift_right_arithmetic3A_247 = vector.broadcast %shift_right_arithmetic3A_246 : i32 to vector<16xi32>
    %shift_right_arithmetic3A_248 = arith.shrsi %get3A_238, %shift_right_arithmetic3A_247 : vector<16xi32>
    %swap3A_249 = arith.constant 0 : i32
    %swap3A_250 = arith.index_cast %swap3A_249 : i32 to index
    %swap3A_251 = arith.constant 96 : index
    %swap3A_252 = tpu.vector_load %arg8[%swap3A_250, %swap3A_251] {strides = array<i32>} : memref<2x128xi32, #tpu.memory_space<vmem>>, vector<16xi32>,
    tpu.vector_store %arg8[%swap3A_250, %swap3A_251], %shift_right_arithmetic3A_248 {strides = array<i32>} : memref<2x128xi32, #tpu.memory_space<vmem>>, vector<16xi32>,
    %and3A_253 = arith.constant 2 : i32
    %and3A_254 = vector.broadcast %and3A_253 : i32 to vector<16xi32>
    %and3A_255 = arith.andi %get3A_238, %and3A_254 : vector<16xi32>
    %shift_left3A_256 = arith.constant 3 : i32
    %shift_left3A_257 = vector.broadcast %shift_left3A_256 : i32 to vector<16xi32>
    %shift_left3A_258 = arith.shli %and3A_255, %shift_left3A_257 : vector<16xi32>
    %and3A_259 = arith.constant 1 : i32
    %and3A_260 = vector.broadcast %and3A_259 : i32 to vector<16xi32>
    %and3A_261 = arith.andi %get3A_238, %and3A_260 : vector<16xi32>
    %shift_left3A_262 = arith.constant 2 : i32
    %shift_left3A_263 = vector.broadcast %shift_left3A_262 : i32 to vector<16xi32>
    %shift_left3A_264 = arith.shli %and3A_261, %shift_left3A_263 : vector<16xi32>
    %or3A_265 = arith.ori %shift_left3A_258, %shift_left3A_264 : vector<16xi32>
    %and3A_266 = arith.constant 32 : i32
    %and3A_267 = vector.broadcast %and3A_266 : i32 to vector<16xi32>
    %and3A_268 = arith.andi %get3A_238, %and3A_267 : vector<16xi32>
    %shift_left3A_269 = arith.constant 3 : i32
    %shift_left3A_270 = vector.broadcast %shift_left3A_269 : i32 to vector<16xi32>
    %shift_left3A_271 = arith.shli %and3A_268, %shift_left3A_270 : vector<16xi32>
    %or3A_272 = arith.ori %or3A_265, %shift_left3A_271 : vector<16xi32>
    %swap3A_273 = arith.constant 0 : i32
    %swap3A_274 = arith.index_cast %swap3A_273 : i32 to index
    %swap3A_275 = arith.constant 96 : index
    %swap3A_276 = tpu.vector_load %arg9[%swap3A_274, %swap3A_275] {strides = array<i32>} : memref<2x128xi32, #tpu.memory_space<vmem>>, vector<16xi32>,
    tpu.vector_store %arg9[%swap3A_274, %swap3A_275], %or3A_272 {strides = array<i32>} : memref<2x128xi32, #tpu.memory_space<vmem>>, vector<16xi32>,
    %get3A_277 = arith.constant 112 : index
    %get3A_278 = tpu.vector_load %arg6[%get3A_277] {strides = array<i32>} : memref<10240xi32, #tpu.memory_space<vmem>>, vector<16xi32>,
    %shift_right_arithmetic3A_279 = arith.constant 2 : i32
    %shift_right_arithmetic3A_280 = vector.broadcast %shift_right_arithmetic3A_279 : i32 to vector<16xi32>
    %shift_right_arithmetic3A_281 = arith.shrsi %get3A_278, %shift_right_arithmetic3A_280 : vector<16xi32>
    %swap3A_282 = arith.constant 0 : i32
    %swap3A_283 = arith.index_cast %swap3A_282 : i32 to index
    %swap3A_284 = arith.constant 112 : index
    %swap3A_285 = tpu.vector_load %arg7[%swap3A_283, %swap3A_284] {strides = array<i32>} : memref<2x128xi32, #tpu.memory_space<vmem>>, vector<16xi32>,
    tpu.vector_store %arg7[%swap3A_283, %swap3A_284], %shift_right_arithmetic3A_281 {strides = array<i32>} : memref<2x128xi32, #tpu.memory_space<vmem>>, vector<16xi32>,
    %shift_right_arithmetic3A_286 = arith.constant 6 : i32
    %shift_right_arithmetic3A_287 = vector.broadcast %shift_right_arithmetic3A_286 : i32 to vector<16xi32>
    %shift_right_arithmetic3A_288 = arith.shrsi %get3A_278, %shift_right_arithmetic3A_287 : vector<16xi32>
    %swap3A_289 = arith.constant 0 : i32
    %swap3A_290 = arith.index_cast %swap3A_289 : i32 to index
    %swap3A_291 = arith.constant 112 : index
    %swap3A_292 = tpu.vector_load %arg8[%swap3A_290, %swap3A_291] {strides = array<i32>} : memref<2x128xi32, #tpu.memory_space<vmem>>, vector<16xi32>,
    tpu.vector_store %arg8[%swap3A_290, %swap3A_291], %shift_right_arithmetic3A_288 {strides = array<i32>} : memref<2x128xi32, #tpu.memory_space<vmem>>, vector<16xi32>,
    %and3A_293 = arith.constant 2 : i32
    %and3A_294 = vector.broadcast %and3A_293 : i32 to vector<16xi32>
    %and3A_295 = arith.andi %get3A_278, %and3A_294 : vector<16xi32>
    %shift_left3A_296 = arith.constant 3 : i32
    %shift_left3A_297 = vector.broadcast %shift_left3A_296 : i32 to vector<16xi32>
    %shift_left3A_298 = arith.shli %and3A_295, %shift_left3A_297 : vector<16xi32>
    %and3A_299 = arith.constant 1 : i32
    %and3A_300 = vector.broadcast %and3A_299 : i32 to vector<16xi32>
    %and3A_301 = arith.andi %get3A_278, %and3A_300 : vector<16xi32>
    %shift_left3A_302 = arith.constant 2 : i32
    %shift_left3A_303 = vector.broadcast %shift_left3A_302 : i32 to vector<16xi32>
    %shift_left3A_304 = arith.shli %and3A_301, %shift_left3A_303 : vector<16xi32>
    %or3A_305 = arith.ori %shift_left3A_298, %shift_left3A_304 : vector<16xi32>
    %and3A_306 = arith.constant 32 : i32
    %and3A_307 = vector.broadcast %and3A_306 : i32 to vector<16xi32>
    %and3A_308 = arith.andi %get3A_278, %and3A_307 : vector<16xi32>
    %shift_left3A_309 = arith.constant 3 : i32
    %shift_left3A_310 = vector.broadcast %shift_left3A_309 : i32 to vector<16xi32>
    %shift_left3A_311 = arith.shli %and3A_308, %shift_left3A_310 : vector<16xi32>
    %or3A_312 = arith.ori %or3A_305, %shift_left3A_311 : vector<16xi32>
    %swap3A_313 = arith.constant 0 : i32
    %swap3A_314 = arith.index_cast %swap3A_313 : i32 to index
    %swap3A_315 = arith.constant 112 : index
    %swap3A_316 = tpu.vector_load %arg9[%swap3A_314, %swap3A_315] {strides = array<i32>} : memref<2x128xi32, #tpu.memory_space<vmem>>, vector<16xi32>,
    tpu.vector_store %arg9[%swap3A_314, %swap3A_315], %or3A_312 {strides = array<i32>} : memref<2x128xi32, #tpu.memory_space<vmem>>, vector<16xi32>,
    %dma_start3A = arith.constant 0 : i32
    %dma_start3A_317 = arith.constant 0 : i32
    %dma_start3A_318 = arith.constant 0 : i32
    %dma_start3A_319 = arith.constant 0 : i32
    %dma_start3A_320 = tpu.memref_slice %arg10[%dma_start3A_317, %dma_start3A_318, %dma_start3A_319] : memref<2x128x128xi32, #tpu.memory_space<vmem>> -> memref<1x128x128xi32, #tpu.memory_space<vmem>>
    %dma_start3A_321 = tpu.memref_squeeze %dma_start3A_320 : memref<1x128x128xi32, #tpu.memory_space<vmem>> -> memref<128x128xi32, #tpu.memory_space<vmem>>
    %dma_start3A_322 = arith.constant 0 : i32
    %dma_start3A_323 = tpu.memref_slice %arg7[%dma_start3A, %dma_start3A_322] : memref<2x128xi32, #tpu.memory_space<vmem>> -> memref<1x128xi32, #tpu.memory_space<vmem>>
    %dma_start3A_324 = tpu.memref_squeeze %dma_start3A_323 : memref<1x128xi32, #tpu.memory_space<vmem>> -> memref<128xi32, #tpu.memory_space<vmem>>
    %dma_start3A_325 = arith.constant 0 : i32
    %dma_start3A_326 = arith.constant 0 : i32
    %dma_start3A_327 = tpu.memref_slice %arg3[%dma_start3A_325, %dma_start3A_326] : memref<250000x128xi32, #tpu.memory_space<hbm>> -> memref<250000x128xi32, #tpu.memory_space<hbm>>
    tpu.enqueue_indirect_dma source(%dma_start3A_327 : memref<250000x128xi32, #tpu.memory_space<hbm>>) target(%dma_start3A_321 : memref<128x128xi32, #tpu.memory_space<vmem>>) offsets(%dma_start3A_324 : memref<128xi32, #tpu.memory_space<vmem>>) semaphore(%arg13 : memref<!tpu.dma_semaphore, #tpu.memory_space<semaphore_mem>>)
    %dma_start3A_328 = arith.constant 0 : i32
    %dma_start3A_329 = arith.constant 0 : i32
    %dma_start3A_330 = arith.constant 0 : i32
    %dma_start3A_331 = arith.constant 0 : i32
    %dma_start3A_332 = tpu.memref_slice %arg11[%dma_start3A_329, %dma_start3A_330, %dma_start3A_331] : memref<2x128x128xi32, #tpu.memory_space<vmem>> -> memref<1x128x128xi32, #tpu.memory_space<vmem>>
    %dma_start3A_333 = tpu.memref_squeeze %dma_start3A_332 : memref<1x128x128xi32, #tpu.memory_space<vmem>> -> memref<128x128xi32, #tpu.memory_space<vmem>>
    %dma_start3A_334 = arith.constant 0 : i32
    %dma_start3A_335 = tpu.memref_slice %arg8[%dma_start3A_328, %dma_start3A_334] : memref<2x128xi32, #tpu.memory_space<vmem>> -> memref<1x128xi32, #tpu.memory_space<vmem>>
    %dma_start3A_336 = tpu.memref_squeeze %dma_start3A_335 : memref<1x128xi32, #tpu.memory_space<vmem>> -> memref<128xi32, #tpu.memory_space<vmem>>
    %dma_start3A_337 = arith.constant 0 : i32
    %dma_start3A_338 = arith.constant 0 : i32
    %dma_start3A_339 = tpu.memref_slice %arg4[%dma_start3A_337, %dma_start3A_338] : memref<15625x128xi32, #tpu.memory_space<hbm>> -> memref<15625x128xi32, #tpu.memory_space<hbm>>
    tpu.enqueue_indirect_dma source(%dma_start3A_339 : memref<15625x128xi32, #tpu.memory_space<hbm>>) target(%dma_start3A_333 : memref<128x128xi32, #tpu.memory_space<vmem>>) offsets(%dma_start3A_336 : memref<128xi32, #tpu.memory_space<vmem>>) semaphore(%arg14 : memref<!tpu.dma_semaphore, #tpu.memory_space<semaphore_mem>>)
    %scan3A = arith.constant 0 : i32
    %scan3A_340 = arith.constant 0 : i32
    %scan3A_341 = arith.constant 40 : i32
    %scan3A_342 = arith.addi %scan3A_340, %scan3A_341 : i32
    %scan3A_343 = arith.constant 1 : i32
    %scan3A_344 = scf.for %scan3A_375 = %scan3A_340 to %scan3A_342 step %scan3A_343 iter_args(%scan3A_376 = %scan3A) -> (i32)  : i32 {
      %mul3A_377 = arith.constant 2 : i32
      %mul3A_378 = arith.muli %mul3A_377, %scan3A_375 : i32
      %add3A_379 = arith.constant 1 : i32
      %add3A_380 = arith.addi %mul3A_378, %add3A_379 : i32
      %lt3A = arith.constant 80 : i32
      %lt3A_381 = arith.cmpi slt, %add3A_380, %lt3A : i32
      %convert_element_type3A = arith.extui %lt3A_381 : i1 to i32
      %cond3A = arith.constant 0 : i32
      %cond3A_382 = arith.cmpi ne, %convert_element_type3A, %cond3A : i32
      scf.if %cond3A_382 {
        %mul3A_489 = arith.constant 128 : i32
        %mul3A_490 = arith.muli %add3A_380, %mul3A_489 : i32
        %add3A_491 = arith.constant 0 : i32
        %add3A_492 = arith.addi %mul3A_490, %add3A_491 : i32
        %get3A_493 = arith.index_cast %add3A_492 : i32 to index
        %get3A_494 = tpu.vector_load %arg6[%get3A_493] {strides = array<i32>} : memref<10240xi32, #tpu.memory_space<vmem>>, vector<16xi32>,
        %shift_right_arithmetic3A_495 = arith.constant 2 : i32
        %shift_right_arithmetic3A_496 = vector.broadcast %shift_right_arithmetic3A_495 : i32 to vector<16xi32>
        %shift_right_arithmetic3A_497 = arith.shrsi %get3A_494, %shift_right_arithmetic3A_496 : vector<16xi32>
        %swap3A_498 = arith.constant 1 : i32
        %swap3A_499 = arith.index_cast %swap3A_498 : i32 to index
        %swap3A_500 = arith.constant 0 : index
        %swap3A_501 = tpu.vector_load %arg7[%swap3A_499, %swap3A_500] {strides = array<i32>} : memref<2x128xi32, #tpu.memory_space<vmem>>, vector<16xi32>,
        tpu.vector_store %arg7[%swap3A_499, %swap3A_500], %shift_right_arithmetic3A_497 {strides = array<i32>} : memref<2x128xi32, #tpu.memory_space<vmem>>, vector<16xi32>,
        %shift_right_arithmetic3A_502 = arith.constant 6 : i32
        %shift_right_arithmetic3A_503 = vector.broadcast %shift_right_arithmetic3A_502 : i32 to vector<16xi32>
        %shift_right_arithmetic3A_504 = arith.shrsi %get3A_494, %shift_right_arithmetic3A_503 : vector<16xi32>
        %swap3A_505 = arith.constant 1 : i32
        %swap3A_506 = arith.index_cast %swap3A_505 : i32 to index
        %swap3A_507 = arith.constant 0 : index
        %swap3A_508 = tpu.vector_load %arg8[%swap3A_506, %swap3A_507] {strides = array<i32>} : memref<2x128xi32, #tpu.memory_space<vmem>>, vector<16xi32>,
        tpu.vector_store %arg8[%swap3A_506, %swap3A_507], %shift_right_arithmetic3A_504 {strides = array<i32>} : memref<2x128xi32, #tpu.memory_space<vmem>>, vector<16xi32>,
        %and3A_509 = arith.constant 2 : i32
        %and3A_510 = vector.broadcast %and3A_509 : i32 to vector<16xi32>
        %and3A_511 = arith.andi %get3A_494, %and3A_510 : vector<16xi32>
        %shift_left3A_512 = arith.constant 3 : i32
        %shift_left3A_513 = vector.broadcast %shift_left3A_512 : i32 to vector<16xi32>
        %shift_left3A_514 = arith.shli %and3A_511, %shift_left3A_513 : vector<16xi32>
        %and3A_515 = arith.constant 1 : i32
        %and3A_516 = vector.broadcast %and3A_515 : i32 to vector<16xi32>
        %and3A_517 = arith.andi %get3A_494, %and3A_516 : vector<16xi32>
        %shift_left3A_518 = arith.constant 2 : i32
        %shift_left3A_519 = vector.broadcast %shift_left3A_518 : i32 to vector<16xi32>
        %shift_left3A_520 = arith.shli %and3A_517, %shift_left3A_519 : vector<16xi32>
        %or3A_521 = arith.ori %shift_left3A_514, %shift_left3A_520 : vector<16xi32>
        %and3A_522 = arith.constant 32 : i32
        %and3A_523 = vector.broadcast %and3A_522 : i32 to vector<16xi32>
        %and3A_524 = arith.andi %get3A_494, %and3A_523 : vector<16xi32>
        %shift_left3A_525 = arith.constant 3 : i32
        %shift_left3A_526 = vector.broadcast %shift_left3A_525 : i32 to vector<16xi32>
        %shift_left3A_527 = arith.shli %and3A_524, %shift_left3A_526 : vector<16xi32>
        %or3A_528 = arith.ori %or3A_521, %shift_left3A_527 : vector<16xi32>
        %swap3A_529 = arith.constant 1 : i32
        %swap3A_530 = arith.index_cast %swap3A_529 : i32 to index
        %swap3A_531 = arith.constant 0 : index
        %swap3A_532 = tpu.vector_load %arg9[%swap3A_530, %swap3A_531] {strides = array<i32>} : memref<2x128xi32, #tpu.memory_space<vmem>>, vector<16xi32>,
        tpu.vector_store %arg9[%swap3A_530, %swap3A_531], %or3A_528 {strides = array<i32>} : memref<2x128xi32, #tpu.memory_space<vmem>>, vector<16xi32>,
        %mul3A_533 = arith.constant 128 : i32
        %mul3A_534 = arith.muli %add3A_380, %mul3A_533 : i32
        %add3A_535 = arith.constant 16 : i32
        %add3A_536 = arith.addi %mul3A_534, %add3A_535 : i32
        %get3A_537 = arith.index_cast %add3A_536 : i32 to index
        %get3A_538 = tpu.vector_load %arg6[%get3A_537] {strides = array<i32>} : memref<10240xi32, #tpu.memory_space<vmem>>, vector<16xi32>,
        %shift_right_arithmetic3A_539 = arith.constant 2 : i32
        %shift_right_arithmetic3A_540 = vector.broadcast %shift_right_arithmetic3A_539 : i32 to vector<16xi32>
        %shift_right_arithmetic3A_541 = arith.shrsi %get3A_538, %shift_right_arithmetic3A_540 : vector<16xi32>
        %swap3A_542 = arith.constant 1 : i32
        %swap3A_543 = arith.index_cast %swap3A_542 : i32 to index
        %swap3A_544 = arith.constant 16 : index
        %swap3A_545 = tpu.vector_load %arg7[%swap3A_543, %swap3A_544] {strides = array<i32>} : memref<2x128xi32, #tpu.memory_space<vmem>>, vector<16xi32>,
        tpu.vector_store %arg7[%swap3A_543, %swap3A_544], %shift_right_arithmetic3A_541 {strides = array<i32>} : memref<2x128xi32, #tpu.memory_space<vmem>>, vector<16xi32>,
        %shift_right_arithmetic3A_546 = arith.constant 6 : i32
        %shift_right_arithmetic3A_547 = vector.broadcast %shift_right_arithmetic3A_546 : i32 to vector<16xi32>
        %shift_right_arithmetic3A_548 = arith.shrsi %get3A_538, %shift_right_arithmetic3A_547 : vector<16xi32>
        %swap3A_549 = arith.constant 1 : i32
        %swap3A_550 = arith.index_cast %swap3A_549 : i32 to index
        %swap3A_551 = arith.constant 16 : index
        %swap3A_552 = tpu.vector_load %arg8[%swap3A_550, %swap3A_551] {strides = array<i32>} : memref<2x128xi32, #tpu.memory_space<vmem>>, vector<16xi32>,
        tpu.vector_store %arg8[%swap3A_550, %swap3A_551], %shift_right_arithmetic3A_548 {strides = array<i32>} : memref<2x128xi32, #tpu.memory_space<vmem>>, vector<16xi32>,
        %and3A_553 = arith.constant 2 : i32
        %and3A_554 = vector.broadcast %and3A_553 : i32 to vector<16xi32>
        %and3A_555 = arith.andi %get3A_538, %and3A_554 : vector<16xi32>
        %shift_left3A_556 = arith.constant 3 : i32
        %shift_left3A_557 = vector.broadcast %shift_left3A_556 : i32 to vector<16xi32>
        %shift_left3A_558 = arith.shli %and3A_555, %shift_left3A_557 : vector<16xi32>
        %and3A_559 = arith.constant 1 : i32
        %and3A_560 = vector.broadcast %and3A_559 : i32 to vector<16xi32>
        %and3A_561 = arith.andi %get3A_538, %and3A_560 : vector<16xi32>
        %shift_left3A_562 = arith.constant 2 : i32
        %shift_left3A_563 = vector.broadcast %shift_left3A_562 : i32 to vector<16xi32>
        %shift_left3A_564 = arith.shli %and3A_561, %shift_left3A_563 : vector<16xi32>
        %or3A_565 = arith.ori %shift_left3A_558, %shift_left3A_564 : vector<16xi32>
        %and3A_566 = arith.constant 32 : i32
        %and3A_567 = vector.broadcast %and3A_566 : i32 to vector<16xi32>
        %and3A_568 = arith.andi %get3A_538, %and3A_567 : vector<16xi32>
        %shift_left3A_569 = arith.constant 3 : i32
        %shift_left3A_570 = vector.broadcast %shift_left3A_569 : i32 to vector<16xi32>
        %shift_left3A_571 = arith.shli %and3A_568, %shift_left3A_570 : vector<16xi32>
        %or3A_572 = arith.ori %or3A_565, %shift_left3A_571 : vector<16xi32>
        %swap3A_573 = arith.constant 1 : i32
        %swap3A_574 = arith.index_cast %swap3A_573 : i32 to index
        %swap3A_575 = arith.constant 16 : index
        %swap3A_576 = tpu.vector_load %arg9[%swap3A_574, %swap3A_575] {strides = array<i32>} : memref<2x128xi32, #tpu.memory_space<vmem>>, vector<16xi32>,
        tpu.vector_store %arg9[%swap3A_574, %swap3A_575], %or3A_572 {strides = array<i32>} : memref<2x128xi32, #tpu.memory_space<vmem>>, vector<16xi32>,
        %mul3A_577 = arith.constant 128 : i32
        %mul3A_578 = arith.muli %add3A_380, %mul3A_577 : i32
        %add3A_579 = arith.constant 32 : i32
        %add3A_580 = arith.addi %mul3A_578, %add3A_579 : i32
        %get3A_581 = arith.index_cast %add3A_580 : i32 to index
        %get3A_582 = tpu.vector_load %arg6[%get3A_581] {strides = array<i32>} : memref<10240xi32, #tpu.memory_space<vmem>>, vector<16xi32>,
        %shift_right_arithmetic3A_583 = arith.constant 2 : i32
        %shift_right_arithmetic3A_584 = vector.broadcast %shift_right_arithmetic3A_583 : i32 to vector<16xi32>
        %shift_right_arithmetic3A_585 = arith.shrsi %get3A_582, %shift_right_arithmetic3A_584 : vector<16xi32>
        %swap3A_586 = arith.constant 1 : i32
        %swap3A_587 = arith.index_cast %swap3A_586 : i32 to index
        %swap3A_588 = arith.constant 32 : index
        %swap3A_589 = tpu.vector_load %arg7[%swap3A_587, %swap3A_588] {strides = array<i32>} : memref<2x128xi32, #tpu.memory_space<vmem>>, vector<16xi32>,
        tpu.vector_store %arg7[%swap3A_587, %swap3A_588], %shift_right_arithmetic3A_585 {strides = array<i32>} : memref<2x128xi32, #tpu.memory_space<vmem>>, vector<16xi32>,
        %shift_right_arithmetic3A_590 = arith.constant 6 : i32
        %shift_right_arithmetic3A_591 = vector.broadcast %shift_right_arithmetic3A_590 : i32 to vector<16xi32>
        %shift_right_arithmetic3A_592 = arith.shrsi %get3A_582, %shift_right_arithmetic3A_591 : vector<16xi32>
        %swap3A_593 = arith.constant 1 : i32
        %swap3A_594 = arith.index_cast %swap3A_593 : i32 to index
        %swap3A_595 = arith.constant 32 : index
        %swap3A_596 = tpu.vector_load %arg8[%swap3A_594, %swap3A_595] {strides = array<i32>} : memref<2x128xi32, #tpu.memory_space<vmem>>, vector<16xi32>,
        tpu.vector_store %arg8[%swap3A_594, %swap3A_595], %shift_right_arithmetic3A_592 {strides = array<i32>} : memref<2x128xi32, #tpu.memory_space<vmem>>, vector<16xi32>,
        %and3A_597 = arith.constant 2 : i32
        %and3A_598 = vector.broadcast %and3A_597 : i32 to vector<16xi32>
        %and3A_599 = arith.andi %get3A_582, %and3A_598 : vector<16xi32>
        %shift_left3A_600 = arith.constant 3 : i32
        %shift_left3A_601 = vector.broadcast %shift_left3A_600 : i32 to vector<16xi32>
        %shift_left3A_602 = arith.shli %and3A_599, %shift_left3A_601 : vector<16xi32>
        %and3A_603 = arith.constant 1 : i32
        %and3A_604 = vector.broadcast %and3A_603 : i32 to vector<16xi32>
        %and3A_605 = arith.andi %get3A_582, %and3A_604 : vector<16xi32>
        %shift_left3A_606 = arith.constant 2 : i32
        %shift_left3A_607 = vector.broadcast %shift_left3A_606 : i32 to vector<16xi32>
        %shift_left3A_608 = arith.shli %and3A_605, %shift_left3A_607 : vector<16xi32>
        %or3A_609 = arith.ori %shift_left3A_602, %shift_left3A_608 : vector<16xi32>
        %and3A_610 = arith.constant 32 : i32
        %and3A_611 = vector.broadcast %and3A_610 : i32 to vector<16xi32>
        %and3A_612 = arith.andi %get3A_582, %and3A_611 : vector<16xi32>
        %shift_left3A_613 = arith.constant 3 : i32
        %shift_left3A_614 = vector.broadcast %shift_left3A_613 : i32 to vector<16xi32>
        %shift_left3A_615 = arith.shli %and3A_612, %shift_left3A_614 : vector<16xi32>
        %or3A_616 = arith.ori %or3A_609, %shift_left3A_615 : vector<16xi32>
        %swap3A_617 = arith.constant 1 : i32
        %swap3A_618 = arith.index_cast %swap3A_617 : i32 to index
        %swap3A_619 = arith.constant 32 : index
        %swap3A_620 = tpu.vector_load %arg9[%swap3A_618, %swap3A_619] {strides = array<i32>} : memref<2x128xi32, #tpu.memory_space<vmem>>, vector<16xi32>,
        tpu.vector_store %arg9[%swap3A_618, %swap3A_619], %or3A_616 {strides = array<i32>} : memref<2x128xi32, #tpu.memory_space<vmem>>, vector<16xi32>,
        %mul3A_621 = arith.constant 128 : i32
        %mul3A_622 = arith.muli %add3A_380, %mul3A_621 : i32
        %add3A_623 = arith.constant 48 : i32
        %add3A_624 = arith.addi %mul3A_622, %add3A_623 : i32
        %get3A_625 = arith.index_cast %add3A_624 : i32 to index
        %get3A_626 = tpu.vector_load %arg6[%get3A_625] {strides = array<i32>} : memref<10240xi32, #tpu.memory_space<vmem>>, vector<16xi32>,
        %shift_right_arithmetic3A_627 = arith.constant 2 : i32
        %shift_right_arithmetic3A_628 = vector.broadcast %shift_right_arithmetic3A_627 : i32 to vector<16xi32>
        %shift_right_arithmetic3A_629 = arith.shrsi %get3A_626, %shift_right_arithmetic3A_628 : vector<16xi32>
        %swap3A_630 = arith.constant 1 : i32
        %swap3A_631 = arith.index_cast %swap3A_630 : i32 to index
        %swap3A_632 = arith.constant 48 : index
        %swap3A_633 = tpu.vector_load %arg7[%swap3A_631, %swap3A_632] {strides = array<i32>} : memref<2x128xi32, #tpu.memory_space<vmem>>, vector<16xi32>,
        tpu.vector_store %arg7[%swap3A_631, %swap3A_632], %shift_right_arithmetic3A_629 {strides = array<i32>} : memref<2x128xi32, #tpu.memory_space<vmem>>, vector<16xi32>,
        %shift_right_arithmetic3A_634 = arith.constant 6 : i32
        %shift_right_arithmetic3A_635 = vector.broadcast %shift_right_arithmetic3A_634 : i32 to vector<16xi32>
        %shift_right_arithmetic3A_636 = arith.shrsi %get3A_626, %shift_right_arithmetic3A_635 : vector<16xi32>
        %swap3A_637 = arith.constant 1 : i32
        %swap3A_638 = arith.index_cast %swap3A_637 : i32 to index
        %swap3A_639 = arith.constant 48 : index
        %swap3A_640 = tpu.vector_load %arg8[%swap3A_638, %swap3A_639] {strides = array<i32>} : memref<2x128xi32, #tpu.memory_space<vmem>>, vector<16xi32>,
        tpu.vector_store %arg8[%swap3A_638, %swap3A_639], %shift_right_arithmetic3A_636 {strides = array<i32>} : memref<2x128xi32, #tpu.memory_space<vmem>>, vector<16xi32>,
        %and3A_641 = arith.constant 2 : i32
        %and3A_642 = vector.broadcast %and3A_641 : i32 to vector<16xi32>
        %and3A_643 = arith.andi %get3A_626, %and3A_642 : vector<16xi32>
        %shift_left3A_644 = arith.constant 3 : i32
        %shift_left3A_645 = vector.broadcast %shift_left3A_644 : i32 to vector<16xi32>
        %shift_left3A_646 = arith.shli %and3A_643, %shift_left3A_645 : vector<16xi32>
        %and3A_647 = arith.constant 1 : i32
        %and3A_648 = vector.broadcast %and3A_647 : i32 to vector<16xi32>
        %and3A_649 = arith.andi %get3A_626, %and3A_648 : vector<16xi32>
        %shift_left3A_650 = arith.constant 2 : i32
        %shift_left3A_651 = vector.broadcast %shift_left3A_650 : i32 to vector<16xi32>
        %shift_left3A_652 = arith.shli %and3A_649, %shift_left3A_651 : vector<16xi32>
        %or3A_653 = arith.ori %shift_left3A_646, %shift_left3A_652 : vector<16xi32>
        %and3A_654 = arith.constant 32 : i32
        %and3A_655 = vector.broadcast %and3A_654 : i32 to vector<16xi32>
        %and3A_656 = arith.andi %get3A_626, %and3A_655 : vector<16xi32>
        %shift_left3A_657 = arith.constant 3 : i32
        %shift_left3A_658 = vector.broadcast %shift_left3A_657 : i32 to vector<16xi32>
        %shift_left3A_659 = arith.shli %and3A_656, %shift_left3A_658 : vector<16xi32>
        %or3A_660 = arith.ori %or3A_653, %shift_left3A_659 : vector<16xi32>
        %swap3A_661 = arith.constant 1 : i32
        %swap3A_662 = arith.index_cast %swap3A_661 : i32 to index
        %swap3A_663 = arith.constant 48 : index
        %swap3A_664 = tpu.vector_load %arg9[%swap3A_662, %swap3A_663] {strides = array<i32>} : memref<2x128xi32, #tpu.memory_space<vmem>>, vector<16xi32>,
        tpu.vector_store %arg9[%swap3A_662, %swap3A_663], %or3A_660 {strides = array<i32>} : memref<2x128xi32, #tpu.memory_space<vmem>>, vector<16xi32>,
        %mul3A_665 = arith.constant 128 : i32
        %mul3A_666 = arith.muli %add3A_380, %mul3A_665 : i32
        %add3A_667 = arith.constant 64 : i32
        %add3A_668 = arith.addi %mul3A_666, %add3A_667 : i32
        %get3A_669 = arith.index_cast %add3A_668 : i32 to index
        %get3A_670 = tpu.vector_load %arg6[%get3A_669] {strides = array<i32>} : memref<10240xi32, #tpu.memory_space<vmem>>, vector<16xi32>,
        %shift_right_arithmetic3A_671 = arith.constant 2 : i32
        %shift_right_arithmetic3A_672 = vector.broadcast %shift_right_arithmetic3A_671 : i32 to vector<16xi32>
        %shift_right_arithmetic3A_673 = arith.shrsi %get3A_670, %shift_right_arithmetic3A_672 : vector<16xi32>
        %swap3A_674 = arith.constant 1 : i32
        %swap3A_675 = arith.index_cast %swap3A_674 : i32 to index
        %swap3A_676 = arith.constant 64 : index
        %swap3A_677 = tpu.vector_load %arg7[%swap3A_675, %swap3A_676] {strides = array<i32>} : memref<2x128xi32, #tpu.memory_space<vmem>>, vector<16xi32>,
        tpu.vector_store %arg7[%swap3A_675, %swap3A_676], %shift_right_arithmetic3A_673 {strides = array<i32>} : memref<2x128xi32, #tpu.memory_space<vmem>>, vector<16xi32>,
        %shift_right_arithmetic3A_678 = arith.constant 6 : i32
        %shift_right_arithmetic3A_679 = vector.broadcast %shift_right_arithmetic3A_678 : i32 to vector<16xi32>
        %shift_right_arithmetic3A_680 = arith.shrsi %get3A_670, %shift_right_arithmetic3A_679 : vector<16xi32>
        %swap3A_681 = arith.constant 1 : i32
        %swap3A_682 = arith.index_cast %swap3A_681 : i32 to index
        %swap3A_683 = arith.constant 64 : index
        %swap3A_684 = tpu.vector_load %arg8[%swap3A_682, %swap3A_683] {strides = array<i32>} : memref<2x128xi32, #tpu.memory_space<vmem>>, vector<16xi32>,
        tpu.vector_store %arg8[%swap3A_682, %swap3A_683], %shift_right_arithmetic3A_680 {strides = array<i32>} : memref<2x128xi32, #tpu.memory_space<vmem>>, vector<16xi32>,
        %and3A_685 = arith.constant 2 : i32
        %and3A_686 = vector.broadcast %and3A_685 : i32 to vector<16xi32>
        %and3A_687 = arith.andi %get3A_670, %and3A_686 : vector<16xi32>
        %shift_left3A_688 = arith.constant 3 : i32
        %shift_left3A_689 = vector.broadcast %shift_left3A_688 : i32 to vector<16xi32>
        %shift_left3A_690 = arith.shli %and3A_687, %shift_left3A_689 : vector<16xi32>
        %and3A_691 = arith.constant 1 : i32
        %and3A_692 = vector.broadcast %and3A_691 : i32 to vector<16xi32>
        %and3A_693 = arith.andi %get3A_670, %and3A_692 : vector<16xi32>
        %shift_left3A_694 = arith.constant 2 : i32
        %shift_left3A_695 = vector.broadcast %shift_left3A_694 : i32 to vector<16xi32>
        %shift_left3A_696 = arith.shli %and3A_693, %shift_left3A_695 : vector<16xi32>
        %or3A_697 = arith.ori %shift_left3A_690, %shift_left3A_696 : vector<16xi32>
        %and3A_698 = arith.constant 32 : i32
        %and3A_699 = vector.broadcast %and3A_698 : i32 to vector<16xi32>
        %and3A_700 = arith.andi %get3A_670, %and3A_699 : vector<16xi32>
        %shift_left3A_701 = arith.constant 3 : i32
        %shift_left3A_702 = vector.broadcast %shift_left3A_701 : i32 to vector<16xi32>
        %shift_left3A_703 = arith.shli %and3A_700, %shift_left3A_702 : vector<16xi32>
        %or3A_704 = arith.ori %or3A_697, %shift_left3A_703 : vector<16xi32>
        %swap3A_705 = arith.constant 1 : i32
        %swap3A_706 = arith.index_cast %swap3A_705 : i32 to index
        %swap3A_707 = arith.constant 64 : index
        %swap3A_708 = tpu.vector_load %arg9[%swap3A_706, %swap3A_707] {strides = array<i32>} : memref<2x128xi32, #tpu.memory_space<vmem>>, vector<16xi32>,
        tpu.vector_store %arg9[%swap3A_706, %swap3A_707], %or3A_704 {strides = array<i32>} : memref<2x128xi32, #tpu.memory_space<vmem>>, vector<16xi32>,
        %mul3A_709 = arith.constant 128 : i32
        %mul3A_710 = arith.muli %add3A_380, %mul3A_709 : i32
        %add3A_711 = arith.constant 80 : i32
        %add3A_712 = arith.addi %mul3A_710, %add3A_711 : i32
        %get3A_713 = arith.index_cast %add3A_712 : i32 to index
        %get3A_714 = tpu.vector_load %arg6[%get3A_713] {strides = array<i32>} : memref<10240xi32, #tpu.memory_space<vmem>>, vector<16xi32>,
        %shift_right_arithmetic3A_715 = arith.constant 2 : i32
        %shift_right_arithmetic3A_716 = vector.broadcast %shift_right_arithmetic3A_715 : i32 to vector<16xi32>
        %shift_right_arithmetic3A_717 = arith.shrsi %get3A_714, %shift_right_arithmetic3A_716 : vector<16xi32>
        %swap3A_718 = arith.constant 1 : i32
        %swap3A_719 = arith.index_cast %swap3A_718 : i32 to index
        %swap3A_720 = arith.constant 80 : index
        %swap3A_721 = tpu.vector_load %arg7[%swap3A_719, %swap3A_720] {strides = array<i32>} : memref<2x128xi32, #tpu.memory_space<vmem>>, vector<16xi32>,
        tpu.vector_store %arg7[%swap3A_719, %swap3A_720], %shift_right_arithmetic3A_717 {strides = array<i32>} : memref<2x128xi32, #tpu.memory_space<vmem>>, vector<16xi32>,
        %shift_right_arithmetic3A_722 = arith.constant 6 : i32
        %shift_right_arithmetic3A_723 = vector.broadcast %shift_right_arithmetic3A_722 : i32 to vector<16xi32>
        %shift_right_arithmetic3A_724 = arith.shrsi %get3A_714, %shift_right_arithmetic3A_723 : vector<16xi32>
        %swap3A_725 = arith.constant 1 : i32
        %swap3A_726 = arith.index_cast %swap3A_725 : i32 to index
        %swap3A_727 = arith.constant 80 : index
        %swap3A_728 = tpu.vector_load %arg8[%swap3A_726, %swap3A_727] {strides = array<i32>} : memref<2x128xi32, #tpu.memory_space<vmem>>, vector<16xi32>,
        tpu.vector_store %arg8[%swap3A_726, %swap3A_727], %shift_right_arithmetic3A_724 {strides = array<i32>} : memref<2x128xi32, #tpu.memory_space<vmem>>, vector<16xi32>,
        %and3A_729 = arith.constant 2 : i32
        %and3A_730 = vector.broadcast %and3A_729 : i32 to vector<16xi32>
        %and3A_731 = arith.andi %get3A_714, %and3A_730 : vector<16xi32>
        %shift_left3A_732 = arith.constant 3 : i32
        %shift_left3A_733 = vector.broadcast %shift_left3A_732 : i32 to vector<16xi32>
        %shift_left3A_734 = arith.shli %and3A_731, %shift_left3A_733 : vector<16xi32>
        %and3A_735 = arith.constant 1 : i32
        %and3A_736 = vector.broadcast %and3A_735 : i32 to vector<16xi32>
        %and3A_737 = arith.andi %get3A_714, %and3A_736 : vector<16xi32>
        %shift_left3A_738 = arith.constant 2 : i32
        %shift_left3A_739 = vector.broadcast %shift_left3A_738 : i32 to vector<16xi32>
        %shift_left3A_740 = arith.shli %and3A_737, %shift_left3A_739 : vector<16xi32>
        %or3A_741 = arith.ori %shift_left3A_734, %shift_left3A_740 : vector<16xi32>
        %and3A_742 = arith.constant 32 : i32
        %and3A_743 = vector.broadcast %and3A_742 : i32 to vector<16xi32>
        %and3A_744 = arith.andi %get3A_714, %and3A_743 : vector<16xi32>
        %shift_left3A_745 = arith.constant 3 : i32
        %shift_left3A_746 = vector.broadcast %shift_left3A_745 : i32 to vector<16xi32>
        %shift_left3A_747 = arith.shli %and3A_744, %shift_left3A_746 : vector<16xi32>
        %or3A_748 = arith.ori %or3A_741, %shift_left3A_747 : vector<16xi32>
        %swap3A_749 = arith.constant 1 : i32
        %swap3A_750 = arith.index_cast %swap3A_749 : i32 to index
        %swap3A_751 = arith.constant 80 : index
        %swap3A_752 = tpu.vector_load %arg9[%swap3A_750, %swap3A_751] {strides = array<i32>} : memref<2x128xi32, #tpu.memory_space<vmem>>, vector<16xi32>,
        tpu.vector_store %arg9[%swap3A_750, %swap3A_751], %or3A_748 {strides = array<i32>} : memref<2x128xi32, #tpu.memory_space<vmem>>, vector<16xi32>,
        %mul3A_753 = arith.constant 128 : i32
        %mul3A_754 = arith.muli %add3A_380, %mul3A_753 : i32
        %add3A_755 = arith.constant 96 : i32
        %add3A_756 = arith.addi %mul3A_754, %add3A_755 : i32
        %get3A_757 = arith.index_cast %add3A_756 : i32 to index
        %get3A_758 = tpu.vector_load %arg6[%get3A_757] {strides = array<i32>} : memref<10240xi32, #tpu.memory_space<vmem>>, vector<16xi32>,
        %shift_right_arithmetic3A_759 = arith.constant 2 : i32
        %shift_right_arithmetic3A_760 = vector.broadcast %shift_right_arithmetic3A_759 : i32 to vector<16xi32>
        %shift_right_arithmetic3A_761 = arith.shrsi %get3A_758, %shift_right_arithmetic3A_760 : vector<16xi32>
        %swap3A_762 = arith.constant 1 : i32
        %swap3A_763 = arith.index_cast %swap3A_762 : i32 to index
        %swap3A_764 = arith.constant 96 : index
        %swap3A_765 = tpu.vector_load %arg7[%swap3A_763, %swap3A_764] {strides = array<i32>} : memref<2x128xi32, #tpu.memory_space<vmem>>, vector<16xi32>,
        tpu.vector_store %arg7[%swap3A_763, %swap3A_764], %shift_right_arithmetic3A_761 {strides = array<i32>} : memref<2x128xi32, #tpu.memory_space<vmem>>, vector<16xi32>,
        %shift_right_arithmetic3A_766 = arith.constant 6 : i32
        %shift_right_arithmetic3A_767 = vector.broadcast %shift_right_arithmetic3A_766 : i32 to vector<16xi32>
        %shift_right_arithmetic3A_768 = arith.shrsi %get3A_758, %shift_right_arithmetic3A_767 : vector<16xi32>
        %swap3A_769 = arith.constant 1 : i32
        %swap3A_770 = arith.index_cast %swap3A_769 : i32 to index
        %swap3A_771 = arith.constant 96 : index
        %swap3A_772 = tpu.vector_load %arg8[%swap3A_770, %swap3A_771] {strides = array<i32>} : memref<2x128xi32, #tpu.memory_space<vmem>>, vector<16xi32>,
        tpu.vector_store %arg8[%swap3A_770, %swap3A_771], %shift_right_arithmetic3A_768 {strides = array<i32>} : memref<2x128xi32, #tpu.memory_space<vmem>>, vector<16xi32>,
        %and3A_773 = arith.constant 2 : i32
        %and3A_774 = vector.broadcast %and3A_773 : i32 to vector<16xi32>
        %and3A_775 = arith.andi %get3A_758, %and3A_774 : vector<16xi32>
        %shift_left3A_776 = arith.constant 3 : i32
        %shift_left3A_777 = vector.broadcast %shift_left3A_776 : i32 to vector<16xi32>
        %shift_left3A_778 = arith.shli %and3A_775, %shift_left3A_777 : vector<16xi32>
        %and3A_779 = arith.constant 1 : i32
        %and3A_780 = vector.broadcast %and3A_779 : i32 to vector<16xi32>
        %and3A_781 = arith.andi %get3A_758, %and3A_780 : vector<16xi32>
        %shift_left3A_782 = arith.constant 2 : i32
        %shift_left3A_783 = vector.broadcast %shift_left3A_782 : i32 to vector<16xi32>
        %shift_left3A_784 = arith.shli %and3A_781, %shift_left3A_783 : vector<16xi32>
        %or3A_785 = arith.ori %shift_left3A_778, %shift_left3A_784 : vector<16xi32>
        %and3A_786 = arith.constant 32 : i32
        %and3A_787 = vector.broadcast %and3A_786 : i32 to vector<16xi32>
        %and3A_788 = arith.andi %get3A_758, %and3A_787 : vector<16xi32>
        %shift_left3A_789 = arith.constant 3 : i32
        %shift_left3A_790 = vector.broadcast %shift_left3A_789 : i32 to vector<16xi32>
        %shift_left3A_791 = arith.shli %and3A_788, %shift_left3A_790 : vector<16xi32>
        %or3A_792 = arith.ori %or3A_785, %shift_left3A_791 : vector<16xi32>
        %swap3A_793 = arith.constant 1 : i32
        %swap3A_794 = arith.index_cast %swap3A_793 : i32 to index
        %swap3A_795 = arith.constant 96 : index
        %swap3A_796 = tpu.vector_load %arg9[%swap3A_794, %swap3A_795] {strides = array<i32>} : memref<2x128xi32, #tpu.memory_space<vmem>>, vector<16xi32>,
        tpu.vector_store %arg9[%swap3A_794, %swap3A_795], %or3A_792 {strides = array<i32>} : memref<2x128xi32, #tpu.memory_space<vmem>>, vector<16xi32>,
        %mul3A_797 = arith.constant 128 : i32
        %mul3A_798 = arith.muli %add3A_380, %mul3A_797 : i32
        %add3A_799 = arith.constant 112 : i32
        %add3A_800 = arith.addi %mul3A_798, %add3A_799 : i32
        %get3A_801 = arith.index_cast %add3A_800 : i32 to index
        %get3A_802 = tpu.vector_load %arg6[%get3A_801] {strides = array<i32>} : memref<10240xi32, #tpu.memory_space<vmem>>, vector<16xi32>,
        %shift_right_arithmetic3A_803 = arith.constant 2 : i32
        %shift_right_arithmetic3A_804 = vector.broadcast %shift_right_arithmetic3A_803 : i32 to vector<16xi32>
        %shift_right_arithmetic3A_805 = arith.shrsi %get3A_802, %shift_right_arithmetic3A_804 : vector<16xi32>
        %swap3A_806 = arith.constant 1 : i32
        %swap3A_807 = arith.index_cast %swap3A_806 : i32 to index
        %swap3A_808 = arith.constant 112 : index
        %swap3A_809 = tpu.vector_load %arg7[%swap3A_807, %swap3A_808] {strides = array<i32>} : memref<2x128xi32, #tpu.memory_space<vmem>>, vector<16xi32>,
        tpu.vector_store %arg7[%swap3A_807, %swap3A_808], %shift_right_arithmetic3A_805 {strides = array<i32>} : memref<2x128xi32, #tpu.memory_space<vmem>>, vector<16xi32>,
        %shift_right_arithmetic3A_810 = arith.constant 6 : i32
        %shift_right_arithmetic3A_811 = vector.broadcast %shift_right_arithmetic3A_810 : i32 to vector<16xi32>
        %shift_right_arithmetic3A_812 = arith.shrsi %get3A_802, %shift_right_arithmetic3A_811 : vector<16xi32>
        %swap3A_813 = arith.constant 1 : i32
        %swap3A_814 = arith.index_cast %swap3A_813 : i32 to index
        %swap3A_815 = arith.constant 112 : index
        %swap3A_816 = tpu.vector_load %arg8[%swap3A_814, %swap3A_815] {strides = array<i32>} : memref<2x128xi32, #tpu.memory_space<vmem>>, vector<16xi32>,
        tpu.vector_store %arg8[%swap3A_814, %swap3A_815], %shift_right_arithmetic3A_812 {strides = array<i32>} : memref<2x128xi32, #tpu.memory_space<vmem>>, vector<16xi32>,
        %and3A_817 = arith.constant 2 : i32
        %and3A_818 = vector.broadcast %and3A_817 : i32 to vector<16xi32>
        %and3A_819 = arith.andi %get3A_802, %and3A_818 : vector<16xi32>
        %shift_left3A_820 = arith.constant 3 : i32
        %shift_left3A_821 = vector.broadcast %shift_left3A_820 : i32 to vector<16xi32>
        %shift_left3A_822 = arith.shli %and3A_819, %shift_left3A_821 : vector<16xi32>
        %and3A_823 = arith.constant 1 : i32
        %and3A_824 = vector.broadcast %and3A_823 : i32 to vector<16xi32>
        %and3A_825 = arith.andi %get3A_802, %and3A_824 : vector<16xi32>
        %shift_left3A_826 = arith.constant 2 : i32
        %shift_left3A_827 = vector.broadcast %shift_left3A_826 : i32 to vector<16xi32>
        %shift_left3A_828 = arith.shli %and3A_825, %shift_left3A_827 : vector<16xi32>
        %or3A_829 = arith.ori %shift_left3A_822, %shift_left3A_828 : vector<16xi32>
        %and3A_830 = arith.constant 32 : i32
        %and3A_831 = vector.broadcast %and3A_830 : i32 to vector<16xi32>
        %and3A_832 = arith.andi %get3A_802, %and3A_831 : vector<16xi32>
        %shift_left3A_833 = arith.constant 3 : i32
        %shift_left3A_834 = vector.broadcast %shift_left3A_833 : i32 to vector<16xi32>
        %shift_left3A_835 = arith.shli %and3A_832, %shift_left3A_834 : vector<16xi32>
        %or3A_836 = arith.ori %or3A_829, %shift_left3A_835 : vector<16xi32>
        %swap3A_837 = arith.constant 1 : i32
        %swap3A_838 = arith.index_cast %swap3A_837 : i32 to index
        %swap3A_839 = arith.constant 112 : index
        %swap3A_840 = tpu.vector_load %arg9[%swap3A_838, %swap3A_839] {strides = array<i32>} : memref<2x128xi32, #tpu.memory_space<vmem>>, vector<16xi32>,
        tpu.vector_store %arg9[%swap3A_838, %swap3A_839], %or3A_836 {strides = array<i32>} : memref<2x128xi32, #tpu.memory_space<vmem>>, vector<16xi32>,
        %dma_start3A_841 = arith.constant 1 : i32
        %dma_start3A_842 = arith.constant 1 : i32
        %dma_start3A_843 = arith.constant 0 : i32
        %dma_start3A_844 = arith.constant 0 : i32
        %dma_start3A_845 = tpu.memref_slice %arg10[%dma_start3A_842, %dma_start3A_843, %dma_start3A_844] : memref<2x128x128xi32, #tpu.memory_space<vmem>> -> memref<1x128x128xi32, #tpu.memory_space<vmem>>
        %dma_start3A_846 = tpu.memref_squeeze %dma_start3A_845 : memref<1x128x128xi32, #tpu.memory_space<vmem>> -> memref<128x128xi32, #tpu.memory_space<vmem>>
        %dma_start3A_847 = arith.constant 0 : i32
        %dma_start3A_848 = tpu.memref_slice %arg7[%dma_start3A_841, %dma_start3A_847] : memref<2x128xi32, #tpu.memory_space<vmem>> -> memref<1x128xi32, #tpu.memory_space<vmem>>
        %dma_start3A_849 = tpu.memref_squeeze %dma_start3A_848 : memref<1x128xi32, #tpu.memory_space<vmem>> -> memref<128xi32, #tpu.memory_space<vmem>>
        %dma_start3A_850 = arith.constant 0 : i32
        %dma_start3A_851 = arith.constant 0 : i32
        %dma_start3A_852 = tpu.memref_slice %arg3[%dma_start3A_850, %dma_start3A_851] : memref<250000x128xi32, #tpu.memory_space<hbm>> -> memref<250000x128xi32, #tpu.memory_space<hbm>>
        tpu.enqueue_indirect_dma source(%dma_start3A_852 : memref<250000x128xi32, #tpu.memory_space<hbm>>) target(%dma_start3A_846 : memref<128x128xi32, #tpu.memory_space<vmem>>) offsets(%dma_start3A_849 : memref<128xi32, #tpu.memory_space<vmem>>) semaphore(%arg15 : memref<!tpu.dma_semaphore, #tpu.memory_space<semaphore_mem>>)
        %dma_start3A_853 = arith.constant 1 : i32
        %dma_start3A_854 = arith.constant 1 : i32
        %dma_start3A_855 = arith.constant 0 : i32
        %dma_start3A_856 = arith.constant 0 : i32
        %dma_start3A_857 = tpu.memref_slice %arg11[%dma_start3A_854, %dma_start3A_855, %dma_start3A_856] : memref<2x128x128xi32, #tpu.memory_space<vmem>> -> memref<1x128x128xi32, #tpu.memory_space<vmem>>
        %dma_start3A_858 = tpu.memref_squeeze %dma_start3A_857 : memref<1x128x128xi32, #tpu.memory_space<vmem>> -> memref<128x128xi32, #tpu.memory_space<vmem>>
        %dma_start3A_859 = arith.constant 0 : i32
        %dma_start3A_860 = tpu.memref_slice %arg8[%dma_start3A_853, %dma_start3A_859] : memref<2x128xi32, #tpu.memory_space<vmem>> -> memref<1x128xi32, #tpu.memory_space<vmem>>
        %dma_start3A_861 = tpu.memref_squeeze %dma_start3A_860 : memref<1x128xi32, #tpu.memory_space<vmem>> -> memref<128xi32, #tpu.memory_space<vmem>>
        %dma_start3A_862 = arith.constant 0 : i32
        %dma_start3A_863 = arith.constant 0 : i32
        %dma_start3A_864 = tpu.memref_slice %arg4[%dma_start3A_862, %dma_start3A_863] : memref<15625x128xi32, #tpu.memory_space<hbm>> -> memref<15625x128xi32, #tpu.memory_space<hbm>>
        tpu.enqueue_indirect_dma source(%dma_start3A_864 : memref<15625x128xi32, #tpu.memory_space<hbm>>) target(%dma_start3A_858 : memref<128x128xi32, #tpu.memory_space<vmem>>) offsets(%dma_start3A_861 : memref<128xi32, #tpu.memory_space<vmem>>) semaphore(%arg16 : memref<!tpu.dma_semaphore, #tpu.memory_space<semaphore_mem>>)
      } else {
      }
      %dma_wait3A_383 = arith.constant 0 : i32
      %dma_wait3A_384 = arith.constant 0 : i32
      %dma_wait3A_385 = arith.constant 0 : i32
      %dma_wait3A_386 = arith.constant 0 : i32
      %dma_wait3A_387 = tpu.memref_slice %arg10[%dma_wait3A_384, %dma_wait3A_385, %dma_wait3A_386] : memref<2x128x128xi32, #tpu.memory_space<vmem>> -> memref<1x128x128xi32, #tpu.memory_space<vmem>>
      %dma_wait3A_388 = tpu.memref_squeeze %dma_wait3A_387 : memref<1x128x128xi32, #tpu.memory_space<vmem>> -> memref<128x128xi32, #tpu.memory_space<vmem>>
      %dma_wait3A_389 = arith.constant 0 : i32
      %dma_wait3A_390 = tpu.memref_slice %arg7[%dma_wait3A_383, %dma_wait3A_389] : memref<2x128xi32, #tpu.memory_space<vmem>> -> memref<1x128xi32, #tpu.memory_space<vmem>>
      %dma_wait3A_391 = tpu.memref_squeeze %dma_wait3A_390 : memref<1x128xi32, #tpu.memory_space<vmem>> -> memref<128xi32, #tpu.memory_space<vmem>>
      %dma_wait3A_392 = arith.constant 0 : i32
      %dma_wait3A_393 = arith.constant 0 : i32
      %dma_wait3A_394 = tpu.memref_slice %arg3[%dma_wait3A_392, %dma_wait3A_393] : memref<250000x128xi32, #tpu.memory_space<hbm>> -> memref<250000x128xi32, #tpu.memory_space<hbm>>
      tpu.wait_indirect_dma semaphore(%arg13 : memref<!tpu.dma_semaphore, #tpu.memory_space<semaphore_mem>>) src(%dma_wait3A_394 : memref<250000x128xi32, #tpu.memory_space<hbm>>) dst(%dma_wait3A_388 : memref<128x128xi32, #tpu.memory_space<vmem>>)
      %dma_wait3A_395 = arith.constant 0 : i32
      %dma_wait3A_396 = arith.constant 0 : i32
      %dma_wait3A_397 = arith.constant 0 : i32
      %dma_wait3A_398 = arith.constant 0 : i32
      %dma_wait3A_399 = tpu.memref_slice %arg11[%dma_wait3A_396, %dma_wait3A_397, %dma_wait3A_398] : memref<2x128x128xi32, #tpu.memory_space<vmem>> -> memref<1x128x128xi32, #tpu.memory_space<vmem>>
      %dma_wait3A_400 = tpu.memref_squeeze %dma_wait3A_399 : memref<1x128x128xi32, #tpu.memory_space<vmem>> -> memref<128x128xi32, #tpu.memory_space<vmem>>
      %dma_wait3A_401 = arith.constant 0 : i32
      %dma_wait3A_402 = tpu.memref_slice %arg8[%dma_wait3A_395, %dma_wait3A_401] : memref<2x128xi32, #tpu.memory_space<vmem>> -> memref<1x128xi32, #tpu.memory_space<vmem>>
      %dma_wait3A_403 = tpu.memref_squeeze %dma_wait3A_402 : memref<1x128xi32, #tpu.memory_space<vmem>> -> memref<128xi32, #tpu.memory_space<vmem>>
      %dma_wait3A_404 = arith.constant 0 : i32
      %dma_wait3A_405 = arith.constant 0 : i32
      %dma_wait3A_406 = tpu.memref_slice %arg4[%dma_wait3A_404, %dma_wait3A_405] : memref<15625x128xi32, #tpu.memory_space<hbm>> -> memref<15625x128xi32, #tpu.memory_space<hbm>>
      tpu.wait_indirect_dma semaphore(%arg14 : memref<!tpu.dma_semaphore, #tpu.memory_space<semaphore_mem>>) src(%dma_wait3A_406 : memref<15625x128xi32, #tpu.memory_space<hbm>>) dst(%dma_wait3A_400 : memref<128x128xi32, #tpu.memory_space<vmem>>)
      %gt3A = arith.constant 0 : i32
      %gt3A_407 = arith.cmpi sgt, %scan3A_375, %gt3A : i32
      %convert_element_type3A_408 = arith.extui %gt3A_407 : i1 to i32
      %cond3A_409 = arith.constant 0 : i32
      %cond3A_410 = arith.cmpi ne, %convert_element_type3A_408, %cond3A_409 : i32
      scf.if %cond3A_410 {
        %dma_wait3A_489 = arith.constant 0 : i32
        %dma_wait3A_490 = arith.constant 0 : i32
        %dma_wait3A_491 = arith.constant 0 : i32
        %dma_wait3A_492 = tpu.memref_slice %arg12[%dma_wait3A_489, %dma_wait3A_490, %dma_wait3A_491] : memref<2x128x128xf32, #tpu.memory_space<vmem>> -> memref<1x128x128xf32, #tpu.memory_space<vmem>>
        %dma_wait3A_493 = tpu.memref_squeeze %dma_wait3A_492 : memref<1x128x128xf32, #tpu.memory_space<vmem>> -> memref<128x128xf32, #tpu.memory_space<vmem>>
        %dma_wait3A_494 = arith.constant 0 : i32
        %dma_wait3A_495 = arith.constant 0 : i32
        %dma_wait3A_496 = tpu.memref_slice %arg5[%dma_wait3A_494, %dma_wait3A_495] : memref<327680x128xf32, #tpu.memory_space<hbm>> -> memref<128x128xf32, #tpu.memory_space<hbm>>
        %dma_wait3A_497 = arith.constant 0 : i32
        %dma_wait3A_498 = arith.constant 0 : i32
        %dma_wait3A_499 = tpu.memref_slice %arg5[%dma_wait3A_497, %dma_wait3A_498] : memref<327680x128xf32, #tpu.memory_space<hbm>> -> memref<128x128xf32, #tpu.memory_space<hbm>>
        %dma_wait3A_500 = arith.constant 0 : i32
        %dma_wait3A_501 = arith.constant 0 : i32
        %dma_wait3A_502 = tpu.memref_slice %arg12[%dma_wait3A_489, %dma_wait3A_500, %dma_wait3A_501] : memref<2x128x128xf32, #tpu.memory_space<vmem>> -> memref<1x128x128xf32, #tpu.memory_space<vmem>>
        %dma_wait3A_503 = tpu.memref_squeeze %dma_wait3A_502 : memref<1x128x128xf32, #tpu.memory_space<vmem>> -> memref<128x128xf32, #tpu.memory_space<vmem>>
        tpu.wait_dma2 semaphore(%arg17 : memref<!tpu.dma_semaphore, #tpu.memory_space<semaphore_mem>>) src(%dma_wait3A_503 : memref<128x128xf32, #tpu.memory_space<vmem>>) dst(%dma_wait3A_499 : memref<128x128xf32, #tpu.memory_space<hbm>>)
      } else {
      }
      %parallel_loop3A = arith.constant 0 : i32
      %parallel_loop3A_411 = arith.constant 128 : i32
      %parallel_loop3A_412 = arith.constant 1 : i32
      scf.for %parallel_loop3A_489 = %parallel_loop3A to %parallel_loop3A_411 step %parallel_loop3A_412  : i32 {
        %parallel_loop3A_490 = vector.broadcast %parallel_loop3A_489 : i32 to vector<16xi32>
        %parallel_loop3A_491 = arith.constant 0 : i32
        %parallel_loop3A_492 = arith.constant 0 : i32
        %parallel_loop3A_493 = tpu.memref_slice %arg9[%parallel_loop3A_491, %parallel_loop3A_492] : memref<2x128xi32, #tpu.memory_space<vmem>> -> memref<1x128xi32, #tpu.memory_space<vmem>>
        %parallel_loop3A_494 = tpu.memref_squeeze %parallel_loop3A_493 : memref<1x128xi32, #tpu.memory_space<vmem>> -> memref<128xi32, #tpu.memory_space<vmem>>
        %parallel_loop3A_495 = tpu.vector_load_idx %parallel_loop3A_494[%parallel_loop3A_490] : memref<128xi32, #tpu.memory_space<vmem>>[vector<16xi32>], vector<16xi32>,
        %parallel_loop3A_496 = arith.constant 31 : i32
        %parallel_loop3A_497 = vector.broadcast %parallel_loop3A_496 : i32 to vector<16xi32>
        %parallel_loop3A_498 = arith.andi %parallel_loop3A_495, %parallel_loop3A_497 : vector<16xi32>
        %parallel_loop3A_499 = arith.constant 4 : i32
        %parallel_loop3A_500 = vector.broadcast %parallel_loop3A_499 : i32 to vector<16xi32>
        %parallel_loop3A_501 = arith.shrsi %parallel_loop3A_495, %parallel_loop3A_500 : vector<16xi32>
        %parallel_loop3A_502 = arith.constant 16 : i32
        %parallel_loop3A_503 = vector.broadcast %parallel_loop3A_502 : i32 to vector<16xi32>
        %parallel_loop3A_504 = arith.andi %parallel_loop3A_501, %parallel_loop3A_503 : vector<16xi32>
        %parallel_loop3A_505 = arith.constant 0 : i32
        %parallel_loop3A_506 = arith.index_cast %parallel_loop3A_505 : i32 to index
        %parallel_loop3A_507 = arith.index_cast %parallel_loop3A_489 : i32 to index
        %parallel_loop3A_508 = arith.constant 0 : index
        %parallel_loop3A_509 = tpu.vector_load %arg10[%parallel_loop3A_506, %parallel_loop3A_507, %parallel_loop3A_508] {strides = array<i32>} : memref<2x128x128xi32, #tpu.memory_space<vmem>>, vector<16xi32>,
        %parallel_loop3A_510 = arith.shrsi %parallel_loop3A_509, %parallel_loop3A_498 : vector<16xi32>
        %parallel_loop3A_511 = arith.constant 15 : i32
        %parallel_loop3A_512 = vector.broadcast %parallel_loop3A_511 : i32 to vector<16xi32>
        %parallel_loop3A_513 = arith.andi %parallel_loop3A_510, %parallel_loop3A_512 : vector<16xi32>
        %parallel_loop3A_514 = arith.sitofp %parallel_loop3A_513 : vector<16xi32> to vector<16xf32>
        %parallel_loop3A_515 = arith.constant 8.000000e+00 : f32
        %parallel_loop3A_516 = vector.broadcast %parallel_loop3A_515 : f32 to vector<16xf32>
        %parallel_loop3A_517 = arith.subf %parallel_loop3A_514, %parallel_loop3A_516 : vector<16xf32>
        %parallel_loop3A_518 = arith.constant 0 : i32
        %parallel_loop3A_519 = arith.index_cast %parallel_loop3A_518 : i32 to index
        %parallel_loop3A_520 = arith.index_cast %parallel_loop3A_489 : i32 to index
        %parallel_loop3A_521 = arith.constant 0 : index
        %parallel_loop3A_522 = tpu.vector_load %arg11[%parallel_loop3A_519, %parallel_loop3A_520, %parallel_loop3A_521] {strides = array<i32>} : memref<2x128x128xi32, #tpu.memory_space<vmem>>, vector<16xi32>,
        %parallel_loop3A_523 = arith.shrsi %parallel_loop3A_522, %parallel_loop3A_504 : vector<16xi32>
        %parallel_loop3A_524 = arith.constant 16 : i32
        %parallel_loop3A_525 = vector.broadcast %parallel_loop3A_524 : i32 to vector<16xi32>
        %parallel_loop3A_526 = arith.shli %parallel_loop3A_523, %parallel_loop3A_525 : vector<16xi32>
        %parallel_loop3A_527 = vector.bitcast %parallel_loop3A_526 : vector<16xi32> to vector<16xf32>
        %parallel_loop3A_528 = arith.mulf %parallel_loop3A_517, %parallel_loop3A_527 : vector<16xf32>
        %parallel_loop3A_529 = arith.constant 0 : i32
        %parallel_loop3A_530 = arith.index_cast %parallel_loop3A_529 : i32 to index
        %parallel_loop3A_531 = arith.index_cast %parallel_loop3A_489 : i32 to index
        %parallel_loop3A_532 = arith.constant 0 : index
        %parallel_loop3A_533 = tpu.vector_load %arg12[%parallel_loop3A_530, %parallel_loop3A_531, %parallel_loop3A_532] {strides = array<i32>} : memref<2x128x128xf32, #tpu.memory_space<vmem>>, vector<16xf32>,
        tpu.vector_store %arg12[%parallel_loop3A_530, %parallel_loop3A_531, %parallel_loop3A_532], %parallel_loop3A_528 {strides = array<i32>} : memref<2x128x128xf32, #tpu.memory_space<vmem>>, vector<16xf32>,
        %parallel_loop3A_534 = arith.constant 0 : i32
        %parallel_loop3A_535 = arith.index_cast %parallel_loop3A_534 : i32 to index
        %parallel_loop3A_536 = arith.index_cast %parallel_loop3A_489 : i32 to index
        %parallel_loop3A_537 = arith.constant 16 : index
        %parallel_loop3A_538 = tpu.vector_load %arg10[%parallel_loop3A_535, %parallel_loop3A_536, %parallel_loop3A_537] {strides = array<i32>} : memref<2x128x128xi32, #tpu.memory_space<vmem>>, vector<16xi32>,
        %parallel_loop3A_539 = arith.shrsi %parallel_loop3A_538, %parallel_loop3A_498 : vector<16xi32>
        %parallel_loop3A_540 = arith.constant 15 : i32
        %parallel_loop3A_541 = vector.broadcast %parallel_loop3A_540 : i32 to vector<16xi32>
        %parallel_loop3A_542 = arith.andi %parallel_loop3A_539, %parallel_loop3A_541 : vector<16xi32>
        %parallel_loop3A_543 = arith.sitofp %parallel_loop3A_542 : vector<16xi32> to vector<16xf32>
        %parallel_loop3A_544 = arith.constant 8.000000e+00 : f32
        %parallel_loop3A_545 = vector.broadcast %parallel_loop3A_544 : f32 to vector<16xf32>
        %parallel_loop3A_546 = arith.subf %parallel_loop3A_543, %parallel_loop3A_545 : vector<16xf32>
        %parallel_loop3A_547 = arith.constant 0 : i32
        %parallel_loop3A_548 = arith.index_cast %parallel_loop3A_547 : i32 to index
        %parallel_loop3A_549 = arith.index_cast %parallel_loop3A_489 : i32 to index
        %parallel_loop3A_550 = arith.constant 16 : index
        %parallel_loop3A_551 = tpu.vector_load %arg11[%parallel_loop3A_548, %parallel_loop3A_549, %parallel_loop3A_550] {strides = array<i32>} : memref<2x128x128xi32, #tpu.memory_space<vmem>>, vector<16xi32>,
        %parallel_loop3A_552 = arith.shrsi %parallel_loop3A_551, %parallel_loop3A_504 : vector<16xi32>
        %parallel_loop3A_553 = arith.constant 16 : i32
        %parallel_loop3A_554 = vector.broadcast %parallel_loop3A_553 : i32 to vector<16xi32>
        %parallel_loop3A_555 = arith.shli %parallel_loop3A_552, %parallel_loop3A_554 : vector<16xi32>
        %parallel_loop3A_556 = vector.bitcast %parallel_loop3A_555 : vector<16xi32> to vector<16xf32>
        %parallel_loop3A_557 = arith.mulf %parallel_loop3A_546, %parallel_loop3A_556 : vector<16xf32>
        %parallel_loop3A_558 = arith.constant 0 : i32
        %parallel_loop3A_559 = arith.index_cast %parallel_loop3A_558 : i32 to index
        %parallel_loop3A_560 = arith.index_cast %parallel_loop3A_489 : i32 to index
        %parallel_loop3A_561 = arith.constant 16 : index
        %parallel_loop3A_562 = tpu.vector_load %arg12[%parallel_loop3A_559, %parallel_loop3A_560, %parallel_loop3A_561] {strides = array<i32>} : memref<2x128x128xf32, #tpu.memory_space<vmem>>, vector<16xf32>,
        tpu.vector_store %arg12[%parallel_loop3A_559, %parallel_loop3A_560, %parallel_loop3A_561], %parallel_loop3A_557 {strides = array<i32>} : memref<2x128x128xf32, #tpu.memory_space<vmem>>, vector<16xf32>,
        %parallel_loop3A_563 = arith.constant 0 : i32
        %parallel_loop3A_564 = arith.index_cast %parallel_loop3A_563 : i32 to index
        %parallel_loop3A_565 = arith.index_cast %parallel_loop3A_489 : i32 to index
        %parallel_loop3A_566 = arith.constant 32 : index
        %parallel_loop3A_567 = tpu.vector_load %arg10[%parallel_loop3A_564, %parallel_loop3A_565, %parallel_loop3A_566] {strides = array<i32>} : memref<2x128x128xi32, #tpu.memory_space<vmem>>, vector<16xi32>,
        %parallel_loop3A_568 = arith.shrsi %parallel_loop3A_567, %parallel_loop3A_498 : vector<16xi32>
        %parallel_loop3A_569 = arith.constant 15 : i32
        %parallel_loop3A_570 = vector.broadcast %parallel_loop3A_569 : i32 to vector<16xi32>
        %parallel_loop3A_571 = arith.andi %parallel_loop3A_568, %parallel_loop3A_570 : vector<16xi32>
        %parallel_loop3A_572 = arith.sitofp %parallel_loop3A_571 : vector<16xi32> to vector<16xf32>
        %parallel_loop3A_573 = arith.constant 8.000000e+00 : f32
        %parallel_loop3A_574 = vector.broadcast %parallel_loop3A_573 : f32 to vector<16xf32>
        %parallel_loop3A_575 = arith.subf %parallel_loop3A_572, %parallel_loop3A_574 : vector<16xf32>
        %parallel_loop3A_576 = arith.constant 0 : i32
        %parallel_loop3A_577 = arith.index_cast %parallel_loop3A_576 : i32 to index
        %parallel_loop3A_578 = arith.index_cast %parallel_loop3A_489 : i32 to index
        %parallel_loop3A_579 = arith.constant 32 : index
        %parallel_loop3A_580 = tpu.vector_load %arg11[%parallel_loop3A_577, %parallel_loop3A_578, %parallel_loop3A_579] {strides = array<i32>} : memref<2x128x128xi32, #tpu.memory_space<vmem>>, vector<16xi32>,
        %parallel_loop3A_581 = arith.shrsi %parallel_loop3A_580, %parallel_loop3A_504 : vector<16xi32>
        %parallel_loop3A_582 = arith.constant 16 : i32
        %parallel_loop3A_583 = vector.broadcast %parallel_loop3A_582 : i32 to vector<16xi32>
        %parallel_loop3A_584 = arith.shli %parallel_loop3A_581, %parallel_loop3A_583 : vector<16xi32>
        %parallel_loop3A_585 = vector.bitcast %parallel_loop3A_584 : vector<16xi32> to vector<16xf32>
        %parallel_loop3A_586 = arith.mulf %parallel_loop3A_575, %parallel_loop3A_585 : vector<16xf32>
        %parallel_loop3A_587 = arith.constant 0 : i32
        %parallel_loop3A_588 = arith.index_cast %parallel_loop3A_587 : i32 to index
        %parallel_loop3A_589 = arith.index_cast %parallel_loop3A_489 : i32 to index
        %parallel_loop3A_590 = arith.constant 32 : index
        %parallel_loop3A_591 = tpu.vector_load %arg12[%parallel_loop3A_588, %parallel_loop3A_589, %parallel_loop3A_590] {strides = array<i32>} : memref<2x128x128xf32, #tpu.memory_space<vmem>>, vector<16xf32>,
        tpu.vector_store %arg12[%parallel_loop3A_588, %parallel_loop3A_589, %parallel_loop3A_590], %parallel_loop3A_586 {strides = array<i32>} : memref<2x128x128xf32, #tpu.memory_space<vmem>>, vector<16xf32>,
        %parallel_loop3A_592 = arith.constant 0 : i32
        %parallel_loop3A_593 = arith.index_cast %parallel_loop3A_592 : i32 to index
        %parallel_loop3A_594 = arith.index_cast %parallel_loop3A_489 : i32 to index
        %parallel_loop3A_595 = arith.constant 48 : index
        %parallel_loop3A_596 = tpu.vector_load %arg10[%parallel_loop3A_593, %parallel_loop3A_594, %parallel_loop3A_595] {strides = array<i32>} : memref<2x128x128xi32, #tpu.memory_space<vmem>>, vector<16xi32>,
        %parallel_loop3A_597 = arith.shrsi %parallel_loop3A_596, %parallel_loop3A_498 : vector<16xi32>
        %parallel_loop3A_598 = arith.constant 15 : i32
        %parallel_loop3A_599 = vector.broadcast %parallel_loop3A_598 : i32 to vector<16xi32>
        %parallel_loop3A_600 = arith.andi %parallel_loop3A_597, %parallel_loop3A_599 : vector<16xi32>
        %parallel_loop3A_601 = arith.sitofp %parallel_loop3A_600 : vector<16xi32> to vector<16xf32>
        %parallel_loop3A_602 = arith.constant 8.000000e+00 : f32
        %parallel_loop3A_603 = vector.broadcast %parallel_loop3A_602 : f32 to vector<16xf32>
        %parallel_loop3A_604 = arith.subf %parallel_loop3A_601, %parallel_loop3A_603 : vector<16xf32>
        %parallel_loop3A_605 = arith.constant 0 : i32
        %parallel_loop3A_606 = arith.index_cast %parallel_loop3A_605 : i32 to index
        %parallel_loop3A_607 = arith.index_cast %parallel_loop3A_489 : i32 to index
        %parallel_loop3A_608 = arith.constant 48 : index
        %parallel_loop3A_609 = tpu.vector_load %arg11[%parallel_loop3A_606, %parallel_loop3A_607, %parallel_loop3A_608] {strides = array<i32>} : memref<2x128x128xi32, #tpu.memory_space<vmem>>, vector<16xi32>,
        %parallel_loop3A_610 = arith.shrsi %parallel_loop3A_609, %parallel_loop3A_504 : vector<16xi32>
        %parallel_loop3A_611 = arith.constant 16 : i32
        %parallel_loop3A_612 = vector.broadcast %parallel_loop3A_611 : i32 to vector<16xi32>
        %parallel_loop3A_613 = arith.shli %parallel_loop3A_610, %parallel_loop3A_612 : vector<16xi32>
        %parallel_loop3A_614 = vector.bitcast %parallel_loop3A_613 : vector<16xi32> to vector<16xf32>
        %parallel_loop3A_615 = arith.mulf %parallel_loop3A_604, %parallel_loop3A_614 : vector<16xf32>
        %parallel_loop3A_616 = arith.constant 0 : i32
        %parallel_loop3A_617 = arith.index_cast %parallel_loop3A_616 : i32 to index
        %parallel_loop3A_618 = arith.index_cast %parallel_loop3A_489 : i32 to index
        %parallel_loop3A_619 = arith.constant 48 : index
        %parallel_loop3A_620 = tpu.vector_load %arg12[%parallel_loop3A_617, %parallel_loop3A_618, %parallel_loop3A_619] {strides = array<i32>} : memref<2x128x128xf32, #tpu.memory_space<vmem>>, vector<16xf32>,
        tpu.vector_store %arg12[%parallel_loop3A_617, %parallel_loop3A_618, %parallel_loop3A_619], %parallel_loop3A_615 {strides = array<i32>} : memref<2x128x128xf32, #tpu.memory_space<vmem>>, vector<16xf32>,
        %parallel_loop3A_621 = arith.constant 0 : i32
        %parallel_loop3A_622 = arith.index_cast %parallel_loop3A_621 : i32 to index
        %parallel_loop3A_623 = arith.index_cast %parallel_loop3A_489 : i32 to index
        %parallel_loop3A_624 = arith.constant 64 : index
        %parallel_loop3A_625 = tpu.vector_load %arg10[%parallel_loop3A_622, %parallel_loop3A_623, %parallel_loop3A_624] {strides = array<i32>} : memref<2x128x128xi32, #tpu.memory_space<vmem>>, vector<16xi32>,
        %parallel_loop3A_626 = arith.shrsi %parallel_loop3A_625, %parallel_loop3A_498 : vector<16xi32>
        %parallel_loop3A_627 = arith.constant 15 : i32
        %parallel_loop3A_628 = vector.broadcast %parallel_loop3A_627 : i32 to vector<16xi32>
        %parallel_loop3A_629 = arith.andi %parallel_loop3A_626, %parallel_loop3A_628 : vector<16xi32>
        %parallel_loop3A_630 = arith.sitofp %parallel_loop3A_629 : vector<16xi32> to vector<16xf32>
        %parallel_loop3A_631 = arith.constant 8.000000e+00 : f32
        %parallel_loop3A_632 = vector.broadcast %parallel_loop3A_631 : f32 to vector<16xf32>
        %parallel_loop3A_633 = arith.subf %parallel_loop3A_630, %parallel_loop3A_632 : vector<16xf32>
        %parallel_loop3A_634 = arith.constant 0 : i32
        %parallel_loop3A_635 = arith.index_cast %parallel_loop3A_634 : i32 to index
        %parallel_loop3A_636 = arith.index_cast %parallel_loop3A_489 : i32 to index
        %parallel_loop3A_637 = arith.constant 64 : index
        %parallel_loop3A_638 = tpu.vector_load %arg11[%parallel_loop3A_635, %parallel_loop3A_636, %parallel_loop3A_637] {strides = array<i32>} : memref<2x128x128xi32, #tpu.memory_space<vmem>>, vector<16xi32>,
        %parallel_loop3A_639 = arith.shrsi %parallel_loop3A_638, %parallel_loop3A_504 : vector<16xi32>
        %parallel_loop3A_640 = arith.constant 16 : i32
        %parallel_loop3A_641 = vector.broadcast %parallel_loop3A_640 : i32 to vector<16xi32>
        %parallel_loop3A_642 = arith.shli %parallel_loop3A_639, %parallel_loop3A_641 : vector<16xi32>
        %parallel_loop3A_643 = vector.bitcast %parallel_loop3A_642 : vector<16xi32> to vector<16xf32>
        %parallel_loop3A_644 = arith.mulf %parallel_loop3A_633, %parallel_loop3A_643 : vector<16xf32>
        %parallel_loop3A_645 = arith.constant 0 : i32
        %parallel_loop3A_646 = arith.index_cast %parallel_loop3A_645 : i32 to index
        %parallel_loop3A_647 = arith.index_cast %parallel_loop3A_489 : i32 to index
        %parallel_loop3A_648 = arith.constant 64 : index
        %parallel_loop3A_649 = tpu.vector_load %arg12[%parallel_loop3A_646, %parallel_loop3A_647, %parallel_loop3A_648] {strides = array<i32>} : memref<2x128x128xf32, #tpu.memory_space<vmem>>, vector<16xf32>,
        tpu.vector_store %arg12[%parallel_loop3A_646, %parallel_loop3A_647, %parallel_loop3A_648], %parallel_loop3A_644 {strides = array<i32>} : memref<2x128x128xf32, #tpu.memory_space<vmem>>, vector<16xf32>,
        %parallel_loop3A_650 = arith.constant 0 : i32
        %parallel_loop3A_651 = arith.index_cast %parallel_loop3A_650 : i32 to index
        %parallel_loop3A_652 = arith.index_cast %parallel_loop3A_489 : i32 to index
        %parallel_loop3A_653 = arith.constant 80 : index
        %parallel_loop3A_654 = tpu.vector_load %arg10[%parallel_loop3A_651, %parallel_loop3A_652, %parallel_loop3A_653] {strides = array<i32>} : memref<2x128x128xi32, #tpu.memory_space<vmem>>, vector<16xi32>,
        %parallel_loop3A_655 = arith.shrsi %parallel_loop3A_654, %parallel_loop3A_498 : vector<16xi32>
        %parallel_loop3A_656 = arith.constant 15 : i32
        %parallel_loop3A_657 = vector.broadcast %parallel_loop3A_656 : i32 to vector<16xi32>
        %parallel_loop3A_658 = arith.andi %parallel_loop3A_655, %parallel_loop3A_657 : vector<16xi32>
        %parallel_loop3A_659 = arith.sitofp %parallel_loop3A_658 : vector<16xi32> to vector<16xf32>
        %parallel_loop3A_660 = arith.constant 8.000000e+00 : f32
        %parallel_loop3A_661 = vector.broadcast %parallel_loop3A_660 : f32 to vector<16xf32>
        %parallel_loop3A_662 = arith.subf %parallel_loop3A_659, %parallel_loop3A_661 : vector<16xf32>
        %parallel_loop3A_663 = arith.constant 0 : i32
        %parallel_loop3A_664 = arith.index_cast %parallel_loop3A_663 : i32 to index
        %parallel_loop3A_665 = arith.index_cast %parallel_loop3A_489 : i32 to index
        %parallel_loop3A_666 = arith.constant 80 : index
        %parallel_loop3A_667 = tpu.vector_load %arg11[%parallel_loop3A_664, %parallel_loop3A_665, %parallel_loop3A_666] {strides = array<i32>} : memref<2x128x128xi32, #tpu.memory_space<vmem>>, vector<16xi32>,
        %parallel_loop3A_668 = arith.shrsi %parallel_loop3A_667, %parallel_loop3A_504 : vector<16xi32>
        %parallel_loop3A_669 = arith.constant 16 : i32
        %parallel_loop3A_670 = vector.broadcast %parallel_loop3A_669 : i32 to vector<16xi32>
        %parallel_loop3A_671 = arith.shli %parallel_loop3A_668, %parallel_loop3A_670 : vector<16xi32>
        %parallel_loop3A_672 = vector.bitcast %parallel_loop3A_671 : vector<16xi32> to vector<16xf32>
        %parallel_loop3A_673 = arith.mulf %parallel_loop3A_662, %parallel_loop3A_672 : vector<16xf32>
        %parallel_loop3A_674 = arith.constant 0 : i32
        %parallel_loop3A_675 = arith.index_cast %parallel_loop3A_674 : i32 to index
        %parallel_loop3A_676 = arith.index_cast %parallel_loop3A_489 : i32 to index
        %parallel_loop3A_677 = arith.constant 80 : index
        %parallel_loop3A_678 = tpu.vector_load %arg12[%parallel_loop3A_675, %parallel_loop3A_676, %parallel_loop3A_677] {strides = array<i32>} : memref<2x128x128xf32, #tpu.memory_space<vmem>>, vector<16xf32>,
        tpu.vector_store %arg12[%parallel_loop3A_675, %parallel_loop3A_676, %parallel_loop3A_677], %parallel_loop3A_673 {strides = array<i32>} : memref<2x128x128xf32, #tpu.memory_space<vmem>>, vector<16xf32>,
        %parallel_loop3A_679 = arith.constant 0 : i32
        %parallel_loop3A_680 = arith.index_cast %parallel_loop3A_679 : i32 to index
        %parallel_loop3A_681 = arith.index_cast %parallel_loop3A_489 : i32 to index
        %parallel_loop3A_682 = arith.constant 96 : index
        %parallel_loop3A_683 = tpu.vector_load %arg10[%parallel_loop3A_680, %parallel_loop3A_681, %parallel_loop3A_682] {strides = array<i32>} : memref<2x128x128xi32, #tpu.memory_space<vmem>>, vector<16xi32>,
        %parallel_loop3A_684 = arith.shrsi %parallel_loop3A_683, %parallel_loop3A_498 : vector<16xi32>
        %parallel_loop3A_685 = arith.constant 15 : i32
        %parallel_loop3A_686 = vector.broadcast %parallel_loop3A_685 : i32 to vector<16xi32>
        %parallel_loop3A_687 = arith.andi %parallel_loop3A_684, %parallel_loop3A_686 : vector<16xi32>
        %parallel_loop3A_688 = arith.sitofp %parallel_loop3A_687 : vector<16xi32> to vector<16xf32>
        %parallel_loop3A_689 = arith.constant 8.000000e+00 : f32
        %parallel_loop3A_690 = vector.broadcast %parallel_loop3A_689 : f32 to vector<16xf32>
        %parallel_loop3A_691 = arith.subf %parallel_loop3A_688, %parallel_loop3A_690 : vector<16xf32>
        %parallel_loop3A_692 = arith.constant 0 : i32
        %parallel_loop3A_693 = arith.index_cast %parallel_loop3A_692 : i32 to index
        %parallel_loop3A_694 = arith.index_cast %parallel_loop3A_489 : i32 to index
        %parallel_loop3A_695 = arith.constant 96 : index
        %parallel_loop3A_696 = tpu.vector_load %arg11[%parallel_loop3A_693, %parallel_loop3A_694, %parallel_loop3A_695] {strides = array<i32>} : memref<2x128x128xi32, #tpu.memory_space<vmem>>, vector<16xi32>,
        %parallel_loop3A_697 = arith.shrsi %parallel_loop3A_696, %parallel_loop3A_504 : vector<16xi32>
        %parallel_loop3A_698 = arith.constant 16 : i32
        %parallel_loop3A_699 = vector.broadcast %parallel_loop3A_698 : i32 to vector<16xi32>
        %parallel_loop3A_700 = arith.shli %parallel_loop3A_697, %parallel_loop3A_699 : vector<16xi32>
        %parallel_loop3A_701 = vector.bitcast %parallel_loop3A_700 : vector<16xi32> to vector<16xf32>
        %parallel_loop3A_702 = arith.mulf %parallel_loop3A_691, %parallel_loop3A_701 : vector<16xf32>
        %parallel_loop3A_703 = arith.constant 0 : i32
        %parallel_loop3A_704 = arith.index_cast %parallel_loop3A_703 : i32 to index
        %parallel_loop3A_705 = arith.index_cast %parallel_loop3A_489 : i32 to index
        %parallel_loop3A_706 = arith.constant 96 : index
        %parallel_loop3A_707 = tpu.vector_load %arg12[%parallel_loop3A_704, %parallel_loop3A_705, %parallel_loop3A_706] {strides = array<i32>} : memref<2x128x128xf32, #tpu.memory_space<vmem>>, vector<16xf32>,
        tpu.vector_store %arg12[%parallel_loop3A_704, %parallel_loop3A_705, %parallel_loop3A_706], %parallel_loop3A_702 {strides = array<i32>} : memref<2x128x128xf32, #tpu.memory_space<vmem>>, vector<16xf32>,
        %parallel_loop3A_708 = arith.constant 0 : i32
        %parallel_loop3A_709 = arith.index_cast %parallel_loop3A_708 : i32 to index
        %parallel_loop3A_710 = arith.index_cast %parallel_loop3A_489 : i32 to index
        %parallel_loop3A_711 = arith.constant 112 : index
        %parallel_loop3A_712 = tpu.vector_load %arg10[%parallel_loop3A_709, %parallel_loop3A_710, %parallel_loop3A_711] {strides = array<i32>} : memref<2x128x128xi32, #tpu.memory_space<vmem>>, vector<16xi32>,
        %parallel_loop3A_713 = arith.shrsi %parallel_loop3A_712, %parallel_loop3A_498 : vector<16xi32>
        %parallel_loop3A_714 = arith.constant 15 : i32
        %parallel_loop3A_715 = vector.broadcast %parallel_loop3A_714 : i32 to vector<16xi32>
        %parallel_loop3A_716 = arith.andi %parallel_loop3A_713, %parallel_loop3A_715 : vector<16xi32>
        %parallel_loop3A_717 = arith.sitofp %parallel_loop3A_716 : vector<16xi32> to vector<16xf32>
        %parallel_loop3A_718 = arith.constant 8.000000e+00 : f32
        %parallel_loop3A_719 = vector.broadcast %parallel_loop3A_718 : f32 to vector<16xf32>
        %parallel_loop3A_720 = arith.subf %parallel_loop3A_717, %parallel_loop3A_719 : vector<16xf32>
        %parallel_loop3A_721 = arith.constant 0 : i32
        %parallel_loop3A_722 = arith.index_cast %parallel_loop3A_721 : i32 to index
        %parallel_loop3A_723 = arith.index_cast %parallel_loop3A_489 : i32 to index
        %parallel_loop3A_724 = arith.constant 112 : index
        %parallel_loop3A_725 = tpu.vector_load %arg11[%parallel_loop3A_722, %parallel_loop3A_723, %parallel_loop3A_724] {strides = array<i32>} : memref<2x128x128xi32, #tpu.memory_space<vmem>>, vector<16xi32>,
        %parallel_loop3A_726 = arith.shrsi %parallel_loop3A_725, %parallel_loop3A_504 : vector<16xi32>
        %parallel_loop3A_727 = arith.constant 16 : i32
        %parallel_loop3A_728 = vector.broadcast %parallel_loop3A_727 : i32 to vector<16xi32>
        %parallel_loop3A_729 = arith.shli %parallel_loop3A_726, %parallel_loop3A_728 : vector<16xi32>
        %parallel_loop3A_730 = vector.bitcast %parallel_loop3A_729 : vector<16xi32> to vector<16xf32>
        %parallel_loop3A_731 = arith.mulf %parallel_loop3A_720, %parallel_loop3A_730 : vector<16xf32>
        %parallel_loop3A_732 = arith.constant 0 : i32
        %parallel_loop3A_733 = arith.index_cast %parallel_loop3A_732 : i32 to index
        %parallel_loop3A_734 = arith.index_cast %parallel_loop3A_489 : i32 to index
        %parallel_loop3A_735 = arith.constant 112 : index
        %parallel_loop3A_736 = tpu.vector_load %arg12[%parallel_loop3A_733, %parallel_loop3A_734, %parallel_loop3A_735] {strides = array<i32>} : memref<2x128x128xf32, #tpu.memory_space<vmem>>, vector<16xf32>,
        tpu.vector_store %arg12[%parallel_loop3A_733, %parallel_loop3A_734, %parallel_loop3A_735], %parallel_loop3A_731 {strides = array<i32>} : memref<2x128x128xf32, #tpu.memory_space<vmem>>, vector<16xf32>,
      } {sc.loop_unroll_factor = 2 : i64, sc.parallel_access}
      %mul3A_413 = arith.constant 128 : i32
      %mul3A_414 = arith.muli %mul3A_378, %mul3A_413 : i32
      %add3A_415 = arith.addi %mul3A_2, %mul3A_414 : i32
      %dma_start3A_416 = arith.constant 0 : i32
      %dma_start3A_417 = arith.constant 0 : i32
      %dma_start3A_418 = arith.constant 0 : i32
      %dma_start3A_419 = tpu.memref_slice %arg12[%dma_start3A_416, %dma_start3A_417, %dma_start3A_418] : memref<2x128x128xf32, #tpu.memory_space<vmem>> -> memref<1x128x128xf32, #tpu.memory_space<vmem>>
      %dma_start3A_420 = tpu.memref_squeeze %dma_start3A_419 : memref<1x128x128xf32, #tpu.memory_space<vmem>> -> memref<128x128xf32, #tpu.memory_space<vmem>>
      %dma_start3A_421 = arith.constant 0 : i32
      %dma_start3A_422 = tpu.memref_slice %arg5[%add3A_415, %dma_start3A_421] : memref<327680x128xf32, #tpu.memory_space<hbm>> -> memref<128x128xf32, #tpu.memory_space<hbm>>
      %dma_start3A_423 = arith.constant 0 : i32
      %dma_start3A_424 = tpu.memref_slice %arg5[%add3A_415, %dma_start3A_423] : memref<327680x128xf32, #tpu.memory_space<hbm>> -> memref<128x128xf32, #tpu.memory_space<hbm>>
      %dma_start3A_425 = arith.constant 0 : i32
      %dma_start3A_426 = arith.constant 0 : i32
      %dma_start3A_427 = tpu.memref_slice %arg12[%dma_start3A_416, %dma_start3A_425, %dma_start3A_426] : memref<2x128x128xf32, #tpu.memory_space<vmem>> -> memref<1x128x128xf32, #tpu.memory_space<vmem>>
      %dma_start3A_428 = tpu.memref_squeeze %dma_start3A_427 : memref<1x128x128xf32, #tpu.memory_space<vmem>> -> memref<128x128xf32, #tpu.memory_space<vmem>>
      tpu.enqueue_dma source(%dma_start3A_428 : memref<128x128xf32, #tpu.memory_space<vmem>>) target(%dma_start3A_424 : memref<128x128xf32, #tpu.memory_space<hbm>>) target_semaphore(%arg17 : memref<!tpu.dma_semaphore, #tpu.memory_space<semaphore_mem>>)
      %mul3A_429 = arith.constant 2 : i32
      %mul3A_430 = arith.muli %mul3A_429, %scan3A_375 : i32
      %add3A_431 = arith.constant 1 : i32
      %add3A_432 = arith.addi %mul3A_430, %add3A_431 : i32
      %add3A_433 = arith.constant 1 : i32
      %add3A_434 = arith.addi %add3A_432, %add3A_433 : i32
      %lt3A_435 = arith.constant 80 : i32
      %lt3A_436 = arith.cmpi slt, %add3A_434, %lt3A_435 : i32
      %convert_element_type3A_437 = arith.extui %lt3A_436 : i1 to i32
      %cond3A_438 = arith.constant 0 : i32
      %cond3A_439 = arith.cmpi ne, %convert_element_type3A_437, %cond3A_438 : i32
      scf.if %cond3A_439 {
        %mul3A_489 = arith.constant 128 : i32
        %mul3A_490 = arith.muli %add3A_434, %mul3A_489 : i32
        %add3A_491 = arith.constant 0 : i32
        %add3A_492 = arith.addi %mul3A_490, %add3A_491 : i32
        %get3A_493 = arith.index_cast %add3A_492 : i32 to index
        %get3A_494 = tpu.vector_load %arg6[%get3A_493] {strides = array<i32>} : memref<10240xi32, #tpu.memory_space<vmem>>, vector<16xi32>,
        %shift_right_arithmetic3A_495 = arith.constant 2 : i32
        %shift_right_arithmetic3A_496 = vector.broadcast %shift_right_arithmetic3A_495 : i32 to vector<16xi32>
        %shift_right_arithmetic3A_497 = arith.shrsi %get3A_494, %shift_right_arithmetic3A_496 : vector<16xi32>
        %swap3A_498 = arith.constant 0 : i32
        %swap3A_499 = arith.index_cast %swap3A_498 : i32 to index
        %swap3A_500 = arith.constant 0 : index
        %swap3A_501 = tpu.vector_load %arg7[%swap3A_499, %swap3A_500] {strides = array<i32>} : memref<2x128xi32, #tpu.memory_space<vmem>>, vector<16xi32>,
        tpu.vector_store %arg7[%swap3A_499, %swap3A_500], %shift_right_arithmetic3A_497 {strides = array<i32>} : memref<2x128xi32, #tpu.memory_space<vmem>>, vector<16xi32>,
        %shift_right_arithmetic3A_502 = arith.constant 6 : i32
        %shift_right_arithmetic3A_503 = vector.broadcast %shift_right_arithmetic3A_502 : i32 to vector<16xi32>
        %shift_right_arithmetic3A_504 = arith.shrsi %get3A_494, %shift_right_arithmetic3A_503 : vector<16xi32>
        %swap3A_505 = arith.constant 0 : i32
        %swap3A_506 = arith.index_cast %swap3A_505 : i32 to index
        %swap3A_507 = arith.constant 0 : index
        %swap3A_508 = tpu.vector_load %arg8[%swap3A_506, %swap3A_507] {strides = array<i32>} : memref<2x128xi32, #tpu.memory_space<vmem>>, vector<16xi32>,
        tpu.vector_store %arg8[%swap3A_506, %swap3A_507], %shift_right_arithmetic3A_504 {strides = array<i32>} : memref<2x128xi32, #tpu.memory_space<vmem>>, vector<16xi32>,
        %and3A_509 = arith.constant 2 : i32
        %and3A_510 = vector.broadcast %and3A_509 : i32 to vector<16xi32>
        %and3A_511 = arith.andi %get3A_494, %and3A_510 : vector<16xi32>
        %shift_left3A_512 = arith.constant 3 : i32
        %shift_left3A_513 = vector.broadcast %shift_left3A_512 : i32 to vector<16xi32>
        %shift_left3A_514 = arith.shli %and3A_511, %shift_left3A_513 : vector<16xi32>
        %and3A_515 = arith.constant 1 : i32
        %and3A_516 = vector.broadcast %and3A_515 : i32 to vector<16xi32>
        %and3A_517 = arith.andi %get3A_494, %and3A_516 : vector<16xi32>
        %shift_left3A_518 = arith.constant 2 : i32
        %shift_left3A_519 = vector.broadcast %shift_left3A_518 : i32 to vector<16xi32>
        %shift_left3A_520 = arith.shli %and3A_517, %shift_left3A_519 : vector<16xi32>
        %or3A_521 = arith.ori %shift_left3A_514, %shift_left3A_520 : vector<16xi32>
        %and3A_522 = arith.constant 32 : i32
        %and3A_523 = vector.broadcast %and3A_522 : i32 to vector<16xi32>
        %and3A_524 = arith.andi %get3A_494, %and3A_523 : vector<16xi32>
        %shift_left3A_525 = arith.constant 3 : i32
        %shift_left3A_526 = vector.broadcast %shift_left3A_525 : i32 to vector<16xi32>
        %shift_left3A_527 = arith.shli %and3A_524, %shift_left3A_526 : vector<16xi32>
        %or3A_528 = arith.ori %or3A_521, %shift_left3A_527 : vector<16xi32>
        %swap3A_529 = arith.constant 0 : i32
        %swap3A_530 = arith.index_cast %swap3A_529 : i32 to index
        %swap3A_531 = arith.constant 0 : index
        %swap3A_532 = tpu.vector_load %arg9[%swap3A_530, %swap3A_531] {strides = array<i32>} : memref<2x128xi32, #tpu.memory_space<vmem>>, vector<16xi32>,
        tpu.vector_store %arg9[%swap3A_530, %swap3A_531], %or3A_528 {strides = array<i32>} : memref<2x128xi32, #tpu.memory_space<vmem>>, vector<16xi32>,
        %mul3A_533 = arith.constant 128 : i32
        %mul3A_534 = arith.muli %add3A_434, %mul3A_533 : i32
        %add3A_535 = arith.constant 16 : i32
        %add3A_536 = arith.addi %mul3A_534, %add3A_535 : i32
        %get3A_537 = arith.index_cast %add3A_536 : i32 to index
        %get3A_538 = tpu.vector_load %arg6[%get3A_537] {strides = array<i32>} : memref<10240xi32, #tpu.memory_space<vmem>>, vector<16xi32>,
        %shift_right_arithmetic3A_539 = arith.constant 2 : i32
        %shift_right_arithmetic3A_540 = vector.broadcast %shift_right_arithmetic3A_539 : i32 to vector<16xi32>
        %shift_right_arithmetic3A_541 = arith.shrsi %get3A_538, %shift_right_arithmetic3A_540 : vector<16xi32>
        %swap3A_542 = arith.constant 0 : i32
        %swap3A_543 = arith.index_cast %swap3A_542 : i32 to index
        %swap3A_544 = arith.constant 16 : index
        %swap3A_545 = tpu.vector_load %arg7[%swap3A_543, %swap3A_544] {strides = array<i32>} : memref<2x128xi32, #tpu.memory_space<vmem>>, vector<16xi32>,
        tpu.vector_store %arg7[%swap3A_543, %swap3A_544], %shift_right_arithmetic3A_541 {strides = array<i32>} : memref<2x128xi32, #tpu.memory_space<vmem>>, vector<16xi32>,
        %shift_right_arithmetic3A_546 = arith.constant 6 : i32
        %shift_right_arithmetic3A_547 = vector.broadcast %shift_right_arithmetic3A_546 : i32 to vector<16xi32>
        %shift_right_arithmetic3A_548 = arith.shrsi %get3A_538, %shift_right_arithmetic3A_547 : vector<16xi32>
        %swap3A_549 = arith.constant 0 : i32
        %swap3A_550 = arith.index_cast %swap3A_549 : i32 to index
        %swap3A_551 = arith.constant 16 : index
        %swap3A_552 = tpu.vector_load %arg8[%swap3A_550, %swap3A_551] {strides = array<i32>} : memref<2x128xi32, #tpu.memory_space<vmem>>, vector<16xi32>,
        tpu.vector_store %arg8[%swap3A_550, %swap3A_551], %shift_right_arithmetic3A_548 {strides = array<i32>} : memref<2x128xi32, #tpu.memory_space<vmem>>, vector<16xi32>,
        %and3A_553 = arith.constant 2 : i32
        %and3A_554 = vector.broadcast %and3A_553 : i32 to vector<16xi32>
        %and3A_555 = arith.andi %get3A_538, %and3A_554 : vector<16xi32>
        %shift_left3A_556 = arith.constant 3 : i32
        %shift_left3A_557 = vector.broadcast %shift_left3A_556 : i32 to vector<16xi32>
        %shift_left3A_558 = arith.shli %and3A_555, %shift_left3A_557 : vector<16xi32>
        %and3A_559 = arith.constant 1 : i32
        %and3A_560 = vector.broadcast %and3A_559 : i32 to vector<16xi32>
        %and3A_561 = arith.andi %get3A_538, %and3A_560 : vector<16xi32>
        %shift_left3A_562 = arith.constant 2 : i32
        %shift_left3A_563 = vector.broadcast %shift_left3A_562 : i32 to vector<16xi32>
        %shift_left3A_564 = arith.shli %and3A_561, %shift_left3A_563 : vector<16xi32>
        %or3A_565 = arith.ori %shift_left3A_558, %shift_left3A_564 : vector<16xi32>
        %and3A_566 = arith.constant 32 : i32
        %and3A_567 = vector.broadcast %and3A_566 : i32 to vector<16xi32>
        %and3A_568 = arith.andi %get3A_538, %and3A_567 : vector<16xi32>
        %shift_left3A_569 = arith.constant 3 : i32
        %shift_left3A_570 = vector.broadcast %shift_left3A_569 : i32 to vector<16xi32>
        %shift_left3A_571 = arith.shli %and3A_568, %shift_left3A_570 : vector<16xi32>
        %or3A_572 = arith.ori %or3A_565, %shift_left3A_571 : vector<16xi32>
        %swap3A_573 = arith.constant 0 : i32
        %swap3A_574 = arith.index_cast %swap3A_573 : i32 to index
        %swap3A_575 = arith.constant 16 : index
        %swap3A_576 = tpu.vector_load %arg9[%swap3A_574, %swap3A_575] {strides = array<i32>} : memref<2x128xi32, #tpu.memory_space<vmem>>, vector<16xi32>,
        tpu.vector_store %arg9[%swap3A_574, %swap3A_575], %or3A_572 {strides = array<i32>} : memref<2x128xi32, #tpu.memory_space<vmem>>, vector<16xi32>,
        %mul3A_577 = arith.constant 128 : i32
        %mul3A_578 = arith.muli %add3A_434, %mul3A_577 : i32
        %add3A_579 = arith.constant 32 : i32
        %add3A_580 = arith.addi %mul3A_578, %add3A_579 : i32
        %get3A_581 = arith.index_cast %add3A_580 : i32 to index
        %get3A_582 = tpu.vector_load %arg6[%get3A_581] {strides = array<i32>} : memref<10240xi32, #tpu.memory_space<vmem>>, vector<16xi32>,
        %shift_right_arithmetic3A_583 = arith.constant 2 : i32
        %shift_right_arithmetic3A_584 = vector.broadcast %shift_right_arithmetic3A_583 : i32 to vector<16xi32>
        %shift_right_arithmetic3A_585 = arith.shrsi %get3A_582, %shift_right_arithmetic3A_584 : vector<16xi32>
        %swap3A_586 = arith.constant 0 : i32
        %swap3A_587 = arith.index_cast %swap3A_586 : i32 to index
        %swap3A_588 = arith.constant 32 : index
        %swap3A_589 = tpu.vector_load %arg7[%swap3A_587, %swap3A_588] {strides = array<i32>} : memref<2x128xi32, #tpu.memory_space<vmem>>, vector<16xi32>,
        tpu.vector_store %arg7[%swap3A_587, %swap3A_588], %shift_right_arithmetic3A_585 {strides = array<i32>} : memref<2x128xi32, #tpu.memory_space<vmem>>, vector<16xi32>,
        %shift_right_arithmetic3A_590 = arith.constant 6 : i32
        %shift_right_arithmetic3A_591 = vector.broadcast %shift_right_arithmetic3A_590 : i32 to vector<16xi32>
        %shift_right_arithmetic3A_592 = arith.shrsi %get3A_582, %shift_right_arithmetic3A_591 : vector<16xi32>
        %swap3A_593 = arith.constant 0 : i32
        %swap3A_594 = arith.index_cast %swap3A_593 : i32 to index
        %swap3A_595 = arith.constant 32 : index
        %swap3A_596 = tpu.vector_load %arg8[%swap3A_594, %swap3A_595] {strides = array<i32>} : memref<2x128xi32, #tpu.memory_space<vmem>>, vector<16xi32>,
        tpu.vector_store %arg8[%swap3A_594, %swap3A_595], %shift_right_arithmetic3A_592 {strides = array<i32>} : memref<2x128xi32, #tpu.memory_space<vmem>>, vector<16xi32>,
        %and3A_597 = arith.constant 2 : i32
        %and3A_598 = vector.broadcast %and3A_597 : i32 to vector<16xi32>
        %and3A_599 = arith.andi %get3A_582, %and3A_598 : vector<16xi32>
        %shift_left3A_600 = arith.constant 3 : i32
        %shift_left3A_601 = vector.broadcast %shift_left3A_600 : i32 to vector<16xi32>
        %shift_left3A_602 = arith.shli %and3A_599, %shift_left3A_601 : vector<16xi32>
        %and3A_603 = arith.constant 1 : i32
        %and3A_604 = vector.broadcast %and3A_603 : i32 to vector<16xi32>
        %and3A_605 = arith.andi %get3A_582, %and3A_604 : vector<16xi32>
        %shift_left3A_606 = arith.constant 2 : i32
        %shift_left3A_607 = vector.broadcast %shift_left3A_606 : i32 to vector<16xi32>
        %shift_left3A_608 = arith.shli %and3A_605, %shift_left3A_607 : vector<16xi32>
        %or3A_609 = arith.ori %shift_left3A_602, %shift_left3A_608 : vector<16xi32>
        %and3A_610 = arith.constant 32 : i32
        %and3A_611 = vector.broadcast %and3A_610 : i32 to vector<16xi32>
        %and3A_612 = arith.andi %get3A_582, %and3A_611 : vector<16xi32>
        %shift_left3A_613 = arith.constant 3 : i32
        %shift_left3A_614 = vector.broadcast %shift_left3A_613 : i32 to vector<16xi32>
        %shift_left3A_615 = arith.shli %and3A_612, %shift_left3A_614 : vector<16xi32>
        %or3A_616 = arith.ori %or3A_609, %shift_left3A_615 : vector<16xi32>
        %swap3A_617 = arith.constant 0 : i32
        %swap3A_618 = arith.index_cast %swap3A_617 : i32 to index
        %swap3A_619 = arith.constant 32 : index
        %swap3A_620 = tpu.vector_load %arg9[%swap3A_618, %swap3A_619] {strides = array<i32>} : memref<2x128xi32, #tpu.memory_space<vmem>>, vector<16xi32>,
        tpu.vector_store %arg9[%swap3A_618, %swap3A_619], %or3A_616 {strides = array<i32>} : memref<2x128xi32, #tpu.memory_space<vmem>>, vector<16xi32>,
        %mul3A_621 = arith.constant 128 : i32
        %mul3A_622 = arith.muli %add3A_434, %mul3A_621 : i32
        %add3A_623 = arith.constant 48 : i32
        %add3A_624 = arith.addi %mul3A_622, %add3A_623 : i32
        %get3A_625 = arith.index_cast %add3A_624 : i32 to index
        %get3A_626 = tpu.vector_load %arg6[%get3A_625] {strides = array<i32>} : memref<10240xi32, #tpu.memory_space<vmem>>, vector<16xi32>,
        %shift_right_arithmetic3A_627 = arith.constant 2 : i32
        %shift_right_arithmetic3A_628 = vector.broadcast %shift_right_arithmetic3A_627 : i32 to vector<16xi32>
        %shift_right_arithmetic3A_629 = arith.shrsi %get3A_626, %shift_right_arithmetic3A_628 : vector<16xi32>
        %swap3A_630 = arith.constant 0 : i32
        %swap3A_631 = arith.index_cast %swap3A_630 : i32 to index
        %swap3A_632 = arith.constant 48 : index
        %swap3A_633 = tpu.vector_load %arg7[%swap3A_631, %swap3A_632] {strides = array<i32>} : memref<2x128xi32, #tpu.memory_space<vmem>>, vector<16xi32>,
        tpu.vector_store %arg7[%swap3A_631, %swap3A_632], %shift_right_arithmetic3A_629 {strides = array<i32>} : memref<2x128xi32, #tpu.memory_space<vmem>>, vector<16xi32>,
        %shift_right_arithmetic3A_634 = arith.constant 6 : i32
        %shift_right_arithmetic3A_635 = vector.broadcast %shift_right_arithmetic3A_634 : i32 to vector<16xi32>
        %shift_right_arithmetic3A_636 = arith.shrsi %get3A_626, %shift_right_arithmetic3A_635 : vector<16xi32>
        %swap3A_637 = arith.constant 0 : i32
        %swap3A_638 = arith.index_cast %swap3A_637 : i32 to index
        %swap3A_639 = arith.constant 48 : index
        %swap3A_640 = tpu.vector_load %arg8[%swap3A_638, %swap3A_639] {strides = array<i32>} : memref<2x128xi32, #tpu.memory_space<vmem>>, vector<16xi32>,
        tpu.vector_store %arg8[%swap3A_638, %swap3A_639], %shift_right_arithmetic3A_636 {strides = array<i32>} : memref<2x128xi32, #tpu.memory_space<vmem>>, vector<16xi32>,
        %and3A_641 = arith.constant 2 : i32
        %and3A_642 = vector.broadcast %and3A_641 : i32 to vector<16xi32>
        %and3A_643 = arith.andi %get3A_626, %and3A_642 : vector<16xi32>
        %shift_left3A_644 = arith.constant 3 : i32
        %shift_left3A_645 = vector.broadcast %shift_left3A_644 : i32 to vector<16xi32>
        %shift_left3A_646 = arith.shli %and3A_643, %shift_left3A_645 : vector<16xi32>
        %and3A_647 = arith.constant 1 : i32
        %and3A_648 = vector.broadcast %and3A_647 : i32 to vector<16xi32>
        %and3A_649 = arith.andi %get3A_626, %and3A_648 : vector<16xi32>
        %shift_left3A_650 = arith.constant 2 : i32
        %shift_left3A_651 = vector.broadcast %shift_left3A_650 : i32 to vector<16xi32>
        %shift_left3A_652 = arith.shli %and3A_649, %shift_left3A_651 : vector<16xi32>
        %or3A_653 = arith.ori %shift_left3A_646, %shift_left3A_652 : vector<16xi32>
        %and3A_654 = arith.constant 32 : i32
        %and3A_655 = vector.broadcast %and3A_654 : i32 to vector<16xi32>
        %and3A_656 = arith.andi %get3A_626, %and3A_655 : vector<16xi32>
        %shift_left3A_657 = arith.constant 3 : i32
        %shift_left3A_658 = vector.broadcast %shift_left3A_657 : i32 to vector<16xi32>
        %shift_left3A_659 = arith.shli %and3A_656, %shift_left3A_658 : vector<16xi32>
        %or3A_660 = arith.ori %or3A_653, %shift_left3A_659 : vector<16xi32>
        %swap3A_661 = arith.constant 0 : i32
        %swap3A_662 = arith.index_cast %swap3A_661 : i32 to index
        %swap3A_663 = arith.constant 48 : index
        %swap3A_664 = tpu.vector_load %arg9[%swap3A_662, %swap3A_663] {strides = array<i32>} : memref<2x128xi32, #tpu.memory_space<vmem>>, vector<16xi32>,
        tpu.vector_store %arg9[%swap3A_662, %swap3A_663], %or3A_660 {strides = array<i32>} : memref<2x128xi32, #tpu.memory_space<vmem>>, vector<16xi32>,
        %mul3A_665 = arith.constant 128 : i32
        %mul3A_666 = arith.muli %add3A_434, %mul3A_665 : i32
        %add3A_667 = arith.constant 64 : i32
        %add3A_668 = arith.addi %mul3A_666, %add3A_667 : i32
        %get3A_669 = arith.index_cast %add3A_668 : i32 to index
        %get3A_670 = tpu.vector_load %arg6[%get3A_669] {strides = array<i32>} : memref<10240xi32, #tpu.memory_space<vmem>>, vector<16xi32>,
        %shift_right_arithmetic3A_671 = arith.constant 2 : i32
        %shift_right_arithmetic3A_672 = vector.broadcast %shift_right_arithmetic3A_671 : i32 to vector<16xi32>
        %shift_right_arithmetic3A_673 = arith.shrsi %get3A_670, %shift_right_arithmetic3A_672 : vector<16xi32>
        %swap3A_674 = arith.constant 0 : i32
        %swap3A_675 = arith.index_cast %swap3A_674 : i32 to index
        %swap3A_676 = arith.constant 64 : index
        %swap3A_677 = tpu.vector_load %arg7[%swap3A_675, %swap3A_676] {strides = array<i32>} : memref<2x128xi32, #tpu.memory_space<vmem>>, vector<16xi32>,
        tpu.vector_store %arg7[%swap3A_675, %swap3A_676], %shift_right_arithmetic3A_673 {strides = array<i32>} : memref<2x128xi32, #tpu.memory_space<vmem>>, vector<16xi32>,
        %shift_right_arithmetic3A_678 = arith.constant 6 : i32
        %shift_right_arithmetic3A_679 = vector.broadcast %shift_right_arithmetic3A_678 : i32 to vector<16xi32>
        %shift_right_arithmetic3A_680 = arith.shrsi %get3A_670, %shift_right_arithmetic3A_679 : vector<16xi32>
        %swap3A_681 = arith.constant 0 : i32
        %swap3A_682 = arith.index_cast %swap3A_681 : i32 to index
        %swap3A_683 = arith.constant 64 : index
        %swap3A_684 = tpu.vector_load %arg8[%swap3A_682, %swap3A_683] {strides = array<i32>} : memref<2x128xi32, #tpu.memory_space<vmem>>, vector<16xi32>,
        tpu.vector_store %arg8[%swap3A_682, %swap3A_683], %shift_right_arithmetic3A_680 {strides = array<i32>} : memref<2x128xi32, #tpu.memory_space<vmem>>, vector<16xi32>,
        %and3A_685 = arith.constant 2 : i32
        %and3A_686 = vector.broadcast %and3A_685 : i32 to vector<16xi32>
        %and3A_687 = arith.andi %get3A_670, %and3A_686 : vector<16xi32>
        %shift_left3A_688 = arith.constant 3 : i32
        %shift_left3A_689 = vector.broadcast %shift_left3A_688 : i32 to vector<16xi32>
        %shift_left3A_690 = arith.shli %and3A_687, %shift_left3A_689 : vector<16xi32>
        %and3A_691 = arith.constant 1 : i32
        %and3A_692 = vector.broadcast %and3A_691 : i32 to vector<16xi32>
        %and3A_693 = arith.andi %get3A_670, %and3A_692 : vector<16xi32>
        %shift_left3A_694 = arith.constant 2 : i32
        %shift_left3A_695 = vector.broadcast %shift_left3A_694 : i32 to vector<16xi32>
        %shift_left3A_696 = arith.shli %and3A_693, %shift_left3A_695 : vector<16xi32>
        %or3A_697 = arith.ori %shift_left3A_690, %shift_left3A_696 : vector<16xi32>
        %and3A_698 = arith.constant 32 : i32
        %and3A_699 = vector.broadcast %and3A_698 : i32 to vector<16xi32>
        %and3A_700 = arith.andi %get3A_670, %and3A_699 : vector<16xi32>
        %shift_left3A_701 = arith.constant 3 : i32
        %shift_left3A_702 = vector.broadcast %shift_left3A_701 : i32 to vector<16xi32>
        %shift_left3A_703 = arith.shli %and3A_700, %shift_left3A_702 : vector<16xi32>
        %or3A_704 = arith.ori %or3A_697, %shift_left3A_703 : vector<16xi32>
        %swap3A_705 = arith.constant 0 : i32
        %swap3A_706 = arith.index_cast %swap3A_705 : i32 to index
        %swap3A_707 = arith.constant 64 : index
        %swap3A_708 = tpu.vector_load %arg9[%swap3A_706, %swap3A_707] {strides = array<i32>} : memref<2x128xi32, #tpu.memory_space<vmem>>, vector<16xi32>,
        tpu.vector_store %arg9[%swap3A_706, %swap3A_707], %or3A_704 {strides = array<i32>} : memref<2x128xi32, #tpu.memory_space<vmem>>, vector<16xi32>,
        %mul3A_709 = arith.constant 128 : i32
        %mul3A_710 = arith.muli %add3A_434, %mul3A_709 : i32
        %add3A_711 = arith.constant 80 : i32
        %add3A_712 = arith.addi %mul3A_710, %add3A_711 : i32
        %get3A_713 = arith.index_cast %add3A_712 : i32 to index
        %get3A_714 = tpu.vector_load %arg6[%get3A_713] {strides = array<i32>} : memref<10240xi32, #tpu.memory_space<vmem>>, vector<16xi32>,
        %shift_right_arithmetic3A_715 = arith.constant 2 : i32
        %shift_right_arithmetic3A_716 = vector.broadcast %shift_right_arithmetic3A_715 : i32 to vector<16xi32>
        %shift_right_arithmetic3A_717 = arith.shrsi %get3A_714, %shift_right_arithmetic3A_716 : vector<16xi32>
        %swap3A_718 = arith.constant 0 : i32
        %swap3A_719 = arith.index_cast %swap3A_718 : i32 to index
        %swap3A_720 = arith.constant 80 : index
        %swap3A_721 = tpu.vector_load %arg7[%swap3A_719, %swap3A_720] {strides = array<i32>} : memref<2x128xi32, #tpu.memory_space<vmem>>, vector<16xi32>,
        tpu.vector_store %arg7[%swap3A_719, %swap3A_720], %shift_right_arithmetic3A_717 {strides = array<i32>} : memref<2x128xi32, #tpu.memory_space<vmem>>, vector<16xi32>,
        %shift_right_arithmetic3A_722 = arith.constant 6 : i32
        %shift_right_arithmetic3A_723 = vector.broadcast %shift_right_arithmetic3A_722 : i32 to vector<16xi32>
        %shift_right_arithmetic3A_724 = arith.shrsi %get3A_714, %shift_right_arithmetic3A_723 : vector<16xi32>
        %swap3A_725 = arith.constant 0 : i32
        %swap3A_726 = arith.index_cast %swap3A_725 : i32 to index
        %swap3A_727 = arith.constant 80 : index
        %swap3A_728 = tpu.vector_load %arg8[%swap3A_726, %swap3A_727] {strides = array<i32>} : memref<2x128xi32, #tpu.memory_space<vmem>>, vector<16xi32>,
        tpu.vector_store %arg8[%swap3A_726, %swap3A_727], %shift_right_arithmetic3A_724 {strides = array<i32>} : memref<2x128xi32, #tpu.memory_space<vmem>>, vector<16xi32>,
        %and3A_729 = arith.constant 2 : i32
        %and3A_730 = vector.broadcast %and3A_729 : i32 to vector<16xi32>
        %and3A_731 = arith.andi %get3A_714, %and3A_730 : vector<16xi32>
        %shift_left3A_732 = arith.constant 3 : i32
        %shift_left3A_733 = vector.broadcast %shift_left3A_732 : i32 to vector<16xi32>
        %shift_left3A_734 = arith.shli %and3A_731, %shift_left3A_733 : vector<16xi32>
        %and3A_735 = arith.constant 1 : i32
        %and3A_736 = vector.broadcast %and3A_735 : i32 to vector<16xi32>
        %and3A_737 = arith.andi %get3A_714, %and3A_736 : vector<16xi32>
        %shift_left3A_738 = arith.constant 2 : i32
        %shift_left3A_739 = vector.broadcast %shift_left3A_738 : i32 to vector<16xi32>
        %shift_left3A_740 = arith.shli %and3A_737, %shift_left3A_739 : vector<16xi32>
        %or3A_741 = arith.ori %shift_left3A_734, %shift_left3A_740 : vector<16xi32>
        %and3A_742 = arith.constant 32 : i32
        %and3A_743 = vector.broadcast %and3A_742 : i32 to vector<16xi32>
        %and3A_744 = arith.andi %get3A_714, %and3A_743 : vector<16xi32>
        %shift_left3A_745 = arith.constant 3 : i32
        %shift_left3A_746 = vector.broadcast %shift_left3A_745 : i32 to vector<16xi32>
        %shift_left3A_747 = arith.shli %and3A_744, %shift_left3A_746 : vector<16xi32>
        %or3A_748 = arith.ori %or3A_741, %shift_left3A_747 : vector<16xi32>
        %swap3A_749 = arith.constant 0 : i32
        %swap3A_750 = arith.index_cast %swap3A_749 : i32 to index
        %swap3A_751 = arith.constant 80 : index
        %swap3A_752 = tpu.vector_load %arg9[%swap3A_750, %swap3A_751] {strides = array<i32>} : memref<2x128xi32, #tpu.memory_space<vmem>>, vector<16xi32>,
        tpu.vector_store %arg9[%swap3A_750, %swap3A_751], %or3A_748 {strides = array<i32>} : memref<2x128xi32, #tpu.memory_space<vmem>>, vector<16xi32>,
        %mul3A_753 = arith.constant 128 : i32
        %mul3A_754 = arith.muli %add3A_434, %mul3A_753 : i32
        %add3A_755 = arith.constant 96 : i32
        %add3A_756 = arith.addi %mul3A_754, %add3A_755 : i32
        %get3A_757 = arith.index_cast %add3A_756 : i32 to index
        %get3A_758 = tpu.vector_load %arg6[%get3A_757] {strides = array<i32>} : memref<10240xi32, #tpu.memory_space<vmem>>, vector<16xi32>,
        %shift_right_arithmetic3A_759 = arith.constant 2 : i32
        %shift_right_arithmetic3A_760 = vector.broadcast %shift_right_arithmetic3A_759 : i32 to vector<16xi32>
        %shift_right_arithmetic3A_761 = arith.shrsi %get3A_758, %shift_right_arithmetic3A_760 : vector<16xi32>
        %swap3A_762 = arith.constant 0 : i32
        %swap3A_763 = arith.index_cast %swap3A_762 : i32 to index
        %swap3A_764 = arith.constant 96 : index
        %swap3A_765 = tpu.vector_load %arg7[%swap3A_763, %swap3A_764] {strides = array<i32>} : memref<2x128xi32, #tpu.memory_space<vmem>>, vector<16xi32>,
        tpu.vector_store %arg7[%swap3A_763, %swap3A_764], %shift_right_arithmetic3A_761 {strides = array<i32>} : memref<2x128xi32, #tpu.memory_space<vmem>>, vector<16xi32>,
        %shift_right_arithmetic3A_766 = arith.constant 6 : i32
        %shift_right_arithmetic3A_767 = vector.broadcast %shift_right_arithmetic3A_766 : i32 to vector<16xi32>
        %shift_right_arithmetic3A_768 = arith.shrsi %get3A_758, %shift_right_arithmetic3A_767 : vector<16xi32>
        %swap3A_769 = arith.constant 0 : i32
        %swap3A_770 = arith.index_cast %swap3A_769 : i32 to index
        %swap3A_771 = arith.constant 96 : index
        %swap3A_772 = tpu.vector_load %arg8[%swap3A_770, %swap3A_771] {strides = array<i32>} : memref<2x128xi32, #tpu.memory_space<vmem>>, vector<16xi32>,
        tpu.vector_store %arg8[%swap3A_770, %swap3A_771], %shift_right_arithmetic3A_768 {strides = array<i32>} : memref<2x128xi32, #tpu.memory_space<vmem>>, vector<16xi32>,
        %and3A_773 = arith.constant 2 : i32
        %and3A_774 = vector.broadcast %and3A_773 : i32 to vector<16xi32>
        %and3A_775 = arith.andi %get3A_758, %and3A_774 : vector<16xi32>
        %shift_left3A_776 = arith.constant 3 : i32
        %shift_left3A_777 = vector.broadcast %shift_left3A_776 : i32 to vector<16xi32>
        %shift_left3A_778 = arith.shli %and3A_775, %shift_left3A_777 : vector<16xi32>
        %and3A_779 = arith.constant 1 : i32
        %and3A_780 = vector.broadcast %and3A_779 : i32 to vector<16xi32>
        %and3A_781 = arith.andi %get3A_758, %and3A_780 : vector<16xi32>
        %shift_left3A_782 = arith.constant 2 : i32
        %shift_left3A_783 = vector.broadcast %shift_left3A_782 : i32 to vector<16xi32>
        %shift_left3A_784 = arith.shli %and3A_781, %shift_left3A_783 : vector<16xi32>
        %or3A_785 = arith.ori %shift_left3A_778, %shift_left3A_784 : vector<16xi32>
        %and3A_786 = arith.constant 32 : i32
        %and3A_787 = vector.broadcast %and3A_786 : i32 to vector<16xi32>
        %and3A_788 = arith.andi %get3A_758, %and3A_787 : vector<16xi32>
        %shift_left3A_789 = arith.constant 3 : i32
        %shift_left3A_790 = vector.broadcast %shift_left3A_789 : i32 to vector<16xi32>
        %shift_left3A_791 = arith.shli %and3A_788, %shift_left3A_790 : vector<16xi32>
        %or3A_792 = arith.ori %or3A_785, %shift_left3A_791 : vector<16xi32>
        %swap3A_793 = arith.constant 0 : i32
        %swap3A_794 = arith.index_cast %swap3A_793 : i32 to index
        %swap3A_795 = arith.constant 96 : index
        %swap3A_796 = tpu.vector_load %arg9[%swap3A_794, %swap3A_795] {strides = array<i32>} : memref<2x128xi32, #tpu.memory_space<vmem>>, vector<16xi32>,
        tpu.vector_store %arg9[%swap3A_794, %swap3A_795], %or3A_792 {strides = array<i32>} : memref<2x128xi32, #tpu.memory_space<vmem>>, vector<16xi32>,
        %mul3A_797 = arith.constant 128 : i32
        %mul3A_798 = arith.muli %add3A_434, %mul3A_797 : i32
        %add3A_799 = arith.constant 112 : i32
        %add3A_800 = arith.addi %mul3A_798, %add3A_799 : i32
        %get3A_801 = arith.index_cast %add3A_800 : i32 to index
        %get3A_802 = tpu.vector_load %arg6[%get3A_801] {strides = array<i32>} : memref<10240xi32, #tpu.memory_space<vmem>>, vector<16xi32>,
        %shift_right_arithmetic3A_803 = arith.constant 2 : i32
        %shift_right_arithmetic3A_804 = vector.broadcast %shift_right_arithmetic3A_803 : i32 to vector<16xi32>
        %shift_right_arithmetic3A_805 = arith.shrsi %get3A_802, %shift_right_arithmetic3A_804 : vector<16xi32>
        %swap3A_806 = arith.constant 0 : i32
        %swap3A_807 = arith.index_cast %swap3A_806 : i32 to index
        %swap3A_808 = arith.constant 112 : index
        %swap3A_809 = tpu.vector_load %arg7[%swap3A_807, %swap3A_808] {strides = array<i32>} : memref<2x128xi32, #tpu.memory_space<vmem>>, vector<16xi32>,
        tpu.vector_store %arg7[%swap3A_807, %swap3A_808], %shift_right_arithmetic3A_805 {strides = array<i32>} : memref<2x128xi32, #tpu.memory_space<vmem>>, vector<16xi32>,
        %shift_right_arithmetic3A_810 = arith.constant 6 : i32
        %shift_right_arithmetic3A_811 = vector.broadcast %shift_right_arithmetic3A_810 : i32 to vector<16xi32>
        %shift_right_arithmetic3A_812 = arith.shrsi %get3A_802, %shift_right_arithmetic3A_811 : vector<16xi32>
        %swap3A_813 = arith.constant 0 : i32
        %swap3A_814 = arith.index_cast %swap3A_813 : i32 to index
        %swap3A_815 = arith.constant 112 : index
        %swap3A_816 = tpu.vector_load %arg8[%swap3A_814, %swap3A_815] {strides = array<i32>} : memref<2x128xi32, #tpu.memory_space<vmem>>, vector<16xi32>,
        tpu.vector_store %arg8[%swap3A_814, %swap3A_815], %shift_right_arithmetic3A_812 {strides = array<i32>} : memref<2x128xi32, #tpu.memory_space<vmem>>, vector<16xi32>,
        %and3A_817 = arith.constant 2 : i32
        %and3A_818 = vector.broadcast %and3A_817 : i32 to vector<16xi32>
        %and3A_819 = arith.andi %get3A_802, %and3A_818 : vector<16xi32>
        %shift_left3A_820 = arith.constant 3 : i32
        %shift_left3A_821 = vector.broadcast %shift_left3A_820 : i32 to vector<16xi32>
        %shift_left3A_822 = arith.shli %and3A_819, %shift_left3A_821 : vector<16xi32>
        %and3A_823 = arith.constant 1 : i32
        %and3A_824 = vector.broadcast %and3A_823 : i32 to vector<16xi32>
        %and3A_825 = arith.andi %get3A_802, %and3A_824 : vector<16xi32>
        %shift_left3A_826 = arith.constant 2 : i32
        %shift_left3A_827 = vector.broadcast %shift_left3A_826 : i32 to vector<16xi32>
        %shift_left3A_828 = arith.shli %and3A_825, %shift_left3A_827 : vector<16xi32>
        %or3A_829 = arith.ori %shift_left3A_822, %shift_left3A_828 : vector<16xi32>
        %and3A_830 = arith.constant 32 : i32
        %and3A_831 = vector.broadcast %and3A_830 : i32 to vector<16xi32>
        %and3A_832 = arith.andi %get3A_802, %and3A_831 : vector<16xi32>
        %shift_left3A_833 = arith.constant 3 : i32
        %shift_left3A_834 = vector.broadcast %shift_left3A_833 : i32 to vector<16xi32>
        %shift_left3A_835 = arith.shli %and3A_832, %shift_left3A_834 : vector<16xi32>
        %or3A_836 = arith.ori %or3A_829, %shift_left3A_835 : vector<16xi32>
        %swap3A_837 = arith.constant 0 : i32
        %swap3A_838 = arith.index_cast %swap3A_837 : i32 to index
        %swap3A_839 = arith.constant 112 : index
        %swap3A_840 = tpu.vector_load %arg9[%swap3A_838, %swap3A_839] {strides = array<i32>} : memref<2x128xi32, #tpu.memory_space<vmem>>, vector<16xi32>,
        tpu.vector_store %arg9[%swap3A_838, %swap3A_839], %or3A_836 {strides = array<i32>} : memref<2x128xi32, #tpu.memory_space<vmem>>, vector<16xi32>,
        %dma_start3A_841 = arith.constant 0 : i32
        %dma_start3A_842 = arith.constant 0 : i32
        %dma_start3A_843 = arith.constant 0 : i32
        %dma_start3A_844 = arith.constant 0 : i32
        %dma_start3A_845 = tpu.memref_slice %arg10[%dma_start3A_842, %dma_start3A_843, %dma_start3A_844] : memref<2x128x128xi32, #tpu.memory_space<vmem>> -> memref<1x128x128xi32, #tpu.memory_space<vmem>>
        %dma_start3A_846 = tpu.memref_squeeze %dma_start3A_845 : memref<1x128x128xi32, #tpu.memory_space<vmem>> -> memref<128x128xi32, #tpu.memory_space<vmem>>
        %dma_start3A_847 = arith.constant 0 : i32
        %dma_start3A_848 = tpu.memref_slice %arg7[%dma_start3A_841, %dma_start3A_847] : memref<2x128xi32, #tpu.memory_space<vmem>> -> memref<1x128xi32, #tpu.memory_space<vmem>>
        %dma_start3A_849 = tpu.memref_squeeze %dma_start3A_848 : memref<1x128xi32, #tpu.memory_space<vmem>> -> memref<128xi32, #tpu.memory_space<vmem>>
        %dma_start3A_850 = arith.constant 0 : i32
        %dma_start3A_851 = arith.constant 0 : i32
        %dma_start3A_852 = tpu.memref_slice %arg3[%dma_start3A_850, %dma_start3A_851] : memref<250000x128xi32, #tpu.memory_space<hbm>> -> memref<250000x128xi32, #tpu.memory_space<hbm>>
        tpu.enqueue_indirect_dma source(%dma_start3A_852 : memref<250000x128xi32, #tpu.memory_space<hbm>>) target(%dma_start3A_846 : memref<128x128xi32, #tpu.memory_space<vmem>>) offsets(%dma_start3A_849 : memref<128xi32, #tpu.memory_space<vmem>>) semaphore(%arg13 : memref<!tpu.dma_semaphore, #tpu.memory_space<semaphore_mem>>)
        %dma_start3A_853 = arith.constant 0 : i32
        %dma_start3A_854 = arith.constant 0 : i32
        %dma_start3A_855 = arith.constant 0 : i32
        %dma_start3A_856 = arith.constant 0 : i32
        %dma_start3A_857 = tpu.memref_slice %arg11[%dma_start3A_854, %dma_start3A_855, %dma_start3A_856] : memref<2x128x128xi32, #tpu.memory_space<vmem>> -> memref<1x128x128xi32, #tpu.memory_space<vmem>>
        %dma_start3A_858 = tpu.memref_squeeze %dma_start3A_857 : memref<1x128x128xi32, #tpu.memory_space<vmem>> -> memref<128x128xi32, #tpu.memory_space<vmem>>
        %dma_start3A_859 = arith.constant 0 : i32
        %dma_start3A_860 = tpu.memref_slice %arg8[%dma_start3A_853, %dma_start3A_859] : memref<2x128xi32, #tpu.memory_space<vmem>> -> memref<1x128xi32, #tpu.memory_space<vmem>>
        %dma_start3A_861 = tpu.memref_squeeze %dma_start3A_860 : memref<1x128xi32, #tpu.memory_space<vmem>> -> memref<128xi32, #tpu.memory_space<vmem>>
        %dma_start3A_862 = arith.constant 0 : i32
        %dma_start3A_863 = arith.constant 0 : i32
        %dma_start3A_864 = tpu.memref_slice %arg4[%dma_start3A_862, %dma_start3A_863] : memref<15625x128xi32, #tpu.memory_space<hbm>> -> memref<15625x128xi32, #tpu.memory_space<hbm>>
        tpu.enqueue_indirect_dma source(%dma_start3A_864 : memref<15625x128xi32, #tpu.memory_space<hbm>>) target(%dma_start3A_858 : memref<128x128xi32, #tpu.memory_space<vmem>>) offsets(%dma_start3A_861 : memref<128xi32, #tpu.memory_space<vmem>>) semaphore(%arg14 : memref<!tpu.dma_semaphore, #tpu.memory_space<semaphore_mem>>)
      } else {
      }
      %dma_wait3A_440 = arith.constant 1 : i32
      %dma_wait3A_441 = arith.constant 1 : i32
      %dma_wait3A_442 = arith.constant 0 : i32
      %dma_wait3A_443 = arith.constant 0 : i32
      %dma_wait3A_444 = tpu.memref_slice %arg10[%dma_wait3A_441, %dma_wait3A_442, %dma_wait3A_443] : memref<2x128x128xi32, #tpu.memory_space<vmem>> -> memref<1x128x128xi32, #tpu.memory_space<vmem>>
      %dma_wait3A_445 = tpu.memref_squeeze %dma_wait3A_444 : memref<1x128x128xi32, #tpu.memory_space<vmem>> -> memref<128x128xi32, #tpu.memory_space<vmem>>
      %dma_wait3A_446 = arith.constant 0 : i32
      %dma_wait3A_447 = tpu.memref_slice %arg7[%dma_wait3A_440, %dma_wait3A_446] : memref<2x128xi32, #tpu.memory_space<vmem>> -> memref<1x128xi32, #tpu.memory_space<vmem>>
      %dma_wait3A_448 = tpu.memref_squeeze %dma_wait3A_447 : memref<1x128xi32, #tpu.memory_space<vmem>> -> memref<128xi32, #tpu.memory_space<vmem>>
      %dma_wait3A_449 = arith.constant 0 : i32
      %dma_wait3A_450 = arith.constant 0 : i32
      %dma_wait3A_451 = tpu.memref_slice %arg3[%dma_wait3A_449, %dma_wait3A_450] : memref<250000x128xi32, #tpu.memory_space<hbm>> -> memref<250000x128xi32, #tpu.memory_space<hbm>>
      tpu.wait_indirect_dma semaphore(%arg15 : memref<!tpu.dma_semaphore, #tpu.memory_space<semaphore_mem>>) src(%dma_wait3A_451 : memref<250000x128xi32, #tpu.memory_space<hbm>>) dst(%dma_wait3A_445 : memref<128x128xi32, #tpu.memory_space<vmem>>)
      %dma_wait3A_452 = arith.constant 1 : i32
      %dma_wait3A_453 = arith.constant 1 : i32
      %dma_wait3A_454 = arith.constant 0 : i32
      %dma_wait3A_455 = arith.constant 0 : i32
      %dma_wait3A_456 = tpu.memref_slice %arg11[%dma_wait3A_453, %dma_wait3A_454, %dma_wait3A_455] : memref<2x128x128xi32, #tpu.memory_space<vmem>> -> memref<1x128x128xi32, #tpu.memory_space<vmem>>
      %dma_wait3A_457 = tpu.memref_squeeze %dma_wait3A_456 : memref<1x128x128xi32, #tpu.memory_space<vmem>> -> memref<128x128xi32, #tpu.memory_space<vmem>>
      %dma_wait3A_458 = arith.constant 0 : i32
      %dma_wait3A_459 = tpu.memref_slice %arg8[%dma_wait3A_452, %dma_wait3A_458] : memref<2x128xi32, #tpu.memory_space<vmem>> -> memref<1x128xi32, #tpu.memory_space<vmem>>
      %dma_wait3A_460 = tpu.memref_squeeze %dma_wait3A_459 : memref<1x128xi32, #tpu.memory_space<vmem>> -> memref<128xi32, #tpu.memory_space<vmem>>
      %dma_wait3A_461 = arith.constant 0 : i32
      %dma_wait3A_462 = arith.constant 0 : i32
      %dma_wait3A_463 = tpu.memref_slice %arg4[%dma_wait3A_461, %dma_wait3A_462] : memref<15625x128xi32, #tpu.memory_space<hbm>> -> memref<15625x128xi32, #tpu.memory_space<hbm>>
      tpu.wait_indirect_dma semaphore(%arg16 : memref<!tpu.dma_semaphore, #tpu.memory_space<semaphore_mem>>) src(%dma_wait3A_463 : memref<15625x128xi32, #tpu.memory_space<hbm>>) dst(%dma_wait3A_457 : memref<128x128xi32, #tpu.memory_space<vmem>>)
      %gt3A_464 = arith.constant 0 : i32
      %gt3A_465 = arith.cmpi sgt, %scan3A_375, %gt3A_464 : i32
      %convert_element_type3A_466 = arith.extui %gt3A_465 : i1 to i32
      %cond3A_467 = arith.constant 0 : i32
      %cond3A_468 = arith.cmpi ne, %convert_element_type3A_466, %cond3A_467 : i32
      scf.if %cond3A_468 {
        %dma_wait3A_489 = arith.constant 1 : i32
        %dma_wait3A_490 = arith.constant 0 : i32
        %dma_wait3A_491 = arith.constant 0 : i32
        %dma_wait3A_492 = tpu.memref_slice %arg12[%dma_wait3A_489, %dma_wait3A_490, %dma_wait3A_491] : memref<2x128x128xf32, #tpu.memory_space<vmem>> -> memref<1x128x128xf32, #tpu.memory_space<vmem>>
        %dma_wait3A_493 = tpu.memref_squeeze %dma_wait3A_492 : memref<1x128x128xf32, #tpu.memory_space<vmem>> -> memref<128x128xf32, #tpu.memory_space<vmem>>
        %dma_wait3A_494 = arith.constant 0 : i32
        %dma_wait3A_495 = arith.constant 0 : i32
        %dma_wait3A_496 = tpu.memref_slice %arg5[%dma_wait3A_494, %dma_wait3A_495] : memref<327680x128xf32, #tpu.memory_space<hbm>> -> memref<128x128xf32, #tpu.memory_space<hbm>>
        %dma_wait3A_497 = arith.constant 0 : i32
        %dma_wait3A_498 = arith.constant 0 : i32
        %dma_wait3A_499 = tpu.memref_slice %arg5[%dma_wait3A_497, %dma_wait3A_498] : memref<327680x128xf32, #tpu.memory_space<hbm>> -> memref<128x128xf32, #tpu.memory_space<hbm>>
        %dma_wait3A_500 = arith.constant 0 : i32
        %dma_wait3A_501 = arith.constant 0 : i32
        %dma_wait3A_502 = tpu.memref_slice %arg12[%dma_wait3A_489, %dma_wait3A_500, %dma_wait3A_501] : memref<2x128x128xf32, #tpu.memory_space<vmem>> -> memref<1x128x128xf32, #tpu.memory_space<vmem>>
        %dma_wait3A_503 = tpu.memref_squeeze %dma_wait3A_502 : memref<1x128x128xf32, #tpu.memory_space<vmem>> -> memref<128x128xf32, #tpu.memory_space<vmem>>
        tpu.wait_dma2 semaphore(%arg18 : memref<!tpu.dma_semaphore, #tpu.memory_space<semaphore_mem>>) src(%dma_wait3A_503 : memref<128x128xf32, #tpu.memory_space<vmem>>) dst(%dma_wait3A_499 : memref<128x128xf32, #tpu.memory_space<hbm>>)
      } else {
      }
      %parallel_loop3A_469 = arith.constant 0 : i32
      %parallel_loop3A_470 = arith.constant 128 : i32
      %parallel_loop3A_471 = arith.constant 1 : i32
      scf.for %parallel_loop3A_489 = %parallel_loop3A_469 to %parallel_loop3A_470 step %parallel_loop3A_471  : i32 {
        %parallel_loop3A_490 = vector.broadcast %parallel_loop3A_489 : i32 to vector<16xi32>
        %parallel_loop3A_491 = arith.constant 1 : i32
        %parallel_loop3A_492 = arith.constant 0 : i32
        %parallel_loop3A_493 = tpu.memref_slice %arg9[%parallel_loop3A_491, %parallel_loop3A_492] : memref<2x128xi32, #tpu.memory_space<vmem>> -> memref<1x128xi32, #tpu.memory_space<vmem>>
        %parallel_loop3A_494 = tpu.memref_squeeze %parallel_loop3A_493 : memref<1x128xi32, #tpu.memory_space<vmem>> -> memref<128xi32, #tpu.memory_space<vmem>>
        %parallel_loop3A_495 = tpu.vector_load_idx %parallel_loop3A_494[%parallel_loop3A_490] : memref<128xi32, #tpu.memory_space<vmem>>[vector<16xi32>], vector<16xi32>,
        %parallel_loop3A_496 = arith.constant 31 : i32
        %parallel_loop3A_497 = vector.broadcast %parallel_loop3A_496 : i32 to vector<16xi32>
        %parallel_loop3A_498 = arith.andi %parallel_loop3A_495, %parallel_loop3A_497 : vector<16xi32>
        %parallel_loop3A_499 = arith.constant 4 : i32
        %parallel_loop3A_500 = vector.broadcast %parallel_loop3A_499 : i32 to vector<16xi32>
        %parallel_loop3A_501 = arith.shrsi %parallel_loop3A_495, %parallel_loop3A_500 : vector<16xi32>
        %parallel_loop3A_502 = arith.constant 16 : i32
        %parallel_loop3A_503 = vector.broadcast %parallel_loop3A_502 : i32 to vector<16xi32>
        %parallel_loop3A_504 = arith.andi %parallel_loop3A_501, %parallel_loop3A_503 : vector<16xi32>
        %parallel_loop3A_505 = arith.constant 1 : i32
        %parallel_loop3A_506 = arith.index_cast %parallel_loop3A_505 : i32 to index
        %parallel_loop3A_507 = arith.index_cast %parallel_loop3A_489 : i32 to index
        %parallel_loop3A_508 = arith.constant 0 : index
        %parallel_loop3A_509 = tpu.vector_load %arg10[%parallel_loop3A_506, %parallel_loop3A_507, %parallel_loop3A_508] {strides = array<i32>} : memref<2x128x128xi32, #tpu.memory_space<vmem>>, vector<16xi32>,
        %parallel_loop3A_510 = arith.shrsi %parallel_loop3A_509, %parallel_loop3A_498 : vector<16xi32>
        %parallel_loop3A_511 = arith.constant 15 : i32
        %parallel_loop3A_512 = vector.broadcast %parallel_loop3A_511 : i32 to vector<16xi32>
        %parallel_loop3A_513 = arith.andi %parallel_loop3A_510, %parallel_loop3A_512 : vector<16xi32>
        %parallel_loop3A_514 = arith.sitofp %parallel_loop3A_513 : vector<16xi32> to vector<16xf32>
        %parallel_loop3A_515 = arith.constant 8.000000e+00 : f32
        %parallel_loop3A_516 = vector.broadcast %parallel_loop3A_515 : f32 to vector<16xf32>
        %parallel_loop3A_517 = arith.subf %parallel_loop3A_514, %parallel_loop3A_516 : vector<16xf32>
        %parallel_loop3A_518 = arith.constant 1 : i32
        %parallel_loop3A_519 = arith.index_cast %parallel_loop3A_518 : i32 to index
        %parallel_loop3A_520 = arith.index_cast %parallel_loop3A_489 : i32 to index
        %parallel_loop3A_521 = arith.constant 0 : index
        %parallel_loop3A_522 = tpu.vector_load %arg11[%parallel_loop3A_519, %parallel_loop3A_520, %parallel_loop3A_521] {strides = array<i32>} : memref<2x128x128xi32, #tpu.memory_space<vmem>>, vector<16xi32>,
        %parallel_loop3A_523 = arith.shrsi %parallel_loop3A_522, %parallel_loop3A_504 : vector<16xi32>
        %parallel_loop3A_524 = arith.constant 16 : i32
        %parallel_loop3A_525 = vector.broadcast %parallel_loop3A_524 : i32 to vector<16xi32>
        %parallel_loop3A_526 = arith.shli %parallel_loop3A_523, %parallel_loop3A_525 : vector<16xi32>
        %parallel_loop3A_527 = vector.bitcast %parallel_loop3A_526 : vector<16xi32> to vector<16xf32>
        %parallel_loop3A_528 = arith.mulf %parallel_loop3A_517, %parallel_loop3A_527 : vector<16xf32>
        %parallel_loop3A_529 = arith.constant 1 : i32
        %parallel_loop3A_530 = arith.index_cast %parallel_loop3A_529 : i32 to index
        %parallel_loop3A_531 = arith.index_cast %parallel_loop3A_489 : i32 to index
        %parallel_loop3A_532 = arith.constant 0 : index
        %parallel_loop3A_533 = tpu.vector_load %arg12[%parallel_loop3A_530, %parallel_loop3A_531, %parallel_loop3A_532] {strides = array<i32>} : memref<2x128x128xf32, #tpu.memory_space<vmem>>, vector<16xf32>,
        tpu.vector_store %arg12[%parallel_loop3A_530, %parallel_loop3A_531, %parallel_loop3A_532], %parallel_loop3A_528 {strides = array<i32>} : memref<2x128x128xf32, #tpu.memory_space<vmem>>, vector<16xf32>,
        %parallel_loop3A_534 = arith.constant 1 : i32
        %parallel_loop3A_535 = arith.index_cast %parallel_loop3A_534 : i32 to index
        %parallel_loop3A_536 = arith.index_cast %parallel_loop3A_489 : i32 to index
        %parallel_loop3A_537 = arith.constant 16 : index
        %parallel_loop3A_538 = tpu.vector_load %arg10[%parallel_loop3A_535, %parallel_loop3A_536, %parallel_loop3A_537] {strides = array<i32>} : memref<2x128x128xi32, #tpu.memory_space<vmem>>, vector<16xi32>,
        %parallel_loop3A_539 = arith.shrsi %parallel_loop3A_538, %parallel_loop3A_498 : vector<16xi32>
        %parallel_loop3A_540 = arith.constant 15 : i32
        %parallel_loop3A_541 = vector.broadcast %parallel_loop3A_540 : i32 to vector<16xi32>
        %parallel_loop3A_542 = arith.andi %parallel_loop3A_539, %parallel_loop3A_541 : vector<16xi32>
        %parallel_loop3A_543 = arith.sitofp %parallel_loop3A_542 : vector<16xi32> to vector<16xf32>
        %parallel_loop3A_544 = arith.constant 8.000000e+00 : f32
        %parallel_loop3A_545 = vector.broadcast %parallel_loop3A_544 : f32 to vector<16xf32>
        %parallel_loop3A_546 = arith.subf %parallel_loop3A_543, %parallel_loop3A_545 : vector<16xf32>
        %parallel_loop3A_547 = arith.constant 1 : i32
        %parallel_loop3A_548 = arith.index_cast %parallel_loop3A_547 : i32 to index
        %parallel_loop3A_549 = arith.index_cast %parallel_loop3A_489 : i32 to index
        %parallel_loop3A_550 = arith.constant 16 : index
        %parallel_loop3A_551 = tpu.vector_load %arg11[%parallel_loop3A_548, %parallel_loop3A_549, %parallel_loop3A_550] {strides = array<i32>} : memref<2x128x128xi32, #tpu.memory_space<vmem>>, vector<16xi32>,
        %parallel_loop3A_552 = arith.shrsi %parallel_loop3A_551, %parallel_loop3A_504 : vector<16xi32>
        %parallel_loop3A_553 = arith.constant 16 : i32
        %parallel_loop3A_554 = vector.broadcast %parallel_loop3A_553 : i32 to vector<16xi32>
        %parallel_loop3A_555 = arith.shli %parallel_loop3A_552, %parallel_loop3A_554 : vector<16xi32>
        %parallel_loop3A_556 = vector.bitcast %parallel_loop3A_555 : vector<16xi32> to vector<16xf32>
        %parallel_loop3A_557 = arith.mulf %parallel_loop3A_546, %parallel_loop3A_556 : vector<16xf32>
        %parallel_loop3A_558 = arith.constant 1 : i32
        %parallel_loop3A_559 = arith.index_cast %parallel_loop3A_558 : i32 to index
        %parallel_loop3A_560 = arith.index_cast %parallel_loop3A_489 : i32 to index
        %parallel_loop3A_561 = arith.constant 16 : index
        %parallel_loop3A_562 = tpu.vector_load %arg12[%parallel_loop3A_559, %parallel_loop3A_560, %parallel_loop3A_561] {strides = array<i32>} : memref<2x128x128xf32, #tpu.memory_space<vmem>>, vector<16xf32>,
        tpu.vector_store %arg12[%parallel_loop3A_559, %parallel_loop3A_560, %parallel_loop3A_561], %parallel_loop3A_557 {strides = array<i32>} : memref<2x128x128xf32, #tpu.memory_space<vmem>>, vector<16xf32>,
        %parallel_loop3A_563 = arith.constant 1 : i32
        %parallel_loop3A_564 = arith.index_cast %parallel_loop3A_563 : i32 to index
        %parallel_loop3A_565 = arith.index_cast %parallel_loop3A_489 : i32 to index
        %parallel_loop3A_566 = arith.constant 32 : index
        %parallel_loop3A_567 = tpu.vector_load %arg10[%parallel_loop3A_564, %parallel_loop3A_565, %parallel_loop3A_566] {strides = array<i32>} : memref<2x128x128xi32, #tpu.memory_space<vmem>>, vector<16xi32>,
        %parallel_loop3A_568 = arith.shrsi %parallel_loop3A_567, %parallel_loop3A_498 : vector<16xi32>
        %parallel_loop3A_569 = arith.constant 15 : i32
        %parallel_loop3A_570 = vector.broadcast %parallel_loop3A_569 : i32 to vector<16xi32>
        %parallel_loop3A_571 = arith.andi %parallel_loop3A_568, %parallel_loop3A_570 : vector<16xi32>
        %parallel_loop3A_572 = arith.sitofp %parallel_loop3A_571 : vector<16xi32> to vector<16xf32>
        %parallel_loop3A_573 = arith.constant 8.000000e+00 : f32
        %parallel_loop3A_574 = vector.broadcast %parallel_loop3A_573 : f32 to vector<16xf32>
        %parallel_loop3A_575 = arith.subf %parallel_loop3A_572, %parallel_loop3A_574 : vector<16xf32>
        %parallel_loop3A_576 = arith.constant 1 : i32
        %parallel_loop3A_577 = arith.index_cast %parallel_loop3A_576 : i32 to index
        %parallel_loop3A_578 = arith.index_cast %parallel_loop3A_489 : i32 to index
        %parallel_loop3A_579 = arith.constant 32 : index
        %parallel_loop3A_580 = tpu.vector_load %arg11[%parallel_loop3A_577, %parallel_loop3A_578, %parallel_loop3A_579] {strides = array<i32>} : memref<2x128x128xi32, #tpu.memory_space<vmem>>, vector<16xi32>,
        %parallel_loop3A_581 = arith.shrsi %parallel_loop3A_580, %parallel_loop3A_504 : vector<16xi32>
        %parallel_loop3A_582 = arith.constant 16 : i32
        %parallel_loop3A_583 = vector.broadcast %parallel_loop3A_582 : i32 to vector<16xi32>
        %parallel_loop3A_584 = arith.shli %parallel_loop3A_581, %parallel_loop3A_583 : vector<16xi32>
        %parallel_loop3A_585 = vector.bitcast %parallel_loop3A_584 : vector<16xi32> to vector<16xf32>
        %parallel_loop3A_586 = arith.mulf %parallel_loop3A_575, %parallel_loop3A_585 : vector<16xf32>
        %parallel_loop3A_587 = arith.constant 1 : i32
        %parallel_loop3A_588 = arith.index_cast %parallel_loop3A_587 : i32 to index
        %parallel_loop3A_589 = arith.index_cast %parallel_loop3A_489 : i32 to index
        %parallel_loop3A_590 = arith.constant 32 : index
        %parallel_loop3A_591 = tpu.vector_load %arg12[%parallel_loop3A_588, %parallel_loop3A_589, %parallel_loop3A_590] {strides = array<i32>} : memref<2x128x128xf32, #tpu.memory_space<vmem>>, vector<16xf32>,
        tpu.vector_store %arg12[%parallel_loop3A_588, %parallel_loop3A_589, %parallel_loop3A_590], %parallel_loop3A_586 {strides = array<i32>} : memref<2x128x128xf32, #tpu.memory_space<vmem>>, vector<16xf32>,
        %parallel_loop3A_592 = arith.constant 1 : i32
        %parallel_loop3A_593 = arith.index_cast %parallel_loop3A_592 : i32 to index
        %parallel_loop3A_594 = arith.index_cast %parallel_loop3A_489 : i32 to index
        %parallel_loop3A_595 = arith.constant 48 : index
        %parallel_loop3A_596 = tpu.vector_load %arg10[%parallel_loop3A_593, %parallel_loop3A_594, %parallel_loop3A_595] {strides = array<i32>} : memref<2x128x128xi32, #tpu.memory_space<vmem>>, vector<16xi32>,
        %parallel_loop3A_597 = arith.shrsi %parallel_loop3A_596, %parallel_loop3A_498 : vector<16xi32>
        %parallel_loop3A_598 = arith.constant 15 : i32
        %parallel_loop3A_599 = vector.broadcast %parallel_loop3A_598 : i32 to vector<16xi32>
        %parallel_loop3A_600 = arith.andi %parallel_loop3A_597, %parallel_loop3A_599 : vector<16xi32>
        %parallel_loop3A_601 = arith.sitofp %parallel_loop3A_600 : vector<16xi32> to vector<16xf32>
        %parallel_loop3A_602 = arith.constant 8.000000e+00 : f32
        %parallel_loop3A_603 = vector.broadcast %parallel_loop3A_602 : f32 to vector<16xf32>
        %parallel_loop3A_604 = arith.subf %parallel_loop3A_601, %parallel_loop3A_603 : vector<16xf32>
        %parallel_loop3A_605 = arith.constant 1 : i32
        %parallel_loop3A_606 = arith.index_cast %parallel_loop3A_605 : i32 to index
        %parallel_loop3A_607 = arith.index_cast %parallel_loop3A_489 : i32 to index
        %parallel_loop3A_608 = arith.constant 48 : index
        %parallel_loop3A_609 = tpu.vector_load %arg11[%parallel_loop3A_606, %parallel_loop3A_607, %parallel_loop3A_608] {strides = array<i32>} : memref<2x128x128xi32, #tpu.memory_space<vmem>>, vector<16xi32>,
        %parallel_loop3A_610 = arith.shrsi %parallel_loop3A_609, %parallel_loop3A_504 : vector<16xi32>
        %parallel_loop3A_611 = arith.constant 16 : i32
        %parallel_loop3A_612 = vector.broadcast %parallel_loop3A_611 : i32 to vector<16xi32>
        %parallel_loop3A_613 = arith.shli %parallel_loop3A_610, %parallel_loop3A_612 : vector<16xi32>
        %parallel_loop3A_614 = vector.bitcast %parallel_loop3A_613 : vector<16xi32> to vector<16xf32>
        %parallel_loop3A_615 = arith.mulf %parallel_loop3A_604, %parallel_loop3A_614 : vector<16xf32>
        %parallel_loop3A_616 = arith.constant 1 : i32
        %parallel_loop3A_617 = arith.index_cast %parallel_loop3A_616 : i32 to index
        %parallel_loop3A_618 = arith.index_cast %parallel_loop3A_489 : i32 to index
        %parallel_loop3A_619 = arith.constant 48 : index
        %parallel_loop3A_620 = tpu.vector_load %arg12[%parallel_loop3A_617, %parallel_loop3A_618, %parallel_loop3A_619] {strides = array<i32>} : memref<2x128x128xf32, #tpu.memory_space<vmem>>, vector<16xf32>,
        tpu.vector_store %arg12[%parallel_loop3A_617, %parallel_loop3A_618, %parallel_loop3A_619], %parallel_loop3A_615 {strides = array<i32>} : memref<2x128x128xf32, #tpu.memory_space<vmem>>, vector<16xf32>,
        %parallel_loop3A_621 = arith.constant 1 : i32
        %parallel_loop3A_622 = arith.index_cast %parallel_loop3A_621 : i32 to index
        %parallel_loop3A_623 = arith.index_cast %parallel_loop3A_489 : i32 to index
        %parallel_loop3A_624 = arith.constant 64 : index
        %parallel_loop3A_625 = tpu.vector_load %arg10[%parallel_loop3A_622, %parallel_loop3A_623, %parallel_loop3A_624] {strides = array<i32>} : memref<2x128x128xi32, #tpu.memory_space<vmem>>, vector<16xi32>,
        %parallel_loop3A_626 = arith.shrsi %parallel_loop3A_625, %parallel_loop3A_498 : vector<16xi32>
        %parallel_loop3A_627 = arith.constant 15 : i32
        %parallel_loop3A_628 = vector.broadcast %parallel_loop3A_627 : i32 to vector<16xi32>
        %parallel_loop3A_629 = arith.andi %parallel_loop3A_626, %parallel_loop3A_628 : vector<16xi32>
        %parallel_loop3A_630 = arith.sitofp %parallel_loop3A_629 : vector<16xi32> to vector<16xf32>
        %parallel_loop3A_631 = arith.constant 8.000000e+00 : f32
        %parallel_loop3A_632 = vector.broadcast %parallel_loop3A_631 : f32 to vector<16xf32>
        %parallel_loop3A_633 = arith.subf %parallel_loop3A_630, %parallel_loop3A_632 : vector<16xf32>
        %parallel_loop3A_634 = arith.constant 1 : i32
        %parallel_loop3A_635 = arith.index_cast %parallel_loop3A_634 : i32 to index
        %parallel_loop3A_636 = arith.index_cast %parallel_loop3A_489 : i32 to index
        %parallel_loop3A_637 = arith.constant 64 : index
        %parallel_loop3A_638 = tpu.vector_load %arg11[%parallel_loop3A_635, %parallel_loop3A_636, %parallel_loop3A_637] {strides = array<i32>} : memref<2x128x128xi32, #tpu.memory_space<vmem>>, vector<16xi32>,
        %parallel_loop3A_639 = arith.shrsi %parallel_loop3A_638, %parallel_loop3A_504 : vector<16xi32>
        %parallel_loop3A_640 = arith.constant 16 : i32
        %parallel_loop3A_641 = vector.broadcast %parallel_loop3A_640 : i32 to vector<16xi32>
        %parallel_loop3A_642 = arith.shli %parallel_loop3A_639, %parallel_loop3A_641 : vector<16xi32>
        %parallel_loop3A_643 = vector.bitcast %parallel_loop3A_642 : vector<16xi32> to vector<16xf32>
        %parallel_loop3A_644 = arith.mulf %parallel_loop3A_633, %parallel_loop3A_643 : vector<16xf32>
        %parallel_loop3A_645 = arith.constant 1 : i32
        %parallel_loop3A_646 = arith.index_cast %parallel_loop3A_645 : i32 to index
        %parallel_loop3A_647 = arith.index_cast %parallel_loop3A_489 : i32 to index
        %parallel_loop3A_648 = arith.constant 64 : index
        %parallel_loop3A_649 = tpu.vector_load %arg12[%parallel_loop3A_646, %parallel_loop3A_647, %parallel_loop3A_648] {strides = array<i32>} : memref<2x128x128xf32, #tpu.memory_space<vmem>>, vector<16xf32>,
        tpu.vector_store %arg12[%parallel_loop3A_646, %parallel_loop3A_647, %parallel_loop3A_648], %parallel_loop3A_644 {strides = array<i32>} : memref<2x128x128xf32, #tpu.memory_space<vmem>>, vector<16xf32>,
        %parallel_loop3A_650 = arith.constant 1 : i32
        %parallel_loop3A_651 = arith.index_cast %parallel_loop3A_650 : i32 to index
        %parallel_loop3A_652 = arith.index_cast %parallel_loop3A_489 : i32 to index
        %parallel_loop3A_653 = arith.constant 80 : index
        %parallel_loop3A_654 = tpu.vector_load %arg10[%parallel_loop3A_651, %parallel_loop3A_652, %parallel_loop3A_653] {strides = array<i32>} : memref<2x128x128xi32, #tpu.memory_space<vmem>>, vector<16xi32>,
        %parallel_loop3A_655 = arith.shrsi %parallel_loop3A_654, %parallel_loop3A_498 : vector<16xi32>
        %parallel_loop3A_656 = arith.constant 15 : i32
        %parallel_loop3A_657 = vector.broadcast %parallel_loop3A_656 : i32 to vector<16xi32>
        %parallel_loop3A_658 = arith.andi %parallel_loop3A_655, %parallel_loop3A_657 : vector<16xi32>
        %parallel_loop3A_659 = arith.sitofp %parallel_loop3A_658 : vector<16xi32> to vector<16xf32>
        %parallel_loop3A_660 = arith.constant 8.000000e+00 : f32
        %parallel_loop3A_661 = vector.broadcast %parallel_loop3A_660 : f32 to vector<16xf32>
        %parallel_loop3A_662 = arith.subf %parallel_loop3A_659, %parallel_loop3A_661 : vector<16xf32>
        %parallel_loop3A_663 = arith.constant 1 : i32
        %parallel_loop3A_664 = arith.index_cast %parallel_loop3A_663 : i32 to index
        %parallel_loop3A_665 = arith.index_cast %parallel_loop3A_489 : i32 to index
        %parallel_loop3A_666 = arith.constant 80 : index
        %parallel_loop3A_667 = tpu.vector_load %arg11[%parallel_loop3A_664, %parallel_loop3A_665, %parallel_loop3A_666] {strides = array<i32>} : memref<2x128x128xi32, #tpu.memory_space<vmem>>, vector<16xi32>,
        %parallel_loop3A_668 = arith.shrsi %parallel_loop3A_667, %parallel_loop3A_504 : vector<16xi32>
        %parallel_loop3A_669 = arith.constant 16 : i32
        %parallel_loop3A_670 = vector.broadcast %parallel_loop3A_669 : i32 to vector<16xi32>
        %parallel_loop3A_671 = arith.shli %parallel_loop3A_668, %parallel_loop3A_670 : vector<16xi32>
        %parallel_loop3A_672 = vector.bitcast %parallel_loop3A_671 : vector<16xi32> to vector<16xf32>
        %parallel_loop3A_673 = arith.mulf %parallel_loop3A_662, %parallel_loop3A_672 : vector<16xf32>
        %parallel_loop3A_674 = arith.constant 1 : i32
        %parallel_loop3A_675 = arith.index_cast %parallel_loop3A_674 : i32 to index
        %parallel_loop3A_676 = arith.index_cast %parallel_loop3A_489 : i32 to index
        %parallel_loop3A_677 = arith.constant 80 : index
        %parallel_loop3A_678 = tpu.vector_load %arg12[%parallel_loop3A_675, %parallel_loop3A_676, %parallel_loop3A_677] {strides = array<i32>} : memref<2x128x128xf32, #tpu.memory_space<vmem>>, vector<16xf32>,
        tpu.vector_store %arg12[%parallel_loop3A_675, %parallel_loop3A_676, %parallel_loop3A_677], %parallel_loop3A_673 {strides = array<i32>} : memref<2x128x128xf32, #tpu.memory_space<vmem>>, vector<16xf32>,
        %parallel_loop3A_679 = arith.constant 1 : i32
        %parallel_loop3A_680 = arith.index_cast %parallel_loop3A_679 : i32 to index
        %parallel_loop3A_681 = arith.index_cast %parallel_loop3A_489 : i32 to index
        %parallel_loop3A_682 = arith.constant 96 : index
        %parallel_loop3A_683 = tpu.vector_load %arg10[%parallel_loop3A_680, %parallel_loop3A_681, %parallel_loop3A_682] {strides = array<i32>} : memref<2x128x128xi32, #tpu.memory_space<vmem>>, vector<16xi32>,
        %parallel_loop3A_684 = arith.shrsi %parallel_loop3A_683, %parallel_loop3A_498 : vector<16xi32>
        %parallel_loop3A_685 = arith.constant 15 : i32
        %parallel_loop3A_686 = vector.broadcast %parallel_loop3A_685 : i32 to vector<16xi32>
        %parallel_loop3A_687 = arith.andi %parallel_loop3A_684, %parallel_loop3A_686 : vector<16xi32>
        %parallel_loop3A_688 = arith.sitofp %parallel_loop3A_687 : vector<16xi32> to vector<16xf32>
        %parallel_loop3A_689 = arith.constant 8.000000e+00 : f32
        %parallel_loop3A_690 = vector.broadcast %parallel_loop3A_689 : f32 to vector<16xf32>
        %parallel_loop3A_691 = arith.subf %parallel_loop3A_688, %parallel_loop3A_690 : vector<16xf32>
        %parallel_loop3A_692 = arith.constant 1 : i32
        %parallel_loop3A_693 = arith.index_cast %parallel_loop3A_692 : i32 to index
        %parallel_loop3A_694 = arith.index_cast %parallel_loop3A_489 : i32 to index
        %parallel_loop3A_695 = arith.constant 96 : index
        %parallel_loop3A_696 = tpu.vector_load %arg11[%parallel_loop3A_693, %parallel_loop3A_694, %parallel_loop3A_695] {strides = array<i32>} : memref<2x128x128xi32, #tpu.memory_space<vmem>>, vector<16xi32>,
        %parallel_loop3A_697 = arith.shrsi %parallel_loop3A_696, %parallel_loop3A_504 : vector<16xi32>
        %parallel_loop3A_698 = arith.constant 16 : i32
        %parallel_loop3A_699 = vector.broadcast %parallel_loop3A_698 : i32 to vector<16xi32>
        %parallel_loop3A_700 = arith.shli %parallel_loop3A_697, %parallel_loop3A_699 : vector<16xi32>
        %parallel_loop3A_701 = vector.bitcast %parallel_loop3A_700 : vector<16xi32> to vector<16xf32>
        %parallel_loop3A_702 = arith.mulf %parallel_loop3A_691, %parallel_loop3A_701 : vector<16xf32>
        %parallel_loop3A_703 = arith.constant 1 : i32
        %parallel_loop3A_704 = arith.index_cast %parallel_loop3A_703 : i32 to index
        %parallel_loop3A_705 = arith.index_cast %parallel_loop3A_489 : i32 to index
        %parallel_loop3A_706 = arith.constant 96 : index
        %parallel_loop3A_707 = tpu.vector_load %arg12[%parallel_loop3A_704, %parallel_loop3A_705, %parallel_loop3A_706] {strides = array<i32>} : memref<2x128x128xf32, #tpu.memory_space<vmem>>, vector<16xf32>,
        tpu.vector_store %arg12[%parallel_loop3A_704, %parallel_loop3A_705, %parallel_loop3A_706], %parallel_loop3A_702 {strides = array<i32>} : memref<2x128x128xf32, #tpu.memory_space<vmem>>, vector<16xf32>,
        %parallel_loop3A_708 = arith.constant 1 : i32
        %parallel_loop3A_709 = arith.index_cast %parallel_loop3A_708 : i32 to index
        %parallel_loop3A_710 = arith.index_cast %parallel_loop3A_489 : i32 to index
        %parallel_loop3A_711 = arith.constant 112 : index
        %parallel_loop3A_712 = tpu.vector_load %arg10[%parallel_loop3A_709, %parallel_loop3A_710, %parallel_loop3A_711] {strides = array<i32>} : memref<2x128x128xi32, #tpu.memory_space<vmem>>, vector<16xi32>,
        %parallel_loop3A_713 = arith.shrsi %parallel_loop3A_712, %parallel_loop3A_498 : vector<16xi32>
        %parallel_loop3A_714 = arith.constant 15 : i32
        %parallel_loop3A_715 = vector.broadcast %parallel_loop3A_714 : i32 to vector<16xi32>
        %parallel_loop3A_716 = arith.andi %parallel_loop3A_713, %parallel_loop3A_715 : vector<16xi32>
        %parallel_loop3A_717 = arith.sitofp %parallel_loop3A_716 : vector<16xi32> to vector<16xf32>
        %parallel_loop3A_718 = arith.constant 8.000000e+00 : f32
        %parallel_loop3A_719 = vector.broadcast %parallel_loop3A_718 : f32 to vector<16xf32>
        %parallel_loop3A_720 = arith.subf %parallel_loop3A_717, %parallel_loop3A_719 : vector<16xf32>
        %parallel_loop3A_721 = arith.constant 1 : i32
        %parallel_loop3A_722 = arith.index_cast %parallel_loop3A_721 : i32 to index
        %parallel_loop3A_723 = arith.index_cast %parallel_loop3A_489 : i32 to index
        %parallel_loop3A_724 = arith.constant 112 : index
        %parallel_loop3A_725 = tpu.vector_load %arg11[%parallel_loop3A_722, %parallel_loop3A_723, %parallel_loop3A_724] {strides = array<i32>} : memref<2x128x128xi32, #tpu.memory_space<vmem>>, vector<16xi32>,
        %parallel_loop3A_726 = arith.shrsi %parallel_loop3A_725, %parallel_loop3A_504 : vector<16xi32>
        %parallel_loop3A_727 = arith.constant 16 : i32
        %parallel_loop3A_728 = vector.broadcast %parallel_loop3A_727 : i32 to vector<16xi32>
        %parallel_loop3A_729 = arith.shli %parallel_loop3A_726, %parallel_loop3A_728 : vector<16xi32>
        %parallel_loop3A_730 = vector.bitcast %parallel_loop3A_729 : vector<16xi32> to vector<16xf32>
        %parallel_loop3A_731 = arith.mulf %parallel_loop3A_720, %parallel_loop3A_730 : vector<16xf32>
        %parallel_loop3A_732 = arith.constant 1 : i32
        %parallel_loop3A_733 = arith.index_cast %parallel_loop3A_732 : i32 to index
        %parallel_loop3A_734 = arith.index_cast %parallel_loop3A_489 : i32 to index
        %parallel_loop3A_735 = arith.constant 112 : index
        %parallel_loop3A_736 = tpu.vector_load %arg12[%parallel_loop3A_733, %parallel_loop3A_734, %parallel_loop3A_735] {strides = array<i32>} : memref<2x128x128xf32, #tpu.memory_space<vmem>>, vector<16xf32>,
        tpu.vector_store %arg12[%parallel_loop3A_733, %parallel_loop3A_734, %parallel_loop3A_735], %parallel_loop3A_731 {strides = array<i32>} : memref<2x128x128xf32, #tpu.memory_space<vmem>>, vector<16xf32>,
      } {sc.loop_unroll_factor = 2 : i64, sc.parallel_access}
      %mul3A_472 = arith.constant 128 : i32
      %mul3A_473 = arith.muli %add3A_432, %mul3A_472 : i32
      %add3A_474 = arith.addi %mul3A_2, %mul3A_473 : i32
      %dma_start3A_475 = arith.constant 1 : i32
      %dma_start3A_476 = arith.constant 0 : i32
      %dma_start3A_477 = arith.constant 0 : i32
      %dma_start3A_478 = tpu.memref_slice %arg12[%dma_start3A_475, %dma_start3A_476, %dma_start3A_477] : memref<2x128x128xf32, #tpu.memory_space<vmem>> -> memref<1x128x128xf32, #tpu.memory_space<vmem>>
      %dma_start3A_479 = tpu.memref_squeeze %dma_start3A_478 : memref<1x128x128xf32, #tpu.memory_space<vmem>> -> memref<128x128xf32, #tpu.memory_space<vmem>>
      %dma_start3A_480 = arith.constant 0 : i32
      %dma_start3A_481 = tpu.memref_slice %arg5[%add3A_474, %dma_start3A_480] : memref<327680x128xf32, #tpu.memory_space<hbm>> -> memref<128x128xf32, #tpu.memory_space<hbm>>
      %dma_start3A_482 = arith.constant 0 : i32
      %dma_start3A_483 = tpu.memref_slice %arg5[%add3A_474, %dma_start3A_482] : memref<327680x128xf32, #tpu.memory_space<hbm>> -> memref<128x128xf32, #tpu.memory_space<hbm>>
      %dma_start3A_484 = arith.constant 0 : i32
      %dma_start3A_485 = arith.constant 0 : i32
      %dma_start3A_486 = tpu.memref_slice %arg12[%dma_start3A_475, %dma_start3A_484, %dma_start3A_485] : memref<2x128x128xf32, #tpu.memory_space<vmem>> -> memref<1x128x128xf32, #tpu.memory_space<vmem>>
      %dma_start3A_487 = tpu.memref_squeeze %dma_start3A_486 : memref<1x128x128xf32, #tpu.memory_space<vmem>> -> memref<128x128xf32, #tpu.memory_space<vmem>>
      tpu.enqueue_dma source(%dma_start3A_487 : memref<128x128xf32, #tpu.memory_space<vmem>>) target(%dma_start3A_483 : memref<128x128xf32, #tpu.memory_space<hbm>>) target_semaphore(%arg18 : memref<!tpu.dma_semaphore, #tpu.memory_space<semaphore_mem>>)
      %scan3A_488 = arith.constant 0 : i32
      scf.yield %scan3A_488 : i32
    }
    %scan3A_345 = arith.constant 40 : i32
    %dma_wait3A = arith.constant 0 : i32
    %dma_wait3A_346 = arith.constant 0 : i32
    %dma_wait3A_347 = arith.constant 0 : i32
    %dma_wait3A_348 = tpu.memref_slice %arg12[%dma_wait3A, %dma_wait3A_346, %dma_wait3A_347] : memref<2x128x128xf32, #tpu.memory_space<vmem>> -> memref<1x128x128xf32, #tpu.memory_space<vmem>>
    %dma_wait3A_349 = tpu.memref_squeeze %dma_wait3A_348 : memref<1x128x128xf32, #tpu.memory_space<vmem>> -> memref<128x128xf32, #tpu.memory_space<vmem>>
    %dma_wait3A_350 = arith.constant 0 : i32
    %dma_wait3A_351 = arith.constant 0 : i32
    %dma_wait3A_352 = tpu.memref_slice %arg5[%dma_wait3A_350, %dma_wait3A_351] : memref<327680x128xf32, #tpu.memory_space<hbm>> -> memref<128x128xf32, #tpu.memory_space<hbm>>
    %dma_wait3A_353 = arith.constant 0 : i32
    %dma_wait3A_354 = arith.constant 0 : i32
    %dma_wait3A_355 = tpu.memref_slice %arg5[%dma_wait3A_353, %dma_wait3A_354] : memref<327680x128xf32, #tpu.memory_space<hbm>> -> memref<128x128xf32, #tpu.memory_space<hbm>>
    %dma_wait3A_356 = arith.constant 0 : i32
    %dma_wait3A_357 = arith.constant 0 : i32
    %dma_wait3A_358 = tpu.memref_slice %arg12[%dma_wait3A, %dma_wait3A_356, %dma_wait3A_357] : memref<2x128x128xf32, #tpu.memory_space<vmem>> -> memref<1x128x128xf32, #tpu.memory_space<vmem>>
    %dma_wait3A_359 = tpu.memref_squeeze %dma_wait3A_358 : memref<1x128x128xf32, #tpu.memory_space<vmem>> -> memref<128x128xf32, #tpu.memory_space<vmem>>
    tpu.wait_dma2 semaphore(%arg17 : memref<!tpu.dma_semaphore, #tpu.memory_space<semaphore_mem>>) src(%dma_wait3A_359 : memref<128x128xf32, #tpu.memory_space<vmem>>) dst(%dma_wait3A_355 : memref<128x128xf32, #tpu.memory_space<hbm>>)
    %dma_wait3A_360 = arith.constant 1 : i32
    %dma_wait3A_361 = arith.constant 0 : i32
    %dma_wait3A_362 = arith.constant 0 : i32
    %dma_wait3A_363 = tpu.memref_slice %arg12[%dma_wait3A_360, %dma_wait3A_361, %dma_wait3A_362] : memref<2x128x128xf32, #tpu.memory_space<vmem>> -> memref<1x128x128xf32, #tpu.memory_space<vmem>>
    %dma_wait3A_364 = tpu.memref_squeeze %dma_wait3A_363 : memref<1x128x128xf32, #tpu.memory_space<vmem>> -> memref<128x128xf32, #tpu.memory_space<vmem>>
    %dma_wait3A_365 = arith.constant 0 : i32
    %dma_wait3A_366 = arith.constant 0 : i32
    %dma_wait3A_367 = tpu.memref_slice %arg5[%dma_wait3A_365, %dma_wait3A_366] : memref<327680x128xf32, #tpu.memory_space<hbm>> -> memref<128x128xf32, #tpu.memory_space<hbm>>
    %dma_wait3A_368 = arith.constant 0 : i32
    %dma_wait3A_369 = arith.constant 0 : i32
    %dma_wait3A_370 = tpu.memref_slice %arg5[%dma_wait3A_368, %dma_wait3A_369] : memref<327680x128xf32, #tpu.memory_space<hbm>> -> memref<128x128xf32, #tpu.memory_space<hbm>>
    %dma_wait3A_371 = arith.constant 0 : i32
    %dma_wait3A_372 = arith.constant 0 : i32
    %dma_wait3A_373 = tpu.memref_slice %arg12[%dma_wait3A_360, %dma_wait3A_371, %dma_wait3A_372] : memref<2x128x128xf32, #tpu.memory_space<vmem>> -> memref<1x128x128xf32, #tpu.memory_space<vmem>>
    %dma_wait3A_374 = tpu.memref_squeeze %dma_wait3A_373 : memref<1x128x128xf32, #tpu.memory_space<vmem>> -> memref<128x128xf32, #tpu.memory_space<vmem>>
    tpu.wait_dma2 semaphore(%arg18 : memref<!tpu.dma_semaphore, #tpu.memory_space<semaphore_mem>>) src(%dma_wait3A_374 : memref<128x128xf32, #tpu.memory_space<vmem>>) dst(%dma_wait3A_370 : memref<128x128xf32, #tpu.memory_space<hbm>>)
    return
  }
}

</mosaic_0001>

<sc_bundles>
// kernel: kernel.3.cloned.1.call-start
scs
__scs_entry_jumppad:
0x0: {  	(pc) =	sbr.rel $0x88, $3  }
0x1: {  	(tag) =	ssettag $0x0;
	lr =	simm.s32 $0x1  }
0x2: {  	[smem:$0x3F9E] =	sst lr;
	_ =	strace $0xD0000000  }
0x3: {  	_ = 	snop  }
0x4: {  	_ = 	snop  }
0x5: {  	_ = 	snop  }
0x6: {  	_ = 	snop  }
0x7: {  	_ = 	snop  }
__scs_overlays_trampoline_lowered:
0x8: {  	[smem:$0x3FAD] =	sst s0  }
0x9: {  	[smem:$0x3FAE] =	sst s1  }
0xa: {  	[smem:$0x3FAF] =	sst s2  }
0xb: {  	[smem:$0x3FB0] =	sst s3  }
0xc: {  	[smem:$0x3FB1] =	sst s4  }
0xd: {  	[smem:$0x3FB2] =	sst s5  }
0xe: {  	[smem:$0x3FB3] =	sst s6  }
0xf: {  	[smem:$0x3FB4] =	sst s7  }
0x10: {  	[smem:$0x3FB5] =	sst s8  }
0x11: {  	[smem:$0x3FB6] =	sst s9;
	s0 =	simm.s32 @!p0 $0x0  }
0x12: {  	s1 =	sld [smem:$0x3F9C];
	s0 =	simm.s32 @p0 $0x1  }
0x13: {  	[smem:$0x3FB7] =	sst s0;
	s0 =	simm.s32 @!p1 $0x0  }
0x14: {  	s2 =	sld [smem:$0x3F9B];
	s0 =	simm.s32 @p1 $0x1  }
0x15: {  	[smem:$0x3FB8] =	sst s0;
	s0 =	simm.s32 @!p2 $0x0  }
0x16: {  	s3 =	sld [smem:$0x3FDB];
	s0 =	simm.s32 @p2 $0x1  }
0x17: {  	s4 =	simm.s32 $0x1BF5;
	[smem:$0x3FBA] =	sst s0  }
0x18: {  	s0 =	sld [smem:$0x3F9D];
	_ =	swait.ge [sflag:s4], $0x0  }
0x19: {  	s7 =	sld [smem:$0x3F9E]  }
0x1a: {  	s8 =	sadd.s32 $0xFFFFE003, lr  }
0x1b: {  	s9 =	sadd.s32 $0xFFFFFEF7, lr;
	s5 =	simm.s32 $0xFFFFFFFF;
	p2 =	slt.u32 s8, $0xFFFFF086  }
0x1c: {  	p1 =	slt.u32 s9, $0xF7A;
	s5 =	simm.s32 @!p2 $0x0  }
0x1d: {  	s5 =	simm.s32 @p1 $0x1;
	p0 =	seq.s32 s7, s2  }
0x1e: {  	s7 =	smul.u32 @!p0 $0xF7A, s2;
	p2 =	seq.s32 @!p0 s5, $0x0  }
0x1f: {  	s9 =	smul.u32 $0xF7A, s1;
	s8 =	simm.s32 @!p0 $0x1BF5;
	p2 =	por !p2, p0  }
0x20: {  	[sflag:s8] =	ssyncset.s32 @!p0 $0xFFFFF086;
	s6 =	sadd.s32 @!p0 s3, s7;
	s7 =	simm.s32 @!p0 $0x108  }
0x21: {  	s3 =	sadd.s32 s3, s9;
	s6 =	sadd.s32 @!p0 $0x88, s6;
	s7 =	simm.s32 @p2 $0x1082  }
0x22: {  	[simem:s7], [sflag:s8] =	dma.local @!p0 [hbm:s6], $0xF7A  }
0x23: {  	s9 =	sor.u32 $0xD0000000, s2;
	s6 =	simm.s32 $0x108;
	_ =	swait.ge @!p0 [sflag:s8], $0x0  }
0x24: {  	s3 =	sadd.s32 $0x88, s3;
	s6 =	simm.s32 @!p1 $0x1082;
	[sflag:s4] =	ssyncset.s32 $0xFFFFF086  }
0x25: {  	[simem:s6], [sflag:s4] =	dma.local [hbm:s3], $0xF7A  }
0x26: {  	[smem:$0x3F9E] =	sst s1;
	(tag) =	ssettag s2;
	_ =	strace s9  }
0x27: {  	s1 =	sld [smem:$0x3FAE]  }
0x28: {  	s2 =	sld [smem:$0x3FAF]  }
0x29: {  	s4 =	sld [smem:$0x3FB1]  }
0x2a: {  	p0 =	seq.s32 s5, $0x0;
	s5 =	sld [smem:$0x3FB2]  }
0x2b: {  	s6 =	sld [smem:$0x3FB3]  }
0x2c: {  	s7 =	sld [smem:$0x3FB4]  }
0x2d: {  	s3 =	simm.s32 $0x108;
	s8 =	sld [smem:$0x3FB5]  }
0x2e: {  	s3 =	simm.s32 @!p0 $0x1082;
	s9 =	sld [smem:$0x3FB6]  }
0x2f: {  	lr =	sadd.s32 s0, s3;
	s0 =	sld [smem:$0x3FAD]  }
0x30: {  	s3 =	sld [smem:$0x3FB0]  }
0x31: {  	[smem:$0x3FB9] =	sst s10  }
0x32: {  	s10 =	sld [smem:$0x3FB7];
	_ =	sdelay $0x3  }
0x33: {  	p0 =	seq.s32 s10, $0x1;
	s10 =	sld [smem:$0x3FB9];
	_ =	sdelay $0x3  }
0x34: {  	[smem:$0x3FB9] =	sst s10  }
0x35: {  	s10 =	sld [smem:$0x3FB8];
	_ =	sdelay $0x3  }
0x36: {  	p1 =	seq.s32 s10, $0x1;
	s10 =	sld [smem:$0x3FB9];
	_ =	sdelay $0x3  }
0x37: {  	[smem:$0x3FB9] =	sst s10  }
0x38: {  	s10 =	sld [smem:$0x3FBA]  }
0x39: {  	_ = 	snop;
	(pc) =	sbr.ind lr, $3  }
0x3a: {  	_ = 	snop  }
0x3b: {  	_ = 	snop  }
0x3c: {  	p2 =	seq.s32 s10, $0x1;
	s10 =	sld [smem:$0x3FB9]  }
0x3d: {  	_ =	shalt  }
0x3e: {  	_ =	shalt  }
0x3f: {  	_ =	shalt  }
0x40: {  	_ =	shalt  }
0x41: {  	_ =	shalt  }
0x42: {  	_ =	shalt  }
0x43: {  	_ =	shalt  }
0x44: {  	_ =	shalt  }
0x45: {  	_ =	shalt  }
0x46: {  	_ =	shalt  }
0x47: {  	_ =	shalt  }
0x48: {  	_ =	shalt  }
0x49: {  	_ =	shalt  }
0x4a: {  	_ =	shalt  }
0x4b: {  	_ =	shalt  }
0x4c: {  	_ =	shalt  }
0x4d: {  	_ =	shalt  }
0x4e: {  	_ =	shalt  }
0x4f: {  	_ =	shalt  }
0x50: {  	_ =	shalt  }
0x51: {  	_ =	shalt  }
0x52: {  	_ =	shalt  }
0x53: {  	_ =	shalt  }
0x54: {  	_ =	shalt  }
0x55: {  	_ =	shalt  }
0x56: {  	_ =	shalt  }
0x57: {  	_ =	shalt  }
0x58: {  	_ =	shalt  }
0x59: {  	_ =	shalt  }
0x5a: {  	_ =	shalt  }
0x5b: {  	_ =	shalt  }
0x5c: {  	_ =	shalt  }
0x5d: {  	_ =	shalt  }
0x5e: {  	_ =	shalt  }
0x5f: {  	_ =	shalt  }
0x60: {  	_ =	shalt  }
0x61: {  	_ =	shalt  }
0x62: {  	_ =	shalt  }
0x63: {  	_ =	shalt  }
0x64: {  	_ =	shalt  }
0x65: {  	_ =	shalt  }
0x66: {  	_ =	shalt  }
0x67: {  	_ =	shalt  }
0x68: {  	_ =	shalt  }
0x69: {  	_ =	shalt  }
0x6a: {  	_ =	shalt  }
0x6b: {  	_ =	shalt  }
0x6c: {  	_ =	shalt  }
0x6d: {  	_ =	shalt  }
0x6e: {  	_ =	shalt  }
0x6f: {  	_ =	shalt  }
0x70: {  	_ =	shalt  }
0x71: {  	_ =	shalt  }
0x72: {  	_ =	shalt  }
0x73: {  	_ =	shalt  }
0x74: {  	_ =	shalt  }
0x75: {  	_ =	shalt  }
0x76: {  	_ =	shalt  }
0x77: {  	_ =	shalt  }
0x78: {  	_ =	shalt  }
0x79: {  	_ =	shalt  }
0x7a: {  	_ =	shalt  }
0x7b: {  	_ =	shalt  }
0x7c: {  	_ =	shalt  }
0x7d: {  	_ =	shalt  }
0x7e: {  	_ =	shalt  }
0x7f: {  	_ =	shalt  }
0x80: {  	_ =	shalt  }
0x81: {  	_ =	shalt  }
0x82: {  	_ =	shalt  }
0x83: {  	_ =	shalt  }
0x84: {  	_ =	shalt  }
0x85: {  	_ =	shalt  }
0x86: {  	_ =	shalt  }
0x87: {  	_ =	shalt  }
.Lfunc_end0:
.L_simem_size_0:
called_computation_lowered:
.L_overlay_start_0:
0x88: {  	s2 =	sld [smem:$0x3FD9]  }
0x89: {  	s3 =	sld [smem:$0x3FFE];
	_ =	sdelay $0x1  }
0x8a: {  	s1 =	srdreg.scid  }
0x8b: {  	s0 =	sand.u32 $0x1, s1  }
0x8c: {  	s17 =	sshll.u32 s0, $0xA;
	s2 =	sadd.s32 s3, s2  }
0x8d: {  	s2 =	sadd.s32 s2, s17  }
0x8e: {  	[smem:$0x3FC5] =	sst s2  }
0x8f: {  	_ = 	snop  }
0x90: {  	s2 =	sld [smem:$0x3FD0];
	(tm) =	ssettm $0x1  }
0x91: {  	s18 =	sld [smem:$0x3FFB];
	_ =	sdelay $0x3  }
0x92: {  	_ =	strace s18  }
0x93: {  	s3 =	sld [smem:$0x3FFC];
	_ =	sdelay $0x3  }
0x94: {  	_ =	strace s3  }
0x95: {  	s3 =	sld [smem:$0x3FFD];
	_ =	sdelay $0x3  }
0x96: {  	_ =	strace s3  }
0x97: {  	_ =	strace $0x8FFFFFFF  }
0x98: {  	s19 =	sld [smem:$0x3FDB];
	_ =	sdelay $0x1  }
0x99: {  	s4 =	simm.s32 $_scs_section_size  }
0x9a: {  	s5 =	simm.s32 $_size__tile_overlayer_lowered;
	s6 =	simm.s32 $_tile_overlayer_lowered  }
0x9b: {  	s22 =	simm.s32 $0x1BFF;
	s21 =	sshll.u32 s6, $0x1;
	s3 =	sadd.s32 s4, s19  }
0x9c: {  	s7 =	simm.s32 $0x0;
	s20 =	sshll.u32 s5, $0x1;
	s5 =	sadd.s32 s21, s3  }
0x9d: {  	[timem:s7], [sflag:s22] =	dma.local [hbm:s5], s20  }
0x9e: {  	_ =	swait.ge [sflag:s22], s20  }
0x9f: {  	s4 =	ssub.s32 $0x0, s20;
	[sflag:s22] =	ssyncset.done $0x0  }
0xa0: {  	[sflag:s22] =	ssyncadd.s32 s4;
	_ =	sdelay $0x1  }
0xa1: {  	s23 =	simm.s32 $0x1B8B  }
0xa2: {  	_ =	swait.ge [sflag:s23], $0x1  }
0xa3: {  	[sflag:s23] =	ssyncset.done $0x0  }
0xa4: {  	s25 =	simm.s32 $0x1B8E;
	s24 =	sld [smem:$0x3FFE];
	[sflag:s23] =	ssyncadd.s32 $0xFFFFFFFF  }
0xa5: {  	s26 =	simm.s32 $execute0_lowered;
	[smem:$0x3FD2] =	sst s25  }
0xa6: {  	s5 =	sshll.u32 s26, $0x1;
	_ =	strace $0x80000046;
	[dreg:$0x1] =	wrdreg $0xFFFFFFFF  }
0xa7: {  	s28 =	simm.s32 $_size_execute0_lowered;
	s3 =	sadd.s32 s3, s5;
	[dreg:$0x0] =	wrdreg $0x0  }
0xa8: {  	s5 =	sshll.u32 s28, $0x1;
	[dreg:$0x2] =	wrdreg s3  }
0xa9: {  	[dreg:$0x3] =	wrdreg s5  }
0xaa: {  	[dreg:$0x4] =	wrdreg $0xC0  }
0xab: {  	_ =	task [dreg:s7], $0x5FFFF  }
0xac: {  	[dreg:$0x1] =	wrdreg $0xFFFFFFFF  }
0xad: {  	[dreg:$0x0] =	wrdreg $0x60  }
0xae: {  	[dreg:$0x2] =	wrdreg s24  }
0xaf: {  	[dreg:$0x3] =	wrdreg s2  }
0xb0: {  	[dreg:$0x4] =	wrdreg $0x9  }
0xb1: {  	_ =	task.clear_ibuf [dreg:s7], $0x5FFFF;
	_ =	strace $0x90000046  }
0xb2: {  	s29 =	simm.s32 $0x9;
	_ =	strace $0x80000048  }
0xb3: {  	_ =	swait.ge [sflag:s29], $0x1  }
0xb4: {  	[sflag:s29] =	ssyncadd.s32 $0xFFFFFFFF  }
0xb5: {  	_ =	strace $0x90000048  }
0xb6: {  	_ =	sfence  }
0xb7: {  	s30 =	sld [smem:$0x0];
	_ =	sdelay $0x2  }
0xb8: {  	s31 =	sshll.u32 s1, $0xD;
	s1 =	sshrl.u32 s1, $0x2  }
0xb9: {  	s3 =	sand.u32 $0x4000, s31;
	s1 =	sadd.s32 s1, s30  }
0xba: {  	s0 =	sor.u32 s3, s0;
	s1 =	sshll.u32 s1, $0x11  }
0xbb: {  	s0 =	sor.u32 s1, s0  }
0xbc: {  	s0 =	sadd.s32 $0x8F2B, s0  }
0xbd: {  	[sflag:s0] =	ssyncadd.remote.s32 $0x1  }
0xbe: {  	_ =	sfence.sel $0xFFFF  }
0xbf: {  	[dreg:$0x0] =	wrdreg $0xFFFFFFFF;
	(pc) =	sbr.abs _section_cstart, $3  }
0xc0: {  	[dreg:$0x1] =	wrdreg $0xFFFFFFFF  }
0xc1: {  	_ =	task.clear_ibuf [dreg:s7], $0x2FFFF;
	_ =	strace $0x9FFFFFFF  }
0xc2: {  	(tm) =	ssettm $0x7FFFFFFF  }
0xc3: {  	_ =	shalt  }
tec
execute0_lowered:
.L_overlay_start_1:
0x0: {  	(tag) =	ssettag $0x1  }
0x1: {  	s0 =	srdreg.scid;
	s2 =	stileid.u32  }
0x2: {  	s1 =	rddreg [dreg:$0x0];
	s10 =	simm.s32 $0x80;
	s19 =	simm.s32 $0x1  }
0x3: {  	s20 =	simm.s32 $0x2;
	s21 =	simm.s32 $0x2A00;
	s22 =	simm.s32 $0x12B00  }
0x4: {  	s23 =	simm.s32 $0x3;
	s24 =	simm.s32 $0x4;
	s25 =	simm.s32 $0x2A80  }
0x5: {  	s26 =	simm.s32 $0x16B00;
	s0 =	sand.u32 $0x1, s0;
	s3 =	sshll.u32 s2, $0x1  }
0x6: {  	s2 =	rddreg [dreg:$0x1];
	s6 =	sor.u32 s0, s3;
	s0 =	ssub.s32 $0x2, s0  }
0x7: {  	s3 =	simm.s32 $0x0;
	s4 =	smul.u32 $0x500, s6;
	s8 =	sshrl.u32 s0, $0x1  }
0x8: {  	s5 =	sadd.s32 $0x3D800, s1;
	[smem:$0x7FF] =	sst s3;
	s0 =	ssub.s32 s0, s8  }
0x9: {  	_ =	strace $0x80000047;
	s7 =	sadd.s32 s4, s1;
	s0 =	smax.u32 s0, $0x1  }
0xa: {  	s4 =	sadd.s32 $0x84A00, s1;
	s31 =	sadd.s32 $0x7AA00, s7;
	[dreg:$0x4] =	wrdreg s0  }
0xb: {  	s7 =	smul.u32 $0x140000, s6;
	s6 =	simm.s32 $0x0;
	[dreg:$0x3] =	wrdreg s31  }
.LBB2_1:
0xc: {  	[dreg:$0x5] =	wrdreg s6  }
0xd: {  	s0 =	rddreg [dreg:$0x3];
	s18 =	simm.s32 $0x7  }
0xe: {  	[tilespmem:s3], [sflag:$0x7] =	stream.linear.gather [hbm4b:s0+s3], $0x2800, $0x38;
	[tilespmem:$0x1AB00] =	vst v63  }
0xf: {  	_ =	swait.ge [sflag:s18], $0x2800  }
0x10: {  	[sflag:s18] =	ssyncset.done $0x0  }
0x11: {  	[sflag:s18] =	ssyncadd.s32 $0xFFFFD800  }
0x12: {  	v0 =	vld [tilespmem:$0x0];
	_ =	sdelay $0x1  }
0x13: {  	v1 =	vld [tilespmem:$0x10];
	_ =	sdelay $0x1  }
0x14: {  	v21 =	vld [tilespmem:$0x20]  }
0x15: {  	v2 =	vshra.s32 v0, $0x2  }
0x16: {  	v28 =	vld [tilespmem:$0x30];
	v3 =	vshll.u32 v0, $0x3;
	v4 =	vshll.u32 v0, $0x2;
	v0 =	vshra.s32 v0, $0x6;
	[tilespmem:$0x2800] =	vst v2  }
0x17: {  	v23 =	vshra.s32 v1, $0x2;
	[tilespmem:$0x2900] =	vst v0  }
0x18: {  	v34 =	vld [tilespmem:$0x40];
	v26 =	vshra.s32 v1, $0x6;
	[tilespmem:$0x2810] =	vst v23  }
0x19: {  	v30 =	vshra.s32 v21, $0x2;
	[tilespmem:$0x2910] =	vst v26  }
0x1a: {  	v40 =	vld [tilespmem:$0x50];
	v33 =	vshra.s32 v21, $0x6;
	[tilespmem:$0x2820] =	vst v30  }
0x1b: {  	v36 =	vshra.s32 v28, $0x2;
	[tilespmem:$0x2920] =	vst v33  }
0x1c: {  	v46 =	vld [tilespmem:$0x60];
	v39 =	vshra.s32 v28, $0x6;
	[tilespmem:$0x2830] =	vst v36  }
0x1d: {  	v24 =	vshll.u32 v1, $0x3;
	v25 =	vshll.u32 v1, $0x2;
	v42 =	vshra.s32 v34, $0x2;
	[tilespmem:$0x2930] =	vst v39  }
0x1e: {  	v52 =	vld [tilespmem:$0x70];
	v31 =	vshll.u32 v21, $0x3;
	v32 =	vshll.u32 v21, $0x2;
	v45 =	vshra.s32 v34, $0x6;
	[tilespmem:$0x2840] =	vst v42  }
0x1f: {  	v37 =	vshll.u32 v28, $0x3;
	v38 =	vshll.u32 v28, $0x2;
	v48 =	vshra.s32 v40, $0x2;
	[tilespmem:$0x2940] =	vst v45  }
0x20: {  	v43 =	vshll.u32 v34, $0x3;
	v44 =	vshll.u32 v34, $0x2;
	v51 =	vshra.s32 v40, $0x6;
	[tilespmem:$0x2850] =	vst v48  }
0x21: {  	v49 =	vshll.u32 v40, $0x3;
	v50 =	vshll.u32 v40, $0x2;
	v54 =	vshra.s32 v46, $0x2;
	[tilespmem:$0x2950] =	vst v51  }
0x22: {  	v55 =	vshll.u32 v46, $0x3;
	v56 =	vshll.u32 v46, $0x2;
	v57 =	vshra.s32 v46, $0x6;
	[tilespmem:$0x2860] =	vst v54  }
0x23: {  	v59 =	vshra.s32 v52, $0x2;
	v60 =	vshll.u32 v52, $0x3;
	v61 =	vshll.u32 v52, $0x2;
	[tilespmem:$0x2960] =	vst v57  }
0x24: {  	v62 =	vshra.s32 v52, $0x6;
	v20 =	vand.u32 $0x4, v4;
	v3 =	vand.u32 $0x110, v3;
	[tilespmem:$0x2870] =	vst v59  }
0x25: {  	v27 =	vand.u32 $0x4, v25;
	v2 =	vand.u32 $0x110, v24;
	[tilespmem:$0x2970] =	vst v62;
	v22 =	vor.u32 v20, v3  }
0x26: {  	v1 =	vand.u32 $0x110, v31;
	v29 =	vor.u32 v27, v2;
	v2 =	vand.u32 $0x4, v32;
	[tilespmem:$0x2A00] =	vst v22  }
0x27: {  	[tilespmem:$0x2A10] =	vst v29;
	v35 =	vor.u32 v2, v1;
	v2 =	vand.u32 $0x4, v38;
	v1 =	vand.u32 $0x110, v37  }
0x28: {  	[tilespmem:$0x2A20] =	vst v35;
	v41 =	vor.u32 v2, v1;
	v2 =	vand.u32 $0x4, v44;
	v1 =	vand.u32 $0x110, v43  }
0x29: {  	[tilespmem:$0x2A30] =	vst v41;
	v47 =	vor.u32 v2, v1;
	v2 =	vand.u32 $0x4, v50;
	v1 =	vand.u32 $0x110, v49  }
0x2a: {  	[tilespmem:$0x2A40] =	vst v47;
	v53 =	vor.u32 v2, v1;
	v2 =	vand.u32 $0x4, v56;
	v1 =	vand.u32 $0x110, v55  }
0x2b: {  	[tilespmem:$0x2A50] =	vst v53;
	v58 =	vor.u32 v2, v1;
	v2 =	vand.u32 $0x4, v61;
	v1 =	vand.u32 $0x110, v60  }
0x2c: {  	[tilespmem:$0x2A60] =	vst v58;
	v63 =	vor.u32 v2, v1  }
0x2d: {  	s28 =	simm.s32 $0x2800;
	s1 =	simm.s32 $0x2B00;
	[tilespmem:$0x2A70] =	vst v63  }
0x2e: {  	[tilespmem:s1], [sflag:$0x1] =	stream.indirect.gather [hbm4b:s4+s10], $0x80, s28, s10, $0xb8;
	[tilespmem:$0x1AB00] =	vst v63  }
0x2f: {  	s29 =	simm.s32 $0x2900;
	s30 =	simm.s32 $0xAB00;
	s31 =	simm.s32 $0x0  }
0x30: {  	[tilespmem:s30], [sflag:$0x2] =	stream.indirect.gather [hbm4b:s5+s10], $0x80, s29, s10, $0xb8;
	[tilespmem:$0x1AB00] =	vst v63  }
.LBB2_2:
0x31: {  	s1 =	sshllo.u32 s31, $0x1  }
0x32: {  	s0 =	sshll.u32 s1, $0x7  }
0x33: {  	s0 =	sand.u32 $0x3FFFFF80, s0  }
0x34: {  	v0 =	vld [tilespmem:s0+$0x0];
	_ =	sdelay $0x4  }
0x35: {  	v1 =	vshra.s32 v0, $0x2;
	v2 =	vshll.u32 v0, $0x3;
	v3 =	vshll.u32 v0, $0x2  }
0x36: {  	v0 =	vshra.s32 v0, $0x6;
	[tilespmem:$0x2880] =	vst v1;
	v1 =	vand.u32 $0x4, v3;
	v2 =	vand.u32 $0x110, v2  }
0x37: {  	[tilespmem:$0x2980] =	vst v0;
	v0 =	vor.u32 v1, v2  }
0x38: {  	[tilespmem:$0x2A80] =	vst v0  }
0x39: {  	v0 =	vld [tilespmem:s0+$0x10];
	_ =	sdelay $0x4  }
0x3a: {  	v1 =	vshra.s32 v0, $0x2;
	v2 =	vshll.u32 v0, $0x3;
	v3 =	vshll.u32 v0, $0x2  }
0x3b: {  	v0 =	vshra.s32 v0, $0x6;
	[tilespmem:$0x2890] =	vst v1;
	v1 =	vand.u32 $0x4, v3;
	v2 =	vand.u32 $0x110, v2  }
0x3c: {  	[tilespmem:$0x2990] =	vst v0;
	v0 =	vor.u32 v1, v2  }
0x3d: {  	[tilespmem:$0x2A90] =	vst v0  }
0x3e: {  	v0 =	vld [tilespmem:s0+$0x20];
	_ =	sdelay $0x4  }
0x3f: {  	v1 =	vshra.s32 v0, $0x2;
	v2 =	vshll.u32 v0, $0x3;
	v3 =	vshll.u32 v0, $0x2  }
0x40: {  	v0 =	vshra.s32 v0, $0x6;
	[tilespmem:$0x28A0] =	vst v1;
	v1 =	vand.u32 $0x4, v3;
	v2 =	vand.u32 $0x110, v2  }
0x41: {  	[tilespmem:$0x29A0] =	vst v0;
	v0 =	vor.u32 v1, v2  }
0x42: {  	[tilespmem:$0x2AA0] =	vst v0  }
0x43: {  	v0 =	vld [tilespmem:s0+$0x30];
	_ =	sdelay $0x4  }
0x44: {  	v1 =	vshra.s32 v0, $0x2;
	v2 =	vshll.u32 v0, $0x3;
	v3 =	vshll.u32 v0, $0x2  }
0x45: {  	v0 =	vshra.s32 v0, $0x6;
	[tilespmem:$0x28B0] =	vst v1;
	v1 =	vand.u32 $0x4, v3;
	v2 =	vand.u32 $0x110, v2  }
0x46: {  	[tilespmem:$0x29B0] =	vst v0;
	v0 =	vor.u32 v1, v2  }
0x47: {  	[tilespmem:$0x2AB0] =	vst v0  }
0x48: {  	v0 =	vld [tilespmem:s0+$0x40];
	_ =	sdelay $0x4  }
0x49: {  	v1 =	vshra.s32 v0, $0x2;
	v2 =	vshll.u32 v0, $0x3;
	v3 =	vshll.u32 v0, $0x2  }
0x4a: {  	v0 =	vshra.s32 v0, $0x6;
	[tilespmem:$0x28C0] =	vst v1;
	v1 =	vand.u32 $0x4, v3;
	v2 =	vand.u32 $0x110, v2  }
0x4b: {  	[tilespmem:$0x29C0] =	vst v0;
	v0 =	vor.u32 v1, v2  }
0x4c: {  	[tilespmem:$0x2AC0] =	vst v0  }
0x4d: {  	v0 =	vld [tilespmem:s0+$0x50];
	_ =	sdelay $0x4  }
0x4e: {  	v1 =	vshra.s32 v0, $0x2;
	v2 =	vshll.u32 v0, $0x3;
	v3 =	vshll.u32 v0, $0x2  }
0x4f: {  	v0 =	vshra.s32 v0, $0x6;
	[tilespmem:$0x28D0] =	vst v1;
	v1 =	vand.u32 $0x4, v3;
	v2 =	vand.u32 $0x110, v2  }
0x50: {  	[tilespmem:$0x29D0] =	vst v0;
	v0 =	vor.u32 v1, v2  }
0x51: {  	[tilespmem:$0x2AD0] =	vst v0  }
0x52: {  	v0 =	vld [tilespmem:s0+$0x60];
	_ =	sdelay $0x4  }
0x53: {  	v1 =	vshra.s32 v0, $0x2;
	v2 =	vshll.u32 v0, $0x3;
	v3 =	vshll.u32 v0, $0x2  }
0x54: {  	v0 =	vshra.s32 v0, $0x6;
	[tilespmem:$0x28E0] =	vst v1;
	v1 =	vand.u32 $0x4, v3;
	v2 =	vand.u32 $0x110, v2  }
0x55: {  	[tilespmem:$0x29E0] =	vst v0;
	v0 =	vor.u32 v1, v2  }
0x56: {  	[tilespmem:$0x2AE0] =	vst v0  }
0x57: {  	v0 =	vld [tilespmem:s0+$0x70];
	_ =	sdelay $0x4  }
0x58: {  	v1 =	vshra.s32 v0, $0x2;
	v2 =	vshll.u32 v0, $0x3;
	v3 =	vshll.u32 v0, $0x2  }
0x59: {  	v0 =	vshra.s32 v0, $0x6;
	[tilespmem:$0x28F0] =	vst v1;
	v1 =	vand.u32 $0x4, v3;
	v2 =	vand.u32 $0x110, v2  }
0x5a: {  	[tilespmem:$0x29F0] =	vst v0;
	v0 =	vor.u32 v1, v2  }
0x5b: {  	s16 =	simm.s32 $0x2880;
	s6 =	simm.s32 $0x6B00;
	[tilespmem:$0x2AF0] =	vst v0  }
0x5c: {  	[tilespmem:s6], [sflag:$0x3] =	stream.indirect.gather [hbm4b:s4+s10], $0x80, s16, s10, $0xb8;
	[tilespmem:$0x1AB00] =	vst v63  }
0x5d: {  	s17 =	simm.s32 $0x2980;
	s18 =	simm.s32 $0xEB00  }
0x5e: {  	[tilespmem:s18], [sflag:$0x4] =	stream.indirect.gather [hbm4b:s5+s10], $0x80, s17, s10, $0xb8;
	[tilespmem:$0x1AB00] =	vst v63  }
0x5f: {  	s6 =	simm.s32 $0x0;
	_ =	swait.ge [sflag:s19], $0x4000  }
0x60: {  	v0 =	vmov s6;
	[sflag:s19] =	ssyncset.done $0x0  }
0x61: {  	v0 =	vand.u32 $0xFFFFFFFE, v0;
	[sflag:s19] =	ssyncadd.s32 $0xFFFFC000  }
0x62: {  	v0 =	vbroadcast v0, $0x0;
	_ =	swait.ge [sflag:s20], $0x4000  }
0x63: {  	p0 =	seq.s32 s31, $0x0;
	[sflag:s20] =	ssyncset.done $0x0  }
0x64: {  	s0 =	simm.s32 @!p0 $0x5;
	[sflag:s20] =	ssyncadd.s32 $0xFFFFC000  }
0x65: {  	_ =	swait.ge @!p0 [sflag:s0], $0x4000  }
0x66: {  	[sflag:s0] =	ssyncset.done @!p0 $0x0  }
0x67: {  	[sflag:s0] =	ssyncadd.s32 @!p0 $0xFFFFC000  }
0x68: {  	s11 =	simm.s32 $0x2B80;
	v0 =	vld.idx.msk [tilespmem:v0+s21+$0x0], $0xffff  }
0x69: {  	v1 =	vld [tilespmem:s11+$0xFFFFFF80]  }
0x6a: {  	s8 =	simm.s32 $0x1  }
0x6b: {  	v2 =	vmov s8  }
0x6c: {  	s12 =	simm.s32 $0xAB80  }
0x6d: {  	v3 =	vld [tilespmem:s12+$0xFFFFFF80];
	v7 =	vand.u32 $0x1F, v0  }
0x6e: {  	v1 =	vshra.s32 v1, v7  }
0x6f: {  	v1 =	vand.u32 $0xF, v1  }
0x70: {  	v2 =	vld.idx.msk [tilespmem:v2+s21+$0x0], $0xffff;
	v0 =	vshrl.u32 v0, $0x4;
	v1 =	vcvt.s32.f32 v1  }
0x71: {  	v6 =	vand.u32 $0x10, v0;
	v0 =	vld [tilespmem:s11+$0x0]  }
0x72: {  	v3 =	vshra.s32 v3, v6;
	v1 =	vadd.f32 $-8.000000000e+00, v1  }
0x73: {  	v3 =	vshll.u32 v3, $0x10  }
0x74: {  	v1 =	vmul.f32 v3, v1  }
0x75: {  	s0 =	simm.s32 $0x12B80;
	v10 =	vand.u32 $0x1F, v2;
	v3 =	vld [tilespmem:s12+$0x0]  }
0x76: {  	v0 =	vshra.s32 v0, v10;
	[tilespmem:s0+$0xFFFFFF80] =	vst v1  }
0x77: {  	v0 =	vand.u32 $0xF, v0;
	v1 =	vld [tilespmem:s11+$0xFFFFFF90]  }
0x78: {  	v2 =	vshrl.u32 v2, $0x4;
	v0 =	vcvt.s32.f32 v0  }
0x79: {  	v11 =	vand.u32 $0x10, v2  }
0x7a: {  	v0 =	vadd.f32 $-8.000000000e+00, v0;
	v2 =	vshra.s32 v3, v11  }
0x7b: {  	v3 =	vld [tilespmem:s12+$0xFFFFFF90];
	v2 =	vshll.u32 v2, $0x10  }
0x7c: {  	v0 =	vmul.f32 v2, v0;
	v1 =	vshra.s32 v1, v7  }
0x7d: {  	v1 =	vand.u32 $0xF, v1  }
0x7e: {  	[tilespmem:s0+$0x0] =	vst v0;
	v1 =	vcvt.s32.f32 v1  }
0x7f: {  	v2 =	vld [tilespmem:s11+$0x10]  }
0x80: {  	v0 =	vshra.s32 v3, v6;
	v1 =	vadd.f32 $-8.000000000e+00, v1  }
0x81: {  	v0 =	vshll.u32 v0, $0x10  }
0x82: {  	v0 =	vmul.f32 v0, v1  }
0x83: {  	v1 =	vld [tilespmem:s12+$0x10]  }
0x84: {  	[tilespmem:s0+$0xFFFFFF90] =	vst v0;
	v0 =	vshra.s32 v2, v10  }
0x85: {  	v2 =	vld [tilespmem:s11+$0xFFFFFFA0];
	v0 =	vand.u32 $0xF, v0  }
0x86: {  	s9 =	simm.s32 $0x2;
	v0 =	vcvt.s32.f32 v0  }
0x87: {  	v3 =	vmov s9  }
0x88: {  	v3 =	vand.u32 $0xFFFFFFFE, v3;
	v1 =	vshra.s32 v1, v11;
	v0 =	vadd.f32 $-8.000000000e+00, v0  }
0x89: {  	v3 =	vbroadcast v3, $0x0;
	v4 =	vld [tilespmem:s12+$0xFFFFFFA0];
	v1 =	vshll.u32 v1, $0x10  }
0x8a: {  	v2 =	vshra.s32 v2, v7;
	v0 =	vmul.f32 v1, v0  }
0x8b: {  	v1 =	vand.u32 $0xF, v2  }
0x8c: {  	v1 =	vcvt.s32.f32 v1;
	[tilespmem:s0+$0x10] =	vst v0  }
0x8d: {  	v0 =	vld [tilespmem:s11+$0x20]  }
0x8e: {  	v2 =	vshra.s32 v4, v6;
	v1 =	vadd.f32 $-8.000000000e+00, v1  }
0x8f: {  	s9 =	simm.s32 $0x2C80;
	v3 =	vld.idx.msk [tilespmem:v3+s21+$0x0], $0xffff;
	v2 =	vshll.u32 v2, $0x10  }
0x90: {  	v1 =	vmul.f32 v2, v1;
	v2 =	vld [tilespmem:s9+$0xFFFFFF80]  }
0x91: {  	s13 =	simm.s32 $0x3;
	v4 =	vld [tilespmem:s12+$0x20]  }
0x92: {  	[tilespmem:s0+$0xFFFFFFA0] =	vst v1;
	v1 =	vmov s13;
	v0 =	vshra.s32 v0, v10  }
0x93: {  	s8 =	simm.s32 $0xAC80;
	v5 =	vld [tilespmem:s11+$0xFFFFFFB0];
	v0 =	vand.u32 $0xF, v0  }
0x94: {  	v8 =	vld [tilespmem:s8+$0xFFFFFF80];
	v13 =	vand.u32 $0x1F, v3;
	v0 =	vcvt.s32.f32 v0  }
0x95: {  	v2 =	vshra.s32 v2, v13  }
0x96: {  	v4 =	vshra.s32 v4, v11;
	v9 =	vld [tilespmem:s12+$0xFFFFFFB0];
	v0 =	vadd.f32 $-8.000000000e+00, v0;
	v2 =	vand.u32 $0xF, v2  }
0x97: {  	v3 =	vshrl.u32 v3, $0x4;
	v4 =	vshll.u32 v4, $0x10;
	v1 =	vld.idx.msk [tilespmem:v1+s21+$0x0], $0xffff;
	v2 =	vcvt.s32.f32 v2  }
0x98: {  	v14 =	vld [tilespmem:s9+$0x0];
	v12 =	vand.u32 $0x10, v3;
	v5 =	vshra.s32 v5, v7;
	v0 =	vmul.f32 v4, v0  }
0x99: {  	v4 =	vshra.s32 v8, v12;
	v3 =	vand.u32 $0xF, v5;
	v2 =	vadd.f32 $-8.000000000e+00, v2  }
0x9a: {  	v3 =	vcvt.s32.f32 v3;
	[tilespmem:s0+$0x20] =	vst v0;
	v0 =	vshll.u32 v4, $0x10  }
0x9b: {  	v4 =	vld [tilespmem:s11+$0x30];
	v2 =	vmul.f32 v0, v2  }
0x9c: {  	s6 =	simm.s32 $0x12C80;
	v8 =	vld [tilespmem:s8+$0x0];
	v5 =	vshra.s32 v9, v6;
	v3 =	vadd.f32 $-8.000000000e+00, v3;
	v0 =	vand.u32 $0x1F, v1  }
0x9d: {  	v5 =	vshll.u32 v5, $0x10;
	v9 =	vshra.s32 v14, v0;
	[tilespmem:s6+$0xFFFFFF80] =	vst v2  }
0x9e: {  	v2 =	vmul.f32 v5, v3;
	v3 =	vand.u32 $0xF, v9;
	v5 =	vld [tilespmem:s9+$0xFFFFFF90]  }
0x9f: {  	v1 =	vshrl.u32 v1, $0x4;
	v9 =	vld [tilespmem:s12+$0x30];
	v3 =	vcvt.s32.f32 v3  }
0xa0: {  	v1 =	vand.u32 $0x10, v1;
	[tilespmem:s0+$0xFFFFFFB0] =	vst v2;
	v2 =	vshra.s32 v4, v10  }
0xa1: {  	v8 =	vshra.s32 v8, v1;
	v4 =	vld [tilespmem:s11+$0xFFFFFFC0];
	v3 =	vadd.f32 $-8.000000000e+00, v3;
	v2 =	vand.u32 $0xF, v2  }
0xa2: {  	v14 =	vld [tilespmem:s8+$0xFFFFFF90];
	v8 =	vshll.u32 v8, $0x10;
	v2 =	vcvt.s32.f32 v2  }
0xa3: {  	v3 =	vmul.f32 v8, v3;
	v5 =	vshra.s32 v5, v13  }
0xa4: {  	v8 =	vshra.s32 v9, v11;
	v2 =	vadd.f32 $-8.000000000e+00, v2;
	v5 =	vand.u32 $0xF, v5  }
0xa5: {  	v9 =	vld [tilespmem:s12+$0xFFFFFFC0];
	v8 =	vshll.u32 v8, $0x10;
	[tilespmem:s6+$0x0] =	vst v3;
	v3 =	vcvt.s32.f32 v5  }
0xa6: {  	v4 =	vshra.s32 v4, v7;
	v2 =	vmul.f32 v8, v2;
	v5 =	vld [tilespmem:s9+$0x10]  }
0xa7: {  	v8 =	vshra.s32 v14, v12;
	v4 =	vand.u32 $0xF, v4;
	v3 =	vadd.f32 $-8.000000000e+00, v3  }
0xa8: {  	v4 =	vcvt.s32.f32 v4;
	[tilespmem:s0+$0x30] =	vst v2;
	v2 =	vshll.u32 v8, $0x10  }
0xa9: {  	v8 =	vld [tilespmem:s11+$0x40];
	v2 =	vmul.f32 v2, v3  }
0xaa: {  	v14 =	vld [tilespmem:s8+$0x10];
	v3 =	vadd.f32 $-8.000000000e+00, v4;
	v4 =	vshra.s32 v9, v6  }
0xab: {  	v9 =	vld [tilespmem:s12+$0x40];
	v4 =	vshll.u32 v4, $0x10;
	v5 =	vshra.s32 v5, v0;
	[tilespmem:s6+$0xFFFFFF90] =	vst v2  }
0xac: {  	s14 =	simm.s32 $0x4;
	v3 =	vmul.f32 v4, v3;
	v2 =	vand.u32 $0xF, v5;
	v4 =	vld [tilespmem:s9+$0xFFFFFFA0]  }
0xad: {  	v15 =	vmov s14;
	v2 =	vcvt.s32.f32 v2  }
0xae: {  	v15 =	vand.u32 $0xFFFFFFFE, v15;
	[tilespmem:s0+$0xFFFFFFC0] =	vst v3;
	v8 =	vshra.s32 v8, v10  }
0xaf: {  	s13 =	simm.s32 $0x5;
	v5 =	vshra.s32 v14, v1;
	v14 =	vld [tilespmem:s11+$0xFFFFFFD0];
	v8 =	vand.u32 $0xF, v8;
	v2 =	vadd.f32 $-8.000000000e+00, v2  }
0xb0: {  	v16 =	vld [tilespmem:s8+$0xFFFFFFA0];
	v5 =	vshll.u32 v5, $0x10;
	v3 =	vmov s13;
	v8 =	vcvt.s32.f32 v8  }
0xb1: {  	v9 =	vshra.s32 v9, v11;
	v2 =	vmul.f32 v5, v2;
	v4 =	vshra.s32 v4, v13  }
0xb2: {  	v5 =	vbroadcast v15, $0x0;
	v8 =	vadd.f32 $-8.000000000e+00, v8;
	v4 =	vand.u32 $0xF, v4  }
0xb3: {  	v9 =	vshll.u32 v9, $0x10;
	v15 =	vld [tilespmem:s12+$0xFFFFFFD0];
	[tilespmem:s6+$0x10] =	vst v2;
	v4 =	vcvt.s32.f32 v4  }
0xb4: {  	v2 =	vshra.s32 v14, v7;
	v8 =	vmul.f32 v9, v8;
	v9 =	vld [tilespmem:s9+$0x20]  }
0xb5: {  	v14 =	vld.idx.msk [tilespmem:v3+s21+$0x0], $0xffff;
	v2 =	vand.u32 $0xF, v2;
	v3 =	vadd.f32 $-8.000000000e+00, v4;
	v4 =	vshra.s32 v16, v12  }
0xb6: {  	v16 =	vld [tilespmem:s8+$0x20];
	v2 =	vcvt.s32.f32 v2;
	[tilespmem:s0+$0x40] =	vst v8;
	v4 =	vshll.u32 v4, $0x10  }
0xb7: {  	v8 =	vld [tilespmem:s11+$0x50];
	v3 =	vmul.f32 v4, v3  }
0xb8: {  	s30 =	simm.s32 $0x2D80;
	v15 =	vshra.s32 v15, v6;
	v4 =	vld.idx.msk [tilespmem:v5+s21+$0x0], $0xffff;
	v2 =	vadd.f32 $-8.000000000e+00, v2  }
0xb9: {  	v5 =	vshll.u32 v15, $0x10;
	v15 =	vld [tilespmem:s30+$0xFFFFFF80];
	v9 =	vshra.s32 v9, v0;
	[tilespmem:s6+$0xFFFFFFA0] =	vst v3  }
0xba: {  	s29 =	simm.s32 $0xAD80;
	v2 =	vmul.f32 v5, v2;
	v3 =	vand.u32 $0xF, v9;
	v9 =	vld [tilespmem:s9+$0xFFFFFFB0]  }
0xbb: {  	v17 =	vld [tilespmem:s29+$0xFFFFFF80];
	v5 =	vshra.s32 v16, v1;
	v3 =	vcvt.s32.f32 v3  }
0xbc: {  	v19 =	vld [tilespmem:s8+$0xFFFFFFB0];
	v16 =	vshll.u32 v5, $0x10;
	[tilespmem:s0+$0xFFFFFFD0] =	vst v2  }
0xbd: {  	v8 =	vshra.s32 v8, v10;
	v5 =	vand.u32 $0x1F, v4;
	v18 =	vld [tilespmem:s11+$0xFFFFFFE0];
	v3 =	vadd.f32 $-8.000000000e+00, v3  }
0xbe: {  	v2 =	vand.u32 $0x1F, v14;
	v4 =	vshrl.u32 v4, $0x4;
	v15 =	vshra.s32 v15, v5  }
0xbf: {  	v15 =	vand.u32 $0xF, v15;
	v16 =	vmul.f32 v16, v3;
	v9 =	vshra.s32 v9, v13  }
0xc0: {  	v20 =	vld [tilespmem:s30+$0x0];
	v3 =	vand.u32 $0x10, v4;
	v4 =	vcvt.s32.f32 v15;
	v9 =	vand.u32 $0xF, v9  }
0xc1: {  	v14 =	vshrl.u32 v14, $0x4;
	v15 =	vld [tilespmem:s12+$0xFFFFFFE0];
	v19 =	vshra.s32 v19, v12;
	[tilespmem:s6+$0x20] =	vst v16;
	v9 =	vcvt.s32.f32 v9  }
0xc2: {  	v17 =	vshra.s32 v17, v3;
	v4 =	vadd.f32 $-8.000000000e+00, v4;
	v16 =	vshra.s32 v18, v7;
	v18 =	vld [tilespmem:s9+$0x30]  }
0xc3: {  	v17 =	vshll.u32 v17, $0x10;
	v16 =	vand.u32 $0xF, v16;
	v9 =	vadd.f32 $-8.000000000e+00, v9  }
0xc4: {  	v21 =	vld [tilespmem:s29+$0x0];
	v4 =	vmul.f32 v17, v4;
	v17 =	vshll.u32 v19, $0x10;
	v16 =	vcvt.s32.f32 v16  }
0xc5: {  	s28 =	simm.s32 $0x12D80;
	v20 =	vshra.s32 v20, v2;
	v8 =	vand.u32 $0xF, v8;
	v19 =	vld [tilespmem:s12+$0x50];
	v9 =	vmul.f32 v17, v9  }
0xc6: {  	v15 =	vshra.s32 v15, v6;
	v17 =	vld [tilespmem:s8+$0x30];
	[tilespmem:s28+$0xFFFFFF80] =	vst v4;
	v4 =	vand.u32 $0xF, v20;
	v16 =	vadd.f32 $-8.000000000e+00, v16  }
0xc7: {  	v15 =	vshll.u32 v15, $0x10;
	v20 =	vld [tilespmem:s30+$0xFFFFFF90];
	v22 =	vcvt.s32.f32 v4;
	[tilespmem:s6+$0xFFFFFFB0] =	vst v9;
	v9 =	vshra.s32 v18, v0  }
0xc8: {  	v4 =	vand.u32 $0x10, v14;
	v15 =	vmul.f32 v15, v16;
	v14 =	vld [tilespmem:s9+$0xFFFFFFC0];
	v9 =	vand.u32 $0xF, v9  }
0xc9: {  	v16 =	vshra.s32 v21, v4;
	v18 =	vadd.f32 $-8.000000000e+00, v22;
	v9 =	vcvt.s32.f32 v9  }
0xca: {  	v8 =	vcvt.s32.f32 v8;
	v21 =	vld [tilespmem:s29+$0xFFFFFF90];
	v16 =	vshll.u32 v16, $0x10;
	[tilespmem:s0+$0xFFFFFFE0] =	vst v15;
	v15 =	vshra.s32 v19, v11  }
0xcb: {  	v17 =	vshra.s32 v17, v1;
	v16 =	vmul.f32 v16, v18;
	v19 =	vld [tilespmem:s11+$0xFFFFFFF0];
	v9 =	vadd.f32 $-8.000000000e+00, v9  }
0xcc: {  	v8 =	vadd.f32 $-8.000000000e+00, v8;
	v17 =	vshll.u32 v17, $0x10;
	v18 =	vshra.s32 v20, v5;
	v20 =	vld [tilespmem:s8+$0xFFFFFFC0]  }
0xcd: {  	v18 =	vand.u32 $0xF, v18;
	[tilespmem:s28+$0x0] =	vst v16;
	v16 =	vld [tilespmem:s12+$0xFFFFFFF0];
	v14 =	vshra.s32 v14, v13;
	v9 =	vmul.f32 v17, v9  }
0xce: {  	v15 =	vshll.u32 v15, $0x10;
	v17 =	vcvt.s32.f32 v18;
	v18 =	vld [tilespmem:s30+$0x10];
	v14 =	vand.u32 $0xF, v14  }
0xcf: {  	v8 =	vmul.f32 v15, v8;
	v15 =	vld [tilespmem:s29+$0x10];
	v14 =	vcvt.s32.f32 v14;
	[tilespmem:s6+$0x30] =	vst v9  }
0xd0: {  	v9 =	vshra.s32 v21, v3;
	v17 =	vadd.f32 $-8.000000000e+00, v17;
	v7 =	vshra.s32 v19, v7;
	v19 =	vld [tilespmem:s9+$0x40]  }
0xd1: {  	v9 =	vshll.u32 v9, $0x10;
	v20 =	vshra.s32 v20, v12;
	v14 =	vadd.f32 $-8.000000000e+00, v14  }
0xd2: {  	s15 =	simm.s32 $0x7;
	[tilespmem:s0+$0x50] =	vst v8;
	v7 =	vand.u32 $0xF, v7;
	v8 =	vmul.f32 v9, v17;
	v17 =	vshll.u32 v20, $0x10  }
0xd3: {  	v21 =	vld [tilespmem:s11+$0x60];
	v20 =	vmov s15;
	v18 =	vshra.s32 v18, v2;
	v14 =	vmul.f32 v17, v14  }
0xd4: {  	v9 =	vld [tilespmem:s8+$0x40];
	v6 =	vshra.s32 v16, v6;
	v7 =	vcvt.s32.f32 v7;
	[tilespmem:s28+$0xFFFFFF90] =	vst v8;
	v8 =	vand.u32 $0xF, v18  }
0xd5: {  	s16 =	simm.s32 $0x6;
	v15 =	vshra.s32 v15, v4;
	v16 =	vld [tilespmem:s30+$0xFFFFFFA0];
	v8 =	vcvt.s32.f32 v8;
	[tilespmem:s6+$0xFFFFFFC0] =	vst v14;
	v14 =	vshra.s32 v19, v0  }
0xd6: {  	v6 =	vshll.u32 v6, $0x10;
	v18 =	vmov s16;
	v14 =	vand.u32 $0xF, v14  }
0xd7: {  	v18 =	vand.u32 $0xFFFFFFFE, v18;
	v17 =	vld [tilespmem:s9+$0xFFFFFFD0];
	v8 =	vadd.f32 $-8.000000000e+00, v8;
	v14 =	vcvt.s32.f32 v14  }
0xd8: {  	v15 =	vshll.u32 v15, $0x10;
	v7 =	vadd.f32 $-8.000000000e+00, v7;
	v19 =	vld [tilespmem:s12+$0x60];
	v22 =	vbroadcast v18, $0x0  }
0xd9: {  	v23 =	vld [tilespmem:s29+$0xFFFFFFA0];
	v9 =	vshra.s32 v9, v1;
	v8 =	vmul.f32 v15, v8;
	v14 =	vadd.f32 $-8.000000000e+00, v14  }
0xda: {  	v21 =	vshra.s32 v21, v10;
	v20 =	vld.idx.msk [tilespmem:v20+s21+$0x0], $0xffff;
	v9 =	vshll.u32 v9, $0x10;
	v15 =	vshra.s32 v16, v5  }
0xdb: {  	v18 =	vand.u32 $0xF, v21;
	v16 =	vld [tilespmem:s8+$0xFFFFFFD0];
	v15 =	vand.u32 $0xF, v15;
	[tilespmem:s28+$0x10] =	vst v8;
	v9 =	vmul.f32 v9, v14  }
0xdc: {  	v8 =	vshra.s32 v17, v13;
	v14 =	vcvt.s32.f32 v15;
	v15 =	vld [tilespmem:s30+$0x20];
	v17 =	vcvt.s32.f32 v18  }
0xdd: {  	v18 =	vmul.f32 v6, v7;
	v6 =	vshra.s32 v19, v11;
	v7 =	vld [tilespmem:s29+$0x20];
	v8 =	vand.u32 $0xF, v8  }
0xde: {  	v21 =	vld.idx.msk [tilespmem:v22+s21+$0x0], $0xffff;
	v6 =	vshll.u32 v6, $0x10;
	v8 =	vcvt.s32.f32 v8;
	[tilespmem:s6+$0x40] =	vst v9  }
0xdf: {  	s14 =	simm.s32 $0x2E80;
	v9 =	vadd.f32 $-8.000000000e+00, v14;
	v14 =	vshra.s32 v23, v3;
	v17 =	vadd.f32 $-8.000000000e+00, v17;
	v19 =	vld [tilespmem:s9+$0x50]  }
0xe0: {  	v22 =	vld [tilespmem:s14+$0xFFFFFF80];
	v14 =	vshll.u32 v14, $0x10;
	v16 =	vshra.s32 v16, v12;
	v8 =	vadd.f32 $-8.000000000e+00, v8  }
0xe1: {  	v9 =	vmul.f32 v14, v9;
	v14 =	vshll.u32 v16, $0x10;
	v17 =	vmul.f32 v6, v17  }
0xe2: {  	v26 =	vld [tilespmem:s14+$0x0];
	s15 =	simm.s32 $0xAE80;
	v6 =	vshra.s32 v15, v2;
	v7 =	vshra.s32 v7, v4;
	v8 =	vmul.f32 v14, v8  }
0xe3: {  	v15 =	vld [tilespmem:s15+$0xFFFFFF80];
	[tilespmem:s28+$0xFFFFFFA0] =	vst v9;
	v6 =	vand.u32 $0xF, v6;
	v25 =	vshll.u32 v7, $0x10  }
0xe4: {  	v9 =	vand.u32 $0x1F, v21;
	v23 =	vld [tilespmem:s30+$0xFFFFFFB0];
	v24 =	vcvt.s32.f32 v6;
	[tilespmem:s6+$0xFFFFFFD0] =	vst v8;
	v7 =	vshra.s32 v19, v0  }
0xe5: {  	v6 =	vand.u32 $0x1F, v20;
	v22 =	vshra.s32 v22, v9;
	v19 =	vld [tilespmem:s9+$0xFFFFFFE0];
	v7 =	vand.u32 $0xF, v7  }
0xe6: {  	v8 =	vshrl.u32 v20, $0x4;
	v20 =	vadd.f32 $-8.000000000e+00, v24;
	v24 =	vcvt.s32.f32 v7  }
0xe7: {  	v7 =	vand.u32 $0x10, v8;
	v8 =	vshrl.u32 v21, $0x4;
	v21 =	vand.u32 $0xF, v22;
	v22 =	vld [tilespmem:s29+$0xFFFFFFB0]  }
0xe8: {  	v20 =	vmul.f32 v25, v20;
	v8 =	vand.u32 $0x10, v8;
	v21 =	vcvt.s32.f32 v21;
	v25 =	vld [tilespmem:s8+$0xFFFFFFE0]  }
0xe9: {  	v16 =	vld [tilespmem:s8+$0x50];
	v26 =	vshra.s32 v26, v6;
	v23 =	vshra.s32 v23, v5;
	v15 =	vshra.s32 v15, v8  }
0xea: {  	v27 =	vld [tilespmem:s15+$0x0];
	v23 =	vand.u32 $0xF, v23;
	[tilespmem:s28+$0x20] =	vst v20;
	v20 =	vadd.f32 $-8.000000000e+00, v21;
	v19 =	vshra.s32 v19, v13  }
0xeb: {  	v15 =	vshll.u32 v15, $0x10;
	v21 =	vcvt.s32.f32 v23;
	v23 =	vld [tilespmem:s30+$0x30];
	v19 =	vand.u32 $0xF, v19  }
0xec: {  	[tilespmem:s0+$0x60] =	vst v17;
	v28 =	vld [tilespmem:s29+$0x30];
	v15 =	vmul.f32 v15, v20;
	v20 =	vshra.s32 v22, v3;
	v19 =	vcvt.s32.f32 v19  }
0xed: {  	v17 =	vadd.f32 $-8.000000000e+00, v21;
	v21 =	vld [tilespmem:s11+$0x70];
	s11 =	simm.s32 $0x12E80;
	v22 =	vshra.s32 v25, v12;
	v25 =	vand.u32 $0xF, v26  }
0xee: {  	v16 =	vshra.s32 v16, v1;
	v20 =	vshll.u32 v20, $0x10;
	[tilespmem:s11+$0xFFFFFF80] =	vst v15;
	v15 =	vld [tilespmem:s12+$0x70];
	v25 =	vcvt.s32.f32 v25  }
0xef: {  	v19 =	vadd.f32 $-8.000000000e+00, v19;
	v17 =	vmul.f32 v20, v17;
	v20 =	vshll.u32 v22, $0x10;
	v22 =	vld [tilespmem:s14+$0xFFFFFF90]  }
0xf0: {  	v16 =	vshll.u32 v16, $0x10;
	v24 =	vadd.f32 $-8.000000000e+00, v24;
	v26 =	vshra.s32 v27, v7  }
0xf1: {  	v25 =	vadd.f32 $-8.000000000e+00, v25;
	v19 =	vmul.f32 v20, v19;
	[tilespmem:s28+$0xFFFFFFB0] =	vst v17;
	v17 =	vshra.s32 v23, v2  }
0xf2: {  	s17 =	simm.s32 $0x9;
	v16 =	vmul.f32 v16, v24;
	v26 =	vshll.u32 v26, $0x10;
	v27 =	vld [tilespmem:s30+$0xFFFFFFC0];
	v17 =	vand.u32 $0xF, v17  }
0xf3: {  	v14 =	vmov s17;
	v20 =	vld [tilespmem:s15+$0xFFFFFF90];
	v25 =	vmul.f32 v26, v25;
	[tilespmem:s6+$0xFFFFFFE0] =	vst v19;
	v17 =	vcvt.s32.f32 v17  }
0xf4: {  	v23 =	vshra.s32 v28, v4;
	v11 =	vshra.s32 v15, v11;
	v19 =	vld [tilespmem:s9+$0xFFFFFFF0];
	v15 =	vshra.s32 v22, v9  }
0xf5: {  	v10 =	vshra.s32 v21, v10;
	v22 =	vld [tilespmem:s29+$0xFFFFFFC0];
	[tilespmem:s11+$0x0] =	vst v25;
	v17 =	vadd.f32 $-8.000000000e+00, v17;
	v21 =	vand.u32 $0xF, v15  }
0xf6: {  	v23 =	vshll.u32 v23, $0x10;
	v15 =	vshll.u32 v11, $0x10;
	v24 =	vld [tilespmem:s14+$0x10];
	v11 =	vcvt.s32.f32 v21  }
0xf7: {  	v10 =	vand.u32 $0xF, v10;
	v21 =	vshra.s32 v27, v5;
	v17 =	vmul.f32 v23, v17;
	v23 =	vld [tilespmem:s8+$0xFFFFFFF0]  }
0xf8: {  	v20 =	vshra.s32 v20, v8;
	v21 =	vand.u32 $0xF, v21;
	v11 =	vadd.f32 $-8.000000000e+00, v11  }
0xf9: {  	v13 =	vshra.s32 v19, v13;
	v19 =	vld [tilespmem:s15+$0x10];
	v21 =	vcvt.s32.f32 v21;
	[tilespmem:s28+$0x30] =	vst v17;
	v17 =	vshll.u32 v20, $0x10  }
0xfa: {  	v10 =	vcvt.s32.f32 v10;
	v13 =	vand.u32 $0xF, v13;
	v20 =	vld [tilespmem:s30+$0x40];
	v11 =	vmul.f32 v17, v11  }
0xfb: {  	v25 =	vld [tilespmem:s29+$0x40];
	v13 =	vcvt.s32.f32 v13;
	v17 =	vadd.f32 $-8.000000000e+00, v21;
	v21 =	vshra.s32 v22, v3  }
0xfc: {  	[tilespmem:s6+$0x50] =	vst v16;
	v16 =	vshll.u32 v21, $0x10;
	v12 =	vshra.s32 v23, v12;
	v21 =	vshra.s32 v24, v6  }
0xfd: {  	v26 =	vld [tilespmem:s9+$0x60];
	v13 =	vadd.f32 $-8.000000000e+00, v13;
	v16 =	vmul.f32 v16, v17;
	v21 =	vand.u32 $0xF, v21  }
0xfe: {  	[tilespmem:s11+$0xFFFFFF90] =	vst v11;
	v12 =	vshll.u32 v12, $0x10;
	v17 =	vld [tilespmem:s8+$0x60];
	v19 =	vshra.s32 v19, v7;
	v11 =	vcvt.s32.f32 v21  }
0xff: {  	v22 =	vld [tilespmem:s14+$0xFFFFFFA0];
	v12 =	vmul.f32 v12, v13;
	v23 =	vshll.u32 v19, $0x10;
	v13 =	vshra.s32 v20, v2;
	[tilespmem:s28+$0xFFFFFFC0] =	vst v16  }
0x100: {  	s18 =	simm.s32 $0x8;
	[tilespmem:s0+$0xFFFFFFF0] =	vst v18;
	v19 =	vshra.s32 v25, v4;
	v16 =	vadd.f32 $-8.000000000e+00, v10;
	v13 =	vand.u32 $0xF, v13;
	v18 =	vld [tilespmem:s30+$0xFFFFFFD0]  }
0x101: {  	v10 =	vmov s18;
	v24 =	vadd.f32 $-8.000000000e+00, v11;
	v21 =	vcvt.s32.f32 v13  }
0x102: {  	s13 =	simm.s32 $0x2E80;
	s16 =	simm.s32 $0xA;
	s12 =	simm.s32 $0xAE80;
	v20 =	vshra.s32 v26, v0;
	v10 =	vand.u32 $0xFFFFFFFE, v10;
	v19 =	vshll.u32 v19, $0x10;
	[tilespmem:s6+$0xFFFFFFF0] =	vst v12  }
.LBB2_3:
0x103: {  	p1 =	slt.u32 s16, $0x7E;
	v10 =	vbroadcast v10, $0x0;
	v11 =	vld [tilespmem:s15+$0xFFFFFFA0];
	v12 =	vmul.f32 v23, v24;
	v13 =	vadd.f32 $-8.000000000e+00, v21  }
0x104: {  	v20 =	vand.u32 $0xF, v20;
	v17 =	vshra.s32 v17, v1;
	v21 =	vshra.s32 v22, v9;
	v22 =	vld [tilespmem:s29+$0xFFFFFFD0]  }
0x105: {  	v23 =	vld.idx.msk [tilespmem:v14+s21+$0x0], $0xffff;
	v14 =	vand.u32 $0xF, v21;
	[tilespmem:s11+$0x10] =	vst v12;
	v12 =	vshra.s32 v18, v5;
	v13 =	vmul.f32 v19, v13  }
0x106: {  	v19 =	vcvt.s32.f32 v20;
	v14 =	vcvt.s32.f32 v14;
	v18 =	vld [tilespmem:s14+$0x20];
	v12 =	vand.u32 $0xF, v12  }
0x107: {  	v15 =	vmul.f32 v15, v16;
	v20 =	vld [tilespmem:s15+$0x20];
	v12 =	vcvt.s32.f32 v12;
	[tilespmem:s28+$0x40] =	vst v13;
	v13 =	vshll.u32 v17, $0x10  }
0x108: {  	v17 =	vadd.f32 $-8.000000000e+00, v19;
	v14 =	vadd.f32 $-8.000000000e+00, v14;
	v11 =	vshra.s32 v11, v8;
	v16 =	vld [tilespmem:s30+$0x50]  }
0x109: {  	v10 =	vld.idx.msk [tilespmem:v10+s21+$0x0], $0xffff;
	v11 =	vshll.u32 v11, $0x10;
	v12 =	vadd.f32 $-8.000000000e+00, v12;
	v19 =	vshra.s32 v22, v3;
	[tilespmem:s0+$0x70] =	vst v15;
	s0 =	smov.u32 s6;
	s6 =	smov.u32 s28;
	s28 =	smov.u32 s11  }
0x10a: {  	s14 =	sadd.s32 $0x100, s14;
	v13 =	vmul.f32 v13, v17;
	v11 =	vmul.f32 v11, v14;
	v14 =	vshll.u32 v19, $0x10;
	v15 =	vld [tilespmem:s29+$0x50]  }
0x10b: {  	s17 =	sadd.s32 $0x1, s16;
	s15 =	sadd.s32 $0x100, s15;
	v17 =	vld [tilespmem:s14+$0xFFFFFF80];
	v18 =	vshra.s32 v18, v6;
	v12 =	vmul.f32 v14, v12  }
0x10c: {  	v14 =	vmov s17;
	v19 =	vld [tilespmem:s15+$0xFFFFFF80];
	[tilespmem:s11+$0xFFFFFFA0] =	vst v11;
	v11 =	vand.u32 $0xF, v18;
	v18 =	vshra.s32 v20, v7  }
0x10d: {  	v20 =	vld [tilespmem:s13+$0xFFFFFFB0];
	v11 =	vcvt.s32.f32 v11;
	v18 =	vshll.u32 v18, $0x10;
	[tilespmem:s6+$0xFFFFFFD0] =	vst v12;
	v12 =	vshra.s32 v16, v2  }
0x10e: {  	v21 =	vshrl.u32 v23, $0x4;
	v16 =	vand.u32 $0x1F, v23;
	v22 =	vld [tilespmem:s30+$0xFFFFFFE0];
	v12 =	vand.u32 $0xF, v12;
	[tilespmem:s0+$0x60] =	vst v13  }
0x10f: {  	v13 =	vand.u32 $0x1F, v10;
	v23 =	vld [tilespmem:s14+$0x0];
	v11 =	vadd.f32 $-8.000000000e+00, v11;
	v12 =	vcvt.s32.f32 v12  }
0x110: {  	v21 =	vand.u32 $0x10, v21;
	v15 =	vshra.s32 v15, v4;
	v17 =	vshra.s32 v17, v13;
	v24 =	vld [tilespmem:s15+$0x0]  }
0x111: {  	v10 =	vshrl.u32 v10, $0x4;
	v17 =	vand.u32 $0xF, v17;
	v25 =	vld [tilespmem:s12+$0xFFFFFFB0];
	v11 =	vmul.f32 v18, v11  }
0x112: {  	v10 =	vand.u32 $0x10, v10;
	v17 =	vcvt.s32.f32 v17;
	v18 =	vshra.s32 v20, v9;
	v20 =	vld [tilespmem:s29+$0xFFFFFFE0]  }
0x113: {  	v19 =	vshra.s32 v19, v10;
	v18 =	vand.u32 $0xF, v18;
	[tilespmem:s11+$0x20] =	vst v11;
	v11 =	vshra.s32 v22, v5;
	v22 =	vld [tilespmem:s9+$0x70];
	s9 =	smov.u32 s30;
	s30 =	smov.u32 s13;
	s13 =	smov.u32 s14  }
0x114: {  	v17 =	vadd.f32 $-8.000000000e+00, v17;
	v18 =	vcvt.s32.f32 v18;
	v26 =	vld [tilespmem:s30+$0x30];
	v11 =	vand.u32 $0xF, v11  }
0x115: {  	v19 =	vshll.u32 v19, $0x10;
	v23 =	vshra.s32 v23, v16;
	v27 =	vld [tilespmem:s12+$0x30];
	v11 =	vcvt.s32.f32 v11  }
0x116: {  	v17 =	vmul.f32 v19, v17;
	v18 =	vadd.f32 $-8.000000000e+00, v18;
	v19 =	vshra.s32 v25, v8;
	v25 =	vld [tilespmem:s8+$0x70];
	s8 =	smov.u32 s29;
	s29 =	smov.u32 s12;
	s12 =	smov.u32 s15  }
0x117: {  	s11 =	sadd.s32 $0x100, s11;
	v19 =	vshll.u32 v19, $0x10;
	v11 =	vadd.f32 $-8.000000000e+00, v11;
	v20 =	vshra.s32 v20, v3  }
0x118: {  	[tilespmem:s11+$0xFFFFFF80] =	vst v17;
	v17 =	vand.u32 $0xF, v23;
	v18 =	vmul.f32 v19, v18;
	v19 =	vshll.u32 v20, $0x10  }
0x119: {  	v23 =	vshra.s32 v24, v21;
	v20 =	vld [tilespmem:s14+$0xFFFFFF90];
	v17 =	vcvt.s32.f32 v17;
	v11 =	vmul.f32 v19, v11  }
0x11a: {  	v23 =	vshll.u32 v23, $0x10;
	v19 =	vld [tilespmem:s15+$0xFFFFFF90];
	[tilespmem:s28+$0xFFFFFFB0] =	vst v18;
	v18 =	vshra.s32 v26, v6;
	v24 =	vshra.s32 v27, v7  }
0x11b: {  	v17 =	vadd.f32 $-8.000000000e+00, v17;
	v26 =	vld [tilespmem:s30+$0xFFFFFFC0];
	v18 =	vand.u32 $0xF, v18;
	v24 =	vshll.u32 v24, $0x10;
	[tilespmem:s6+$0xFFFFFFE0] =	vst v11  }
0x11c: {  	v15 =	vshll.u32 v15, $0x10;
	v12 =	vadd.f32 $-8.000000000e+00, v12;
	v11 =	vcvt.s32.f32 v18;
	v18 =	vld [tilespmem:s9+$0xFFFFFFF0]  }
0x11d: {  	v22 =	vshra.s32 v22, v0;
	v0 =	vmovc v2;
	v17 =	vmul.f32 v23, v17;
	v23 =	vshra.s32 v25, v1  }
0x11e: {  	v12 =	vmul.f32 v15, v12;
	v2 =	vmovc v6;
	v6 =	vmovc v16;
	v20 =	vshra.s32 v20, v13;
	v11 =	vadd.f32 $-8.000000000e+00, v11  }
0x11f: {  	v1 =	vmovc v4;
	v4 =	vmovc v7;
	v15 =	vshll.u32 v23, $0x10;
	v16 =	vand.u32 $0xF, v20;
	[tilespmem:s11+$0x0] =	vst v17;
	v17 =	vld [tilespmem:s29+$0xFFFFFFC0];
	v20 =	vand.u32 $0xF, v22  }
0x120: {  	v7 =	vmovc v21;
	v16 =	vcvt.s32.f32 v16;
	v22 =	vshra.s32 v26, v9;
	v11 =	vmul.f32 v24, v11;
	v23 =	vld [tilespmem:s8+$0xFFFFFFF0];
	[tilespmem:s6+$0x50] =	vst v12  }
0x121: {  	v12 =	vshra.s32 v19, v10;
	v19 =	vld [tilespmem:s14+$0x10];
	v21 =	vand.u32 $0xF, v22;
	v18 =	vshra.s32 v18, v5;
	v5 =	vmovc v9;
	v9 =	vmovc v13  }
0x122: {  	v13 =	vadd.f32 $-8.000000000e+00, v16;
	v16 =	vld [tilespmem:s15+$0x10];
	v21 =	vcvt.s32.f32 v21;
	[tilespmem:s28+$0x30] =	vst v11;
	v11 =	vand.u32 $0xF, v18  }
0x123: {  	v20 =	vcvt.s32.f32 v20;
	v12 =	vshll.u32 v12, $0x10;
	v18 =	vld [tilespmem:s30+$0x40];
	v11 =	vcvt.s32.f32 v11  }
0x124: {  	v12 =	vmul.f32 v12, v13;
	v13 =	vadd.f32 $-8.000000000e+00, v21;
	v17 =	vshra.s32 v17, v8;
	v21 =	vld [tilespmem:s29+$0x40]  }
0x125: {  	v17 =	vshll.u32 v17, $0x10;
	v11 =	vadd.f32 $-8.000000000e+00, v11;
	v22 =	vshra.s32 v23, v3;
	v25 =	vld [tilespmem:s9+$0x60];
	v3 =	vmovc v8;
	v8 =	vmovc v10  }
0x126: {  	v10 =	vshra.s32 v19, v6;
	v13 =	vmul.f32 v17, v13;
	v19 =	vshll.u32 v22, $0x10;
	v17 =	vld [tilespmem:s8+$0x60]  }
.Ltmp0:
0x127: {  	[tilespmem:s11+$0xFFFFFF90] =	vst v12;
	v10 =	vand.u32 $0xF, v10;
	v12 =	vshra.s32 v16, v7;
	v11 =	vmul.f32 v19, v11;
	(pc) =	sbr.rel @p1 .LBB2_3-.Ltmp0, $4  }
0x128: {  	v22 =	vld [tilespmem:s14+$0xFFFFFFA0];
	v10 =	vcvt.s32.f32 v10;
	v23 =	vshll.u32 v12, $0x10;
	[tilespmem:s28+$0xFFFFFFC0] =	vst v13;
	v12 =	vshra.s32 v18, v2  }
0x129: {  	v16 =	vadd.f32 $-8.000000000e+00, v20;
	v18 =	vld [tilespmem:s30+$0xFFFFFFD0];
	v12 =	vand.u32 $0xF, v12;
	v13 =	vshra.s32 v21, v4;
	[tilespmem:s6+$0xFFFFFFF0] =	vst v11  }
0x12a: {  	v11 =	vmov s16;
	v24 =	vadd.f32 $-8.000000000e+00, v10;
	v21 =	vcvt.s32.f32 v12  }
0x12b: {  	s16 =	sadd.s32 $0x2, s16;
	v10 =	vand.u32 $0xFFFFFFFE, v11;
	v19 =	vshll.u32 v13, $0x10;
	v20 =	vshra.s32 v25, v0  }
0x12c: {  	v10 =	vbroadcast v10, $0x0;
	_ =	sdelay $0x4  }
0x12d: {  	v14 =	vld.idx.msk [tilespmem:v14+s21+$0x0], $0xffff  }
0x12e: {  	s18 =	sadd.s32 $0x100, s14;
	v10 =	vld.idx.msk [tilespmem:v10+s21+$0x0], $0xffff  }
0x12f: {  	v11 =	vld [tilespmem:s18+$0xFFFFFF80]  }
0x130: {  	v25 =	vld [tilespmem:s18+$0x0];
	_ =	sdelay $0x1  }
0x131: {  	s17 =	sadd.s32 $0x100, s15  }
0x132: {  	v26 =	vld [tilespmem:s17+$0xFFFFFF80];
	v13 =	vand.u32 $0x1F, v10  }
0x133: {  	v27 =	vld [tilespmem:s17+$0x0];
	v12 =	vand.u32 $0x1F, v14;
	v11 =	vshra.s32 v11, v13  }
0x134: {  	v54 =	vshra.s32 v25, v12;
	v10 =	vshrl.u32 v10, $0x4;
	v11 =	vand.u32 $0xF, v11  }
0x135: {  	v28 =	vcvt.s32.f32 v11;
	v11 =	vand.u32 $0x10, v10;
	v10 =	vand.u32 $0xF, v54  }
0x136: {  	v14 =	vshrl.u32 v14, $0x4;
	v57 =	vcvt.s32.f32 v10  }
0x137: {  	v55 =	vshra.s32 v26, v11;
	v10 =	vand.u32 $0x10, v14;
	v56 =	vadd.f32 $-8.000000000e+00, v28  }
0x138: {  	v25 =	vshll.u32 v55, $0x10;
	v59 =	vshra.s32 v27, v10;
	v60 =	vadd.f32 $-8.000000000e+00, v57  }
0x139: {  	v61 =	vshll.u32 v59, $0x10;
	v58 =	vmul.f32 v25, v56  }
0x13a: {  	s16 =	sadd.s32 $0x100, s11;
	v14 =	vmul.f32 v61, v60  }
0x13b: {  	[tilespmem:s16+$0xFFFFFF80] =	vst v58  }
0x13c: {  	v62 =	vld [tilespmem:s18+$0xFFFFFF90];
	[tilespmem:s16+$0x0] =	vst v14  }
0x13d: {  	v14 =	vld [tilespmem:s18+$0x10];
	_ =	sdelay $0x2  }
0x13e: {  	v63 =	vld [tilespmem:s17+$0xFFFFFF90]  }
0x13f: {  	v30 =	vld [tilespmem:s17+$0x10];
	v25 =	vshra.s32 v62, v13  }
0x140: {  	v25 =	vand.u32 $0xF, v25;
	v14 =	vshra.s32 v14, v12  }
0x141: {  	v25 =	vcvt.s32.f32 v25;
	v14 =	vand.u32 $0xF, v14  }
0x142: {  	v23 =	vmul.f32 v23, v24;
	v14 =	vcvt.s32.f32 v14  }
0x143: {  	v26 =	vshra.s32 v63, v11;
	v25 =	vadd.f32 $-8.000000000e+00, v25  }
0x144: {  	v32 =	vld [tilespmem:s15+$0xFFFFFFA0];
	[tilespmem:s11+$0x10] =	vst v23;
	v26 =	vshll.u32 v26, $0x10;
	v31 =	vshra.s32 v30, v10;
	v14 =	vadd.f32 $-8.000000000e+00, v14  }
0x145: {  	v34 =	vld [tilespmem:s14+$0x20];
	v24 =	vshll.u32 v31, $0x10;
	v25 =	vmul.f32 v26, v25  }
0x146: {  	v22 =	vshra.s32 v22, v9;
	v14 =	vmul.f32 v24, v14  }
0x147: {  	v22 =	vand.u32 $0xF, v22;
	v35 =	vld [tilespmem:s15+$0x20];
	[tilespmem:s16+$0xFFFFFF90] =	vst v25  }
0x148: {  	v22 =	vcvt.s32.f32 v22;
	v33 =	vld [tilespmem:s18+$0xFFFFFFA0];
	[tilespmem:s16+$0x10] =	vst v14  }
0x149: {  	v14 =	vld [tilespmem:s18+$0x20]  }
0x14a: {  	v22 =	vadd.f32 $-8.000000000e+00, v22;
	v26 =	vshra.s32 v32, v8;
	v24 =	vshra.s32 v34, v6  }
0x14b: {  	v26 =	vshll.u32 v26, $0x10;
	v24 =	vand.u32 $0xF, v24  }
0x14c: {  	v22 =	vmul.f32 v26, v22;
	v36 =	vld [tilespmem:s17+$0xFFFFFFA0];
	v24 =	vcvt.s32.f32 v24  }
0x14d: {  	v38 =	vshra.s32 v35, v7;
	v37 =	vld [tilespmem:s17+$0x20];
	v23 =	vshra.s32 v33, v13  }
0x14e: {  	[tilespmem:s11+$0xFFFFFFA0] =	vst v22;
	v24 =	vadd.f32 $-8.000000000e+00, v24;
	v23 =	vand.u32 $0xF, v23;
	v14 =	vshra.s32 v14, v12  }
0x14f: {  	v22 =	vshll.u32 v38, $0x10;
	v39 =	vld [tilespmem:s13+$0xFFFFFFB0];
	v23 =	vcvt.s32.f32 v23;
	v14 =	vand.u32 $0xF, v14  }
0x150: {  	v22 =	vmul.f32 v22, v24;
	v14 =	vcvt.s32.f32 v14  }
0x151: {  	v27 =	vshra.s32 v36, v11;
	v23 =	vadd.f32 $-8.000000000e+00, v23  }
0x152: {  	v41 =	vld [tilespmem:s12+$0xFFFFFFB0];
	v27 =	vshll.u32 v27, $0x10;
	v40 =	vshra.s32 v37, v10;
	[tilespmem:s11+$0x20] =	vst v22;
	v14 =	vadd.f32 $-8.000000000e+00, v14  }
0x153: {  	v42 =	vshll.u32 v40, $0x10;
	v46 =	vld [tilespmem:s13+$0x30];
	v23 =	vmul.f32 v27, v23  }
0x154: {  	v43 =	vshra.s32 v39, v9;
	v14 =	vmul.f32 v42, v14  }
0x155: {  	v45 =	vand.u32 $0xF, v43;
	[tilespmem:s16+$0xFFFFFFA0] =	vst v23  }
0x156: {  	v23 =	vcvt.s32.f32 v45;
	v44 =	vld [tilespmem:s18+$0xFFFFFFB0];
	[tilespmem:s16+$0x20] =	vst v14  }
0x157: {  	v21 =	vadd.f32 $-8.000000000e+00, v21;
	v14 =	vld [tilespmem:s18+$0x30]  }
0x158: {  	v47 =	vshra.s32 v41, v8;
	v49 =	vld [tilespmem:s12+$0x30];
	v24 =	vshra.s32 v46, v6;
	v23 =	vadd.f32 $-8.000000000e+00, v23  }
0x159: {  	v19 =	vmul.f32 v19, v21;
	v25 =	vshll.u32 v47, $0x10;
	v50 =	vand.u32 $0xF, v24  }
0x15a: {  	v48 =	vld [tilespmem:s17+$0xFFFFFFB0];
	v21 =	vcvt.s32.f32 v50;
	v23 =	vmul.f32 v25, v23  }
0x15b: {  	v51 =	vld [tilespmem:s17+$0x30];
	v22 =	vshra.s32 v44, v13  }
0x15c: {  	v21 =	vadd.f32 $-8.000000000e+00, v21;
	[tilespmem:s11+$0xFFFFFFB0] =	vst v23;
	v22 =	vand.u32 $0xF, v22;
	v14 =	vshra.s32 v14, v12  }
0x15d: {  	v25 =	vshra.s32 v49, v7;
	v23 =	vld [tilespmem:s13+$0xFFFFFFC0];
	v22 =	vcvt.s32.f32 v22;
	v14 =	vand.u32 $0xF, v14  }
0x15e: {  	v25 =	vshll.u32 v25, $0x10;
	v14 =	vcvt.s32.f32 v14  }
0x15f: {  	v26 =	vshra.s32 v48, v11;
	v21 =	vmul.f32 v25, v21;
	v22 =	vadd.f32 $-8.000000000e+00, v22  }
0x160: {  	v52 =	vld [tilespmem:s29+$0xFFFFFFD0];
	v26 =	vshll.u32 v26, $0x10;
	v24 =	vshra.s32 v51, v10;
	v14 =	vadd.f32 $-8.000000000e+00, v14  }
0x161: {  	v18 =	vshra.s32 v18, v5;
	v53 =	vld [tilespmem:s12+$0xFFFFFFC0];
	v24 =	vshll.u32 v24, $0x10;
	v22 =	vmul.f32 v26, v22  }
0x162: {  	v18 =	vand.u32 $0xF, v18;
	[tilespmem:s11+$0x30] =	vst v21;
	v23 =	vshra.s32 v23, v9;
	v14 =	vmul.f32 v24, v14  }
0x163: {  	v20 =	vand.u32 $0xF, v20;
	v18 =	vcvt.s32.f32 v18;
	v57 =	vld [tilespmem:s13+$0x40];
	v55 =	vand.u32 $0xF, v23;
	[tilespmem:s16+$0xFFFFFFB0] =	vst v22  }
0x164: {  	v17 =	vshra.s32 v17, v1;
	v20 =	vcvt.s32.f32 v20;
	v22 =	vcvt.s32.f32 v55;
	v56 =	vld [tilespmem:s18+$0xFFFFFFC0];
	[tilespmem:s16+$0x30] =	vst v14  }
0x165: {  	v17 =	vshll.u32 v17, $0x10;
	v18 =	vadd.f32 $-8.000000000e+00, v18;
	v58 =	vshra.s32 v52, v3;
	v59 =	vld [tilespmem:s18+$0x40]  }
0x166: {  	[tilespmem:s28+$0x40] =	vst v19;
	v60 =	vld [tilespmem:s12+$0x40];
	v26 =	vshll.u32 v58, $0x10;
	v19 =	vshra.s32 v53, v8;
	v22 =	vadd.f32 $-8.000000000e+00, v22  }
0x167: {  	v20 =	vadd.f32 $-8.000000000e+00, v20;
	v61 =	vmul.f32 v26, v18;
	v62 =	vshll.u32 v19, $0x10;
	v63 =	vld [tilespmem:s17+$0xFFFFFFC0]  }
0x168: {  	v29 =	vshra.s32 v57, v6;
	v14 =	vmul.f32 v15, v16;
	v16 =	vmul.f32 v62, v22  }
0x169: {  	v17 =	vmul.f32 v17, v20;
	[tilespmem:s28+$0xFFFFFFD0] =	vst v61;
	v32 =	vand.u32 $0xF, v29;
	v30 =	vld [tilespmem:s17+$0x40];
	v26 =	vshra.s32 v56, v13  }
0x16a: {  	v31 =	vld [tilespmem:s30+$0xFFFFFFE0];
	[tilespmem:s11+$0xFFFFFFC0] =	vst v16;
	v16 =	vcvt.s32.f32 v32;
	v19 =	vand.u32 $0xF, v26;
	v33 =	vshra.s32 v59, v12  }
0x16b: {  	v35 =	vshra.s32 v60, v7;
	v34 =	vld [tilespmem:s13+$0xFFFFFFD0];
	v19 =	vcvt.s32.f32 v19;
	v20 =	vand.u32 $0xF, v33  }
0x16c: {  	v54 =	vld [tilespmem:s30+$0x50];
	v18 =	vshra.s32 v63, v11;
	v16 =	vadd.f32 $-8.000000000e+00, v16;
	v20 =	vcvt.s32.f32 v20  }
0x16d: {  	v36 =	vld [tilespmem:s29+$0x50];
	v24 =	vshll.u32 v35, $0x10;
	v18 =	vshll.u32 v18, $0x10;
	v19 =	vadd.f32 $-8.000000000e+00, v19  }
0x16e: {  	v37 =	vld [tilespmem:s29+$0xFFFFFFE0];
	v38 =	vshra.s32 v30, v10;
	v16 =	vmul.f32 v24, v16;
	v20 =	vadd.f32 $-8.000000000e+00, v20  }
0x16f: {  	[tilespmem:s6+$0x60] =	vst v17;
	v39 =	vshra.s32 v31, v5;
	v40 =	vld [tilespmem:s12+$0xFFFFFFD0];
	v18 =	vmul.f32 v18, v19;
	v19 =	vshll.u32 v38, $0x10  }
0x170: {  	v17 =	vand.u32 $0xF, v39;
	v23 =	vshra.s32 v34, v9;
	[tilespmem:s11+$0x40] =	vst v16;
	v42 =	vmul.f32 v19, v20  }
0x171: {  	v28 =	vshra.s32 v54, v2;
	v17 =	vcvt.s32.f32 v17;
	v43 =	vand.u32 $0xF, v23;
	v45 =	vld [tilespmem:s13+$0x50];
	[tilespmem:s16+$0xFFFFFFC0] =	vst v18  }
0x172: {  	v46 =	vshra.s32 v36, v4;
	v15 =	vand.u32 $0xF, v28;
	v19 =	vcvt.s32.f32 v43;
	v44 =	vld [tilespmem:s18+$0xFFFFFFD0];
	[tilespmem:s16+$0x40] =	vst v42  }
0x173: {  	v15 =	vcvt.s32.f32 v15;
	v47 =	vshra.s32 v37, v3;
	v17 =	vadd.f32 $-8.000000000e+00, v17;
	v48 =	vld [tilespmem:s18+$0x50]  }
0x174: {  	v21 =	vshra.s32 v40, v8;
	v23 =	vshll.u32 v47, $0x10;
	v49 =	vld [tilespmem:s12+$0x50];
	v19 =	vadd.f32 $-8.000000000e+00, v19  }
0x175: {  	v15 =	vadd.f32 $-8.000000000e+00, v15;
	v21 =	vshll.u32 v21, $0x10;
	v17 =	vmul.f32 v23, v17;
	v50 =	vld [tilespmem:s17+$0xFFFFFFD0]  }
0x176: {  	v18 =	vshll.u32 v46, $0x10;
	v19 =	vmul.f32 v21, v19;
	v52 =	vshra.s32 v45, v6  }
0x177: {  	v15 =	vmul.f32 v18, v15;
	[tilespmem:s28+$0xFFFFFFE0] =	vst v17;
	v53 =	vld [tilespmem:s17+$0x50];
	v17 =	vand.u32 $0xF, v52;
	v16 =	vshra.s32 v44, v13  }
0x178: {  	v41 =	vld [tilespmem:s9+$0x70];
	[tilespmem:s11+$0xFFFFFFD0] =	vst v19;
	v17 =	vcvt.s32.f32 v17;
	v16 =	vand.u32 $0xF, v16;
	v55 =	vshra.s32 v48, v12  }
0x179: {  	[tilespmem:s28+$0x50] =	vst v15;
	v57 =	vshra.s32 v49, v7;
	v56 =	vld [tilespmem:s13+$0xFFFFFFE0];
	v16 =	vcvt.s32.f32 v16;
	v19 =	vand.u32 $0xF, v55  }
0x17a: {  	v58 =	vld [tilespmem:s30+$0x60];
	v23 =	vshra.s32 v50, v11;
	v17 =	vadd.f32 $-8.000000000e+00, v17;
	v19 =	vcvt.s32.f32 v19  }
0x17b: {  	v51 =	vld [tilespmem:s8+$0x70];
	v21 =	vshll.u32 v57, $0x10;
	v23 =	vshll.u32 v23, $0x10;
	v16 =	vadd.f32 $-8.000000000e+00, v16  }
0x17c: {  	v54 =	vld [tilespmem:s30+$0xFFFFFFF0];
	v18 =	vshra.s32 v53, v10;
	v17 =	vmul.f32 v21, v17;
	v19 =	vadd.f32 $-8.000000000e+00, v19  }
0x17d: {  	v0 =	vshra.s32 v41, v0;
	v59 =	vld [tilespmem:s12+$0xFFFFFFE0];
	v18 =	vshll.u32 v18, $0x10;
	v16 =	vmul.f32 v23, v16  }
0x17e: {  	v0 =	vand.u32 $0xF, v0;
	v61 =	vld [tilespmem:s29+$0x60];
	v15 =	vshra.s32 v56, v9;
	[tilespmem:s11+$0x50] =	vst v17;
	v62 =	vmul.f32 v18, v19  }
0x17f: {  	v0 =	vcvt.s32.f32 v0;
	v23 =	vshra.s32 v58, v2;
	v15 =	vand.u32 $0xF, v15;
	v25 =	vld [tilespmem:s13+$0x60];
	[tilespmem:s16+$0xFFFFFFD0] =	vst v16  }
0x180: {  	v60 =	vshra.s32 v51, v1;
	v18 =	vand.u32 $0xF, v23;
	v15 =	vcvt.s32.f32 v15;
	v24 =	vld [tilespmem:s18+$0xFFFFFFE0];
	[tilespmem:s16+$0x50] =	vst v62  }
0x181: {  	v0 =	vadd.f32 $-8.000000000e+00, v0;
	v1 =	vshll.u32 v60, $0x10;
	v26 =	vcvt.s32.f32 v18;
	v27 =	vld [tilespmem:s18+$0x60]  }
0x182: {  	v63 =	vshra.s32 v54, v5;
	v28 =	vshra.s32 v59, v8;
	v29 =	vld [tilespmem:s12+$0x60];
	v15 =	vadd.f32 $-8.000000000e+00, v15  }
0x183: {  	v21 =	vshra.s32 v61, v4;
	v20 =	vshll.u32 v28, $0x10;
	v30 =	vld [tilespmem:s17+$0xFFFFFFE0];
	v16 =	vadd.f32 $-8.000000000e+00, v26  }
0x184: {  	v21 =	vshll.u32 v21, $0x10;
	v15 =	vmul.f32 v20, v15;
	v19 =	vshra.s32 v25, v6  }
0x185: {  	v31 =	vld [tilespmem:s17+$0x60];
	v16 =	vmul.f32 v21, v16;
	v33 =	vand.u32 $0xF, v19;
	v17 =	vshra.s32 v24, v13  }
0x186: {  	v32 =	vld [tilespmem:s29+$0xFFFFFFF0];
	[tilespmem:s11+$0xFFFFFFE0] =	vst v15;
	v15 =	vcvt.s32.f32 v33;
	v17 =	vand.u32 $0xF, v17;
	v18 =	vshra.s32 v27, v12  }
0x187: {  	v35 =	vshra.s32 v29, v7;
	[tilespmem:s28+$0x60] =	vst v16;
	v34 =	vld [tilespmem:s13+$0xFFFFFFF0];
	v17 =	vcvt.s32.f32 v17;
	v18 =	vand.u32 $0xF, v18  }
0x188: {  	v23 =	vshra.s32 v30, v11;
	v36 =	vld [tilespmem:s30+$0x70];
	v15 =	vadd.f32 $-8.000000000e+00, v15;
	v18 =	vcvt.s32.f32 v18  }
0x189: {  	v19 =	vshll.u32 v35, $0x10;
	v23 =	vshll.u32 v23, $0x10;
	v17 =	vadd.f32 $-8.000000000e+00, v17  }
0x18a: {  	v20 =	vshra.s32 v31, v10;
	v15 =	vmul.f32 v19, v15;
	v18 =	vadd.f32 $-8.000000000e+00, v18  }
0x18b: {  	v5 =	vand.u32 $0xF, v63;
	v37 =	vld [tilespmem:s12+$0xFFFFFFF0];
	v38 =	vshll.u32 v20, $0x10;
	v17 =	vmul.f32 v23, v17  }
0x18c: {  	v5 =	vcvt.s32.f32 v5;
	v40 =	vld [tilespmem:s29+$0x70];
	v41 =	vshra.s32 v34, v9;
	[tilespmem:s11+$0x60] =	vst v15;
	v42 =	vmul.f32 v38, v18  }
0x18d: {  	v39 =	vshra.s32 v32, v3;
	v43 =	vshra.s32 v36, v2;
	v9 =	vand.u32 $0xF, v41;
	v45 =	vld [tilespmem:s13+$0x70];
	[tilespmem:s16+$0xFFFFFFE0] =	vst v17  }
0x18e: {  	v5 =	vadd.f32 $-8.000000000e+00, v5;
	v2 =	vand.u32 $0xF, v43;
	v9 =	vcvt.s32.f32 v9;
	v44 =	vld [tilespmem:s18+$0xFFFFFFF0];
	[tilespmem:s16+$0x60] =	vst v42  }
0x18f: {  	v0 =	vmul.f32 v1, v0;
	v3 =	vshll.u32 v39, $0x10;
	v2 =	vcvt.s32.f32 v2;
	v46 =	vld [tilespmem:s18+$0x70]  }
0x190: {  	v3 =	vmul.f32 v3, v5;
	v48 =	vshra.s32 v37, v8;
	v49 =	vld [tilespmem:s12+$0x70];
	v47 =	vadd.f32 $-8.000000000e+00, v9  }
0x191: {  	v50 =	vshra.s32 v40, v4;
	v8 =	vshll.u32 v48, $0x10;
	v51 =	vld [tilespmem:s17+$0xFFFFFFF0];
	v2 =	vadd.f32 $-8.000000000e+00, v2  }
0x192: {  	v4 =	vshll.u32 v50, $0x10;
	v55 =	vld [tilespmem:s17+$0x70];
	v1 =	vmul.f32 v8, v47;
	v53 =	vshra.s32 v45, v6  }
0x193: {  	v2 =	vmul.f32 v4, v2;
	v4 =	vand.u32 $0xF, v53;
	v52 =	vshra.s32 v44, v13  }
0x194: {  	v4 =	vcvt.s32.f32 v4;
	v54 =	vand.u32 $0xF, v52;
	v5 =	vshra.s32 v46, v12  }
0x195: {  	[tilespmem:s0+$0x70] =	vst v14;
	v56 =	vshra.s32 v49, v7;
	v6 =	vcvt.s32.f32 v54;
	v5 =	vand.u32 $0xF, v5  }
0x196: {  	[tilespmem:s6+$0x70] =	vst v0;
	v59 =	vshll.u32 v56, $0x10;
	v4 =	vadd.f32 $-8.000000000e+00, v4;
	v5 =	vcvt.s32.f32 v5  }
0x197: {  	[tilespmem:s28+$0xFFFFFFF0] =	vst v3;
	v58 =	vshra.s32 v51, v11;
	v61 =	vshra.s32 v55, v10;
	v57 =	vadd.f32 $-8.000000000e+00, v6  }
0x198: {  	p1 =	seq.s32 s31, $0x27;
	[tilespmem:s11+$0xFFFFFFF0] =	vst v1;
	v6 =	vshll.u32 v58, $0x10;
	v0 =	vmul.f32 v59, v4;
	v5 =	vadd.f32 $-8.000000000e+00, v5  }
.Ltmp1:
0x199: {  	s30 =	sshll.u32 s31, $0xF;
	[tilespmem:s28+$0x70] =	vst v2;
	v62 =	vshll.u32 v61, $0x10;
	v60 =	vmul.f32 v6, v57;
	(pc) =	sbr.rel @p1 .LBB2_6-.Ltmp1, $4  }
0x19a: {  	s0 =	sadd.s32 s7, s30;
	[tilespmem:s11+$0x70] =	vst v0;
	v63 =	vmul.f32 v62, v5  }
0x19b: {  	s0 =	sshrl.u32 s0, $0x3;
	[tilespmem:s16+$0xFFFFFFF0] =	vst v60  }
0x19c: {  	s0 =	sadd.s32 s2, s0;
	[tilespmem:s16+$0x70] =	vst v63  }
0x19d: {  	[hbm4b:s0+s3] =	stream.linear.scatter [tilespmem:s22], [sflag:$0x5], $0x4000, $0x38;
	[tilespmem:$0x1AB00] =	vst v63  }
0x19e: {  	s0 =	sshll.u32 s31, $0x8  }
0x19f: {  	s0 =	sand.u32 $0x3FFFFF00, s0  }
0x1a0: {  	v0 =	vld [tilespmem:s0+$0x100];
	_ =	sdelay $0x4  }
0x1a1: {  	v1 =	vshra.s32 v0, $0x2;
	v2 =	vshll.u32 v0, $0x3;
	v3 =	vshll.u32 v0, $0x2  }
0x1a2: {  	v0 =	vshra.s32 v0, $0x6;
	[tilespmem:$0x2800] =	vst v1;
	v27 =	vand.u32 $0x4, v3;
	v2 =	vand.u32 $0x110, v2  }
0x1a3: {  	[tilespmem:$0x2900] =	vst v0;
	v28 =	vor.u32 v27, v2  }
0x1a4: {  	[tilespmem:$0x2A00] =	vst v28  }
0x1a5: {  	v0 =	vld [tilespmem:s0+$0x110];
	_ =	sdelay $0x4  }
0x1a6: {  	v29 =	vshra.s32 v0, $0x2;
	v30 =	vshll.u32 v0, $0x3;
	v31 =	vshll.u32 v0, $0x2  }
0x1a7: {  	v0 =	vshra.s32 v0, $0x6;
	[tilespmem:$0x2810] =	vst v29;
	v32 =	vand.u32 $0x4, v31;
	v2 =	vand.u32 $0x110, v30  }
0x1a8: {  	[tilespmem:$0x2910] =	vst v0;
	v33 =	vor.u32 v32, v2  }
0x1a9: {  	[tilespmem:$0x2A10] =	vst v33  }
0x1aa: {  	v0 =	vld [tilespmem:s0+$0x120];
	_ =	sdelay $0x4  }
0x1ab: {  	v34 =	vshra.s32 v0, $0x2;
	v35 =	vshll.u32 v0, $0x3;
	v36 =	vshll.u32 v0, $0x2  }
0x1ac: {  	v0 =	vshra.s32 v0, $0x6;
	[tilespmem:$0x2820] =	vst v34;
	v37 =	vand.u32 $0x4, v36;
	v2 =	vand.u32 $0x110, v35  }
0x1ad: {  	[tilespmem:$0x2920] =	vst v0;
	v38 =	vor.u32 v37, v2  }
0x1ae: {  	[tilespmem:$0x2A20] =	vst v38  }
0x1af: {  	v0 =	vld [tilespmem:s0+$0x130];
	_ =	sdelay $0x4  }
0x1b0: {  	v39 =	vshra.s32 v0, $0x2;
	v40 =	vshll.u32 v0, $0x3;
	v41 =	vshll.u32 v0, $0x2  }
0x1b1: {  	v0 =	vshra.s32 v0, $0x6;
	[tilespmem:$0x2830] =	vst v39;
	v42 =	vand.u32 $0x4, v41;
	v2 =	vand.u32 $0x110, v40  }
0x1b2: {  	[tilespmem:$0x2930] =	vst v0;
	v43 =	vor.u32 v42, v2  }
0x1b3: {  	[tilespmem:$0x2A30] =	vst v43  }
0x1b4: {  	v0 =	vld [tilespmem:s0+$0x140];
	_ =	sdelay $0x4  }
0x1b5: {  	v44 =	vshra.s32 v0, $0x2;
	v45 =	vshll.u32 v0, $0x3;
	v46 =	vshll.u32 v0, $0x2  }
0x1b6: {  	v0 =	vshra.s32 v0, $0x6;
	[tilespmem:$0x2840] =	vst v44;
	v47 =	vand.u32 $0x4, v46;
	v2 =	vand.u32 $0x110, v45  }
0x1b7: {  	[tilespmem:$0x2940] =	vst v0;
	v48 =	vor.u32 v47, v2  }
0x1b8: {  	[tilespmem:$0x2A40] =	vst v48  }
0x1b9: {  	v0 =	vld [tilespmem:s0+$0x150];
	_ =	sdelay $0x4  }
0x1ba: {  	v49 =	vshra.s32 v0, $0x2;
	v50 =	vshll.u32 v0, $0x3;
	v51 =	vshll.u32 v0, $0x2  }
0x1bb: {  	v0 =	vshra.s32 v0, $0x6;
	[tilespmem:$0x2850] =	vst v49;
	v52 =	vand.u32 $0x4, v51;
	v2 =	vand.u32 $0x110, v50  }
0x1bc: {  	[tilespmem:$0x2950] =	vst v0;
	v53 =	vor.u32 v52, v2  }
0x1bd: {  	[tilespmem:$0x2A50] =	vst v53  }
0x1be: {  	v0 =	vld [tilespmem:s0+$0x160];
	_ =	sdelay $0x4  }
0x1bf: {  	v54 =	vshra.s32 v0, $0x2;
	v55 =	vshll.u32 v0, $0x3;
	v56 =	vshll.u32 v0, $0x2  }
0x1c0: {  	v0 =	vshra.s32 v0, $0x6;
	[tilespmem:$0x2860] =	vst v54;
	v57 =	vand.u32 $0x4, v56;
	v2 =	vand.u32 $0x110, v55  }
0x1c1: {  	[tilespmem:$0x2960] =	vst v0;
	v58 =	vor.u32 v57, v2  }
0x1c2: {  	[tilespmem:$0x2A60] =	vst v58  }
0x1c3: {  	v0 =	vld [tilespmem:s0+$0x170];
	_ =	sdelay $0x4  }
0x1c4: {  	v59 =	vshra.s32 v0, $0x2;
	v60 =	vshll.u32 v0, $0x3;
	v61 =	vshll.u32 v0, $0x2  }
0x1c5: {  	v0 =	vshra.s32 v0, $0x6;
	[tilespmem:$0x2870] =	vst v59;
	v62 =	vand.u32 $0x4, v61;
	v2 =	vand.u32 $0x110, v60  }
0x1c6: {  	[tilespmem:$0x2970] =	vst v0;
	v63 =	vor.u32 v62, v2  }
0x1c7: {  	s28 =	simm.s32 $0x2800;
	s6 =	simm.s32 $0x2B00;
	[tilespmem:$0x2A70] =	vst v63  }
0x1c8: {  	[tilespmem:s6], [sflag:$0x1] =	stream.indirect.gather [hbm4b:s4+s10], $0x80, s28, s10, $0xb8;
	[tilespmem:$0x1AB00] =	vst v63  }
0x1c9: {  	s29 =	simm.s32 $0x2900;
	s30 =	simm.s32 $0xAB00  }
0x1ca: {  	[tilespmem:s30], [sflag:$0x2] =	stream.indirect.gather [hbm4b:s5+s10], $0x80, s29, s10, $0xb8;
	[tilespmem:$0x1AB00] =	vst v63  }
.LBB2_6:
0x1cb: {  	_ =	swait.ge [sflag:s23], $0x4000  }
0x1cc: {  	s6 =	simm.s32 $0x0;
	[sflag:s23] =	ssyncset.done $0x0  }
0x1cd: {  	v0 =	vmov s6;
	[sflag:s23] =	ssyncadd.s32 $0xFFFFC000  }
0x1ce: {  	s0 =	simm.s32 $0x1;
	v0 =	vand.u32 $0xFFFFFFFE, v0;
	_ =	swait.ge [sflag:s24], $0x4000  }
0x1cf: {  	v1 =	vmov s0;
	v0 =	vbroadcast v0, $0x0;
	[sflag:s24] =	ssyncset.done $0x0  }
0x1d0: {  	s0 =	simm.s32 @!p0 $0x6;
	[sflag:s24] =	ssyncadd.s32 $0xFFFFC000  }
0x1d1: {  	_ =	swait.ge @!p0 [sflag:s0], $0x4000  }
0x1d2: {  	[sflag:s0] =	ssyncset.done @!p0 $0x0  }
0x1d3: {  	[sflag:s0] =	ssyncadd.s32 @!p0 $0xFFFFC000  }
0x1d4: {  	v1 =	vld.idx.msk [tilespmem:v1+s25+$0x0], $0xffff  }
0x1d5: {  	s0 =	simm.s32 $0x0;
	v2 =	vld.idx.msk [tilespmem:v0+s25+$0x0], $0xffff  }
0x1d6: {  	v3 =	vld [tilespmem:s0+$0x6B70]  }
0x1d7: {  	v4 =	vld [tilespmem:s0+$0x6B00]  }
0x1d8: {  	v5 =	vld [tilespmem:s0+$0x6B10]  }
0x1d9: {  	v6 =	vld [tilespmem:s0+$0x6B20]  }
0x1da: {  	v11 =	vld [tilespmem:s0+$0x6B30]  }
0x1db: {  	v12 =	vld [tilespmem:s0+$0x6B50]  }
0x1dc: {  	s8 =	simm.s32 $0x3;
	v14 =	vld [tilespmem:s0+$0x6B90]  }
0x1dd: {  	v0 =	vmov s8;
	v8 =	vld [tilespmem:s0+$0xEB70];
	v7 =	vand.u32 $0x1F, v2  }
0x1de: {  	v15 =	vld [tilespmem:s0+$0x6BB0];
	v9 =	vshrl.u32 v1, $0x4;
	v10 =	vand.u32 $0x1F, v1;
	v2 =	vshrl.u32 v2, $0x4  }
0x1df: {  	v3 =	vshra.s32 v3, v7;
	v1 =	vand.u32 $0x10, v9;
	v4 =	vshra.s32 v4, v7  }
0x1e0: {  	v5 =	vshra.s32 v5, v7;
	v27 =	vand.u32 $0x10, v2;
	v11 =	vshra.s32 v11, v7  }
0x1e1: {  	v9 =	vld [tilespmem:s0+$0x6B40];
	v12 =	vshra.s32 v12, v7;
	v14 =	vshra.s32 v14, v10;
	v3 =	vand.u32 $0xF, v3  }
0x1e2: {  	v2 =	vand.u32 $0xF, v4;
	v4 =	vshra.s32 v6, v7;
	v6 =	vld [tilespmem:s0+$0x6B60];
	v3 =	vcvt.s32.f32 v3  }
0x1e3: {  	v13 =	vld [tilespmem:s0+$0x6B80];
	v15 =	vshra.s32 v15, v10;
	v5 =	vand.u32 $0xF, v5;
	v8 =	vshra.s32 v8, v27  }
0x1e4: {  	v17 =	vld [tilespmem:s0+$0x6BE0];
	v11 =	vand.u32 $0xF, v11;
	v12 =	vand.u32 $0xF, v12;
	v3 =	vadd.f32 $-8.000000000e+00, v3  }
0x1e5: {  	v18 =	vld [tilespmem:s0+$0xEB00];
	v8 =	vshll.u32 v8, $0x10;
	v2 =	vcvt.s32.f32 v2;
	v5 =	vcvt.s32.f32 v5  }
0x1e6: {  	v4 =	vand.u32 $0xF, v4;
	v11 =	vcvt.s32.f32 v11;
	v3 =	vmul.f32 v8, v3;
	v8 =	vld [tilespmem:s0+$0x6BA0]  }
0x1e7: {  	v16 =	vcvt.s32.f32 v4;
	v9 =	vshra.s32 v9, v7;
	v6 =	vshra.s32 v6, v7;
	v7 =	vld [tilespmem:s0+$0x6BC0]  }
0x1e8: {  	v9 =	vand.u32 $0xF, v9;
	v4 =	vand.u32 $0xF, v6;
	v6 =	vshra.s32 v13, v10;
	v13 =	vld [tilespmem:s0+$0x6BD0]  }
0x1e9: {  	v19 =	vld [tilespmem:s0+$0xEB10];
	v12 =	vcvt.s32.f32 v12;
	v6 =	vand.u32 $0xF, v6;
	[tilespmem:s0+$0x16B70] =	vst v3;
	v3 =	vcvt.s32.f32 v9  }
0x1ea: {  	v9 =	vand.u32 $0xF, v14;
	v14 =	vld [tilespmem:s0+$0x6BF0];
	v21 =	vcvt.s32.f32 v4;
	v4 =	vand.u32 $0xF, v15  }
0x1eb: {  	v22 =	vld [tilespmem:s0+$0xEB20];
	v15 =	vadd.f32 $-8.000000000e+00, v12;
	v6 =	vcvt.s32.f32 v6;
	v25 =	vcvt.s32.f32 v9  }
0x1ec: {  	v28 =	vld [tilespmem:s0+$0xEB40];
	v29 =	vcvt.s32.f32 v4;
	v4 =	vadd.f32 $-8.000000000e+00, v2;
	v8 =	vshra.s32 v8, v10  }
0x1ed: {  	v34 =	vld [tilespmem:s0+$0xEB80];
	v7 =	vshra.s32 v7, v10;
	v8 =	vand.u32 $0xF, v8;
	v13 =	vshra.s32 v13, v10  }
0x1ee: {  	v7 =	vand.u32 $0xF, v7;
	v9 =	vand.u32 $0xF, v13;
	v13 =	vshra.s32 v17, v10  }
0x1ef: {  	v24 =	vld [tilespmem:s0+$0xEB30];
	v26 =	vcvt.s32.f32 v8;
	v10 =	vshra.s32 v14, v10;
	v31 =	vcvt.s32.f32 v7  }
0x1f0: {  	v30 =	vld [tilespmem:s0+$0xEB50];
	v7 =	vadd.f32 $-8.000000000e+00, v16;
	v17 =	vshra.s32 v18, v27;
	v16 =	vadd.f32 $-8.000000000e+00, v11  }
0x1f1: {  	v33 =	vld [tilespmem:s0+$0xEB60];
	v18 =	vshra.s32 v19, v27;
	v19 =	vshra.s32 v22, v27;
	v14 =	vadd.f32 $-8.000000000e+00, v6  }
0x1f2: {  	v20 =	vld [tilespmem:s0+$0xEB90];
	v6 =	vadd.f32 $-8.000000000e+00, v25;
	v22 =	vshra.s32 v28, v27;
	v28 =	vshra.s32 v34, v1  }
0x1f3: {  	v23 =	vld [tilespmem:s0+$0xEBA0];
	v8 =	vand.u32 $0xF, v13;
	v10 =	vand.u32 $0xF, v10;
	v13 =	vadd.f32 $-8.000000000e+00, v5  }
0x1f4: {  	v25 =	vld [tilespmem:s0+$0xEBB0];
	v2 =	vcvt.s32.f32 v9;
	v9 =	vadd.f32 $-8.000000000e+00, v3;
	v5 =	vadd.f32 $-8.000000000e+00, v29  }
0x1f5: {  	v32 =	vcvt.s32.f32 v8;
	v35 =	vcvt.s32.f32 v10;
	v12 =	vadd.f32 $-8.000000000e+00, v26;
	v26 =	vld [tilespmem:s0+$0xEBC0]  }
0x1f6: {  	v29 =	vld [tilespmem:s0+$0xEBD0];
	v8 =	vadd.f32 $-8.000000000e+00, v21;
	v21 =	vshra.s32 v24, v27;
	v10 =	vadd.f32 $-8.000000000e+00, v31  }
0x1f7: {  	s30 =	simm.s32 $0x2;
	v24 =	vshra.s32 v30, v27;
	v30 =	vld [tilespmem:s0+$0xEBE0];
	v27 =	vshra.s32 v33, v27;
	v2 =	vadd.f32 $-8.000000000e+00, v2  }
0x1f8: {  	s8 =	simm.s32 $0x4;
	v31 =	vld [tilespmem:s0+$0xEBF0];
	v11 =	vadd.f32 $-8.000000000e+00, v32;
	v3 =	vadd.f32 $-8.000000000e+00, v35;
	v32 =	vmov s30  }
.LBB2_7:
0x1f9: {  	p0 =	slt.u32 s8, $0x7E;
	v32 =	vand.u32 $0xFFFFFFFE, v32;
	v20 =	vshra.s32 v20, v1;
	v23 =	vshra.s32 v23, v1  }
0x1fa: {  	v25 =	vshra.s32 v25, v1;
	v32 =	vbroadcast v32, $0x0;
	v26 =	vshra.s32 v26, v1  }
0x1fb: {  	v17 =	vshll.u32 v17, $0x10;
	v18 =	vshll.u32 v18, $0x10;
	v29 =	vshra.s32 v29, v1  }
0x1fc: {  	v19 =	vshll.u32 v19, $0x10;
	v21 =	vshll.u32 v21, $0x10;
	v30 =	vshra.s32 v30, v1  }
0x1fd: {  	v22 =	vshll.u32 v22, $0x10;
	v24 =	vshll.u32 v24, $0x10;
	v33 =	vld.idx.msk [tilespmem:v0+s25+$0x0], $0xffff;
	v0 =	vshra.s32 v31, v1  }
0x1fe: {  	v20 =	vshll.u32 v20, $0x10;
	v1 =	vshll.u32 v27, $0x10;
	v27 =	vshll.u32 v28, $0x10  }
0x1ff: {  	v23 =	vshll.u32 v23, $0x10;
	v25 =	vshll.u32 v25, $0x10;
	v26 =	vshll.u32 v26, $0x10  }
0x200: {  	s6 =	sadd.s32 $0x400, s6;
	v29 =	vshll.u32 v29, $0x10;
	v30 =	vshll.u32 v30, $0x10;
	v31 =	vshll.u32 v0, $0x10;
	v28 =	vld.idx.msk [tilespmem:v32+s25+$0x0], $0xffff  }
0x201: {  	s11 =	sadd.s32 $0x1, s8;
	s9 =	sshra.s32 s6, $0x2;
	v4 =	vmul.f32 v17, v4;
	v13 =	vmul.f32 v18, v13  }
0x202: {  	v7 =	vmul.f32 v19, v7;
	v16 =	vmul.f32 v21, v16;
	v0 =	vmov s11;
	v17 =	vld [tilespmem:s9+$0x6B70]  }
0x203: {  	v19 =	vshrl.u32 v33, $0x4;
	v18 =	vld [tilespmem:s9+$0x6B00];
	[tilespmem:s0+$0x16B00] =	vst v4;
	v4 =	vmul.f32 v22, v9;
	v9 =	vmul.f32 v24, v15  }
0x204: {  	v8 =	vmul.f32 v1, v8;
	v21 =	vand.u32 $0x1F, v33;
	v15 =	vld [tilespmem:s9+$0x6B10];
	[tilespmem:s0+$0x16B10] =	vst v13;
	v13 =	vmul.f32 v27, v14  }
0x205: {  	v6 =	vmul.f32 v20, v6;
	v1 =	vand.u32 $0x10, v19;
	v14 =	vld [tilespmem:s9+$0x6B20];
	[tilespmem:s0+$0x16B20] =	vst v7;
	v7 =	vmul.f32 v23, v12  }
0x206: {  	v5 =	vmul.f32 v25, v5;
	v10 =	vmul.f32 v26, v10;
	v12 =	vand.u32 $0x1F, v28;
	v19 =	vld [tilespmem:s9+$0xEB70];
	[tilespmem:s0+$0x16B30] =	vst v16  }
0x207: {  	v2 =	vmul.f32 v29, v2;
	v16 =	vld [tilespmem:s9+$0x6B30];
	v17 =	vshra.s32 v17, v12;
	[tilespmem:s0+$0x16B40] =	vst v4;
	v4 =	vmul.f32 v30, v11  }
0x208: {  	v3 =	vmul.f32 v31, v3;
	v11 =	vshra.s32 v18, v12;
	v18 =	vld [tilespmem:s9+$0x6B40];
	v17 =	vand.u32 $0xF, v17;
	[tilespmem:s0+$0x16B50] =	vst v9  }
0x209: {  	v9 =	vshrl.u32 v28, $0x4;
	v15 =	vshra.s32 v15, v12;
	v20 =	vld [tilespmem:s9+$0x6B50];
	v17 =	vcvt.s32.f32 v17;
	[tilespmem:s0+$0x16B60] =	vst v8  }
0x20a: {  	v27 =	vand.u32 $0x10, v9;
	v8 =	vand.u32 $0xF, v11;
	v9 =	vshra.s32 v14, v12;
	v11 =	vld [tilespmem:s9+$0x6B60];
	[tilespmem:s0+$0x16B80] =	vst v13  }
0x20b: {  	v13 =	vand.u32 $0xF, v15;
	v14 =	vadd.f32 $-8.000000000e+00, v17;
	v15 =	vshra.s32 v19, v27;
	v17 =	vld [tilespmem:s9+$0x6B80];
	[tilespmem:s0+$0x16B90] =	vst v6  }
0x20c: {  	v6 =	vand.u32 $0xF, v9;
	v9 =	vshra.s32 v16, v12;
	v15 =	vshll.u32 v15, $0x10;
	v16 =	vld [tilespmem:s9+$0x6B90];
	[tilespmem:s0+$0x16BA0] =	vst v7  }
0x20d: {  	v7 =	vand.u32 $0xF, v9;
	v9 =	vshra.s32 v18, v12;
	v14 =	vmul.f32 v15, v14;
	v15 =	vld [tilespmem:s9+$0x6BA0];
	[tilespmem:s0+$0x16BB0] =	vst v5  }
0x20e: {  	v5 =	vcvt.s32.f32 v8;
	v8 =	vand.u32 $0xF, v9;
	v9 =	vshra.s32 v20, v12;
	v18 =	vld [tilespmem:s9+$0x6BB0];
	[tilespmem:s0+$0x16BC0] =	vst v10  }
0x20f: {  	v10 =	vcvt.s32.f32 v13;
	v9 =	vand.u32 $0xF, v9;
	v11 =	vshra.s32 v11, v12;
	[tilespmem:s9+$0x16B70] =	vst v14;
	v12 =	vld [tilespmem:s9+$0x6BC0]  }
0x210: {  	v6 =	vcvt.s32.f32 v6;
	v11 =	vand.u32 $0xF, v11;
	v13 =	vshra.s32 v17, v21;
	v14 =	vld [tilespmem:s9+$0x6BD0];
	[tilespmem:s0+$0x16BD0] =	vst v2  }
0x211: {  	v2 =	vcvt.s32.f32 v7;
	v7 =	vand.u32 $0xF, v13;
	v13 =	vshra.s32 v16, v21;
	v16 =	vld [tilespmem:s9+$0x6BE0];
	[tilespmem:s0+$0x16BE0] =	vst v4  }
0x212: {  	v8 =	vcvt.s32.f32 v8;
	v4 =	vand.u32 $0xF, v13;
	v13 =	vshra.s32 v15, v21;
	v15 =	vld [tilespmem:s9+$0x6BF0];
	[tilespmem:s0+$0x16BF0] =	vst v3;
	s0 =	smov.u32 s9  }
0x213: {  	v19 =	vcvt.s32.f32 v9;
	v3 =	vld [tilespmem:s0+$0xEB00];
	v9 =	vand.u32 $0xF, v13;
	v13 =	vshra.s32 v18, v21  }
0x214: {  	v11 =	vcvt.s32.f32 v11;
	v18 =	vld [tilespmem:s0+$0xEB10];
	v13 =	vand.u32 $0xF, v13;
	v12 =	vshra.s32 v12, v21  }
0x215: {  	v24 =	vcvt.s32.f32 v7;
	v22 =	vld [tilespmem:s0+$0xEB20];
	v7 =	vand.u32 $0xF, v12;
	v12 =	vshra.s32 v14, v21  }
0x216: {  	v25 =	vcvt.s32.f32 v4;
	v26 =	vld [tilespmem:s0+$0xEB30];
	v12 =	vand.u32 $0xF, v12;
	v4 =	vshra.s32 v16, v21  }
0x217: {  	v29 =	vcvt.s32.f32 v9;
	v28 =	vld [tilespmem:s0+$0xEB40];
	v9 =	vand.u32 $0xF, v4;
	v4 =	vshra.s32 v15, v21  }
0x218: {  	v31 =	vcvt.s32.f32 v13;
	v32 =	vcvt.s32.f32 v7;
	v30 =	vld [tilespmem:s0+$0xEB50];
	v14 =	vand.u32 $0xF, v4  }
0x219: {  	v34 =	vcvt.s32.f32 v12;
	v4 =	vadd.f32 $-8.000000000e+00, v5;
	v35 =	vcvt.s32.f32 v9;
	v33 =	vld [tilespmem:s0+$0xEB60]  }
0x21a: {  	v13 =	vadd.f32 $-8.000000000e+00, v10;
	v7 =	vadd.f32 $-8.000000000e+00, v6;
	v37 =	vcvt.s32.f32 v14;
	v36 =	vld [tilespmem:s0+$0xEB80]  }
0x21b: {  	v16 =	vadd.f32 $-8.000000000e+00, v2;
	v17 =	vshra.s32 v3, v27;
	v9 =	vadd.f32 $-8.000000000e+00, v8;
	v20 =	vld [tilespmem:s0+$0xEB90]  }
0x21c: {  	v15 =	vadd.f32 $-8.000000000e+00, v19;
	v8 =	vadd.f32 $-8.000000000e+00, v11;
	v18 =	vshra.s32 v18, v27;
	v23 =	vld [tilespmem:s0+$0xEBA0]  }
.Ltmp2:
0x21d: {  	v6 =	vadd.f32 $-8.000000000e+00, v25;
	v14 =	vadd.f32 $-8.000000000e+00, v24;
	v19 =	vshra.s32 v22, v27;
	v25 =	vld [tilespmem:s0+$0xEBB0];
	(pc) =	sbr.rel @p0 .LBB2_7-.Ltmp2, $4  }
0x21e: {  	v12 =	vadd.f32 $-8.000000000e+00, v29;
	v5 =	vadd.f32 $-8.000000000e+00, v31;
	v21 =	vshra.s32 v26, v27;
	v26 =	vld [tilespmem:s0+$0xEBC0]  }
0x21f: {  	v10 =	vadd.f32 $-8.000000000e+00, v32;
	v2 =	vadd.f32 $-8.000000000e+00, v34;
	v22 =	vshra.s32 v28, v27;
	v29 =	vld [tilespmem:s0+$0xEBD0]  }
0x220: {  	v11 =	vadd.f32 $-8.000000000e+00, v35;
	v3 =	vadd.f32 $-8.000000000e+00, v37;
	v24 =	vshra.s32 v30, v27;
	v30 =	vld [tilespmem:s0+$0xEBE0]  }
0x221: {  	v32 =	vmov s8;
	s8 =	sadd.s32 $0x2, s8;
	v27 =	vshra.s32 v33, v27;
	v28 =	vshra.s32 v36, v1;
	v31 =	vld [tilespmem:s0+$0xEBF0]  }
0x222: {  	_ =	sdelay $0x2  }
0x223: {  	v32 =	vand.u32 $0xFFFFFFFE, v32;
	v20 =	vshra.s32 v20, v1;
	s6 =	sadd.s32 $0x400, s6  }
0x224: {  	v23 =	vshra.s32 v23, v1;
	v25 =	vshra.s32 v25, v1;
	v17 =	vshll.u32 v17, $0x10;
	v0 =	vld.idx.msk [tilespmem:v0+s25+$0x0], $0xffff;
	s6 =	sshra.s32 s6, $0x2  }
0x225: {  	v18 =	vshll.u32 v18, $0x10;
	v19 =	vshll.u32 v19, $0x10;
	v21 =	vshll.u32 v21, $0x10;
	v35 =	vld [tilespmem:s6+$0x6B70]  }
0x226: {  	v22 =	vshll.u32 v22, $0x10;
	v24 =	vshll.u32 v24, $0x10;
	v27 =	vshll.u32 v27, $0x10;
	v36 =	vld [tilespmem:s6+$0x6B00]  }
0x227: {  	v28 =	vshll.u32 v28, $0x10;
	v32 =	vbroadcast v32, $0x0;
	v26 =	vshra.s32 v26, v1;
	v38 =	vld [tilespmem:s6+$0x6B10]  }
0x228: {  	v20 =	vshll.u32 v20, $0x10;
	v4 =	vmul.f32 v17, v4;
	v13 =	vmul.f32 v18, v13;
	v40 =	vld [tilespmem:s6+$0x6B20]  }
0x229: {  	v23 =	vshll.u32 v23, $0x10;
	v7 =	vmul.f32 v19, v7;
	v16 =	vmul.f32 v21, v16;
	v48 =	vld [tilespmem:s6+$0x6B80]  }
0x22a: {  	v25 =	vshll.u32 v25, $0x10;
	v9 =	vmul.f32 v22, v9;
	v15 =	vmul.f32 v24, v15;
	v49 =	vld [tilespmem:s6+$0x6B90]  }
0x22b: {  	v8 =	vmul.f32 v27, v8;
	v14 =	vmul.f32 v28, v14;
	v29 =	vshra.s32 v29, v1;
	v51 =	vld [tilespmem:s6+$0x6BB0]  }
0x22c: {  	v26 =	vshll.u32 v26, $0x10;
	v6 =	vmul.f32 v20, v6;
	v12 =	vmul.f32 v23, v12;
	v53 =	vld [tilespmem:s6+$0x6BD0]  }
0x22d: {  	v5 =	vmul.f32 v25, v5;
	v57 =	vld [tilespmem:s6+$0x6BF0];
	v30 =	vshra.s32 v30, v1;
	v29 =	vshll.u32 v29, $0x10  }
0x22e: {  	v52 =	vld [tilespmem:s6+$0x6BC0];
	v10 =	vmul.f32 v26, v10;
	v33 =	vshra.s32 v31, v1;
	v30 =	vshll.u32 v30, $0x10  }
0x22f: {  	v43 =	vld [tilespmem:s6+$0x6B30];
	v2 =	vmul.f32 v29, v2;
	v1 =	vshll.u32 v33, $0x10;
	v37 =	vshrl.u32 v0, $0x4  }
0x230: {  	v44 =	vld [tilespmem:s6+$0x6B40];
	v39 =	vand.u32 $0x1F, v0;
	v11 =	vmul.f32 v30, v11;
	v0 =	vand.u32 $0x10, v37  }
0x231: {  	v1 =	vmul.f32 v1, v3;
	v34 =	vld.idx.msk [tilespmem:v32+s25+$0x0], $0xffff;
	v28 =	vshra.s32 v48, v39;
	v29 =	vshra.s32 v49, v39  }
0x232: {  	v59 =	vshra.s32 v51, v39;
	v33 =	vshra.s32 v53, v39;
	v22 =	vshra.s32 v57, v39;
	v49 =	vld [tilespmem:s6+$0xEB90]  }
0x233: {  	v46 =	vld [tilespmem:s6+$0x6B50];
	v62 =	vshra.s32 v52, v39;
	v27 =	vand.u32 $0xF, v33;
	v22 =	vand.u32 $0xF, v22  }
0x234: {  	v47 =	vld [tilespmem:s6+$0x6B60];
	v28 =	vand.u32 $0xF, v28;
	v27 =	vcvt.s32.f32 v27;
	v22 =	vcvt.s32.f32 v22  }
0x235: {  	v54 =	vld [tilespmem:s6+$0x6BE0];
	v56 =	vand.u32 $0xF, v29;
	v61 =	vand.u32 $0xF, v59;
	v63 =	vcvt.s32.f32 v28  }
0x236: {  	v48 =	vadd.f32 $-8.000000000e+00, v27;
	v22 =	vadd.f32 $-8.000000000e+00, v22;
	v41 =	vand.u32 $0x1F, v34  }
0x237: {  	v42 =	vld [tilespmem:s6+$0xEB70];
	[tilespmem:s0+$0x16BF0] =	vst v1;
	v45 =	vshrl.u32 v34, $0x4;
	v1 =	vshra.s32 v49, v0;
	v17 =	vshra.s32 v35, v41  }
0x238: {  	v18 =	vshra.s32 v36, v41;
	v21 =	vshra.s32 v38, v41;
	v3 =	vand.u32 $0x10, v45  }
0x239: {  	v24 =	vshra.s32 v40, v41;
	v23 =	vshra.s32 v43, v41;
	v25 =	vshra.s32 v44, v41  }
0x23a: {  	v37 =	vld [tilespmem:s6+$0xEB20];
	v26 =	vshra.s32 v46, v41;
	v19 =	vshra.s32 v47, v41;
	v35 =	vshra.s32 v54, v39  }
0x23b: {  	v1 =	vshll.u32 v1, $0x10;
	v17 =	vand.u32 $0xF, v17;
	v18 =	vand.u32 $0xF, v18  }
0x23c: {  	v21 =	vand.u32 $0xF, v21;
	v20 =	vshra.s32 v42, v3;
	v24 =	vand.u32 $0xF, v24  }
0x23d: {  	[tilespmem:s0+$0x16B00] =	vst v4;
	v23 =	vand.u32 $0xF, v23;
	v25 =	vand.u32 $0xF, v25;
	v26 =	vand.u32 $0xF, v26  }
0x23e: {  	[tilespmem:s0+$0x16B10] =	vst v13;
	v19 =	vand.u32 $0xF, v19;
	v28 =	vand.u32 $0xF, v35;
	v17 =	vcvt.s32.f32 v17  }
0x23f: {  	[tilespmem:s0+$0x16B60] =	vst v8;
	v53 =	vld [tilespmem:s6+$0xEBC0];
	v8 =	vshra.s32 v37, v3;
	v18 =	vcvt.s32.f32 v18;
	v21 =	vcvt.s32.f32 v21  }
0x240: {  	[tilespmem:s0+$0x16B20] =	vst v7;
	v57 =	vld [tilespmem:s6+$0xEBE0];
	v42 =	vadd.f32 $-8.000000000e+00, v63;
	v24 =	vcvt.s32.f32 v24;
	v23 =	vcvt.s32.f32 v23  }
0x241: {  	[tilespmem:s0+$0x16B30] =	vst v16;
	v52 =	vld [tilespmem:s6+$0xEBB0];
	v20 =	vshll.u32 v20, $0x10;
	v55 =	vcvt.s32.f32 v25;
	v58 =	vcvt.s32.f32 v26  }
0x242: {  	[tilespmem:s0+$0x16B40] =	vst v9;
	v34 =	vld [tilespmem:s6+$0xEB00];
	v60 =	vcvt.s32.f32 v19;
	v26 =	vand.u32 $0xF, v62;
	v25 =	vcvt.s32.f32 v56  }
0x243: {  	[tilespmem:s0+$0x16B50] =	vst v15;
	v36 =	vld [tilespmem:s6+$0xEB10];
	v19 =	vcvt.s32.f32 v61;
	v28 =	vcvt.s32.f32 v28;
	v8 =	vshll.u32 v8, $0x10  }
0x244: {  	[tilespmem:s0+$0x16B80] =	vst v14;
	v38 =	vld [tilespmem:s6+$0xEB30];
	v61 =	vshra.s32 v53, v0;
	v17 =	vadd.f32 $-8.000000000e+00, v17;
	v18 =	vadd.f32 $-8.000000000e+00, v18  }
0x245: {  	[tilespmem:s0+$0x16B90] =	vst v6;
	v41 =	vld [tilespmem:s6+$0xEB50];
	v62 =	vshra.s32 v57, v0;
	v21 =	vadd.f32 $-8.000000000e+00, v21;
	v24 =	vadd.f32 $-8.000000000e+00, v24  }
0x246: {  	[tilespmem:s0+$0x16BA0] =	vst v12;
	v45 =	vld [tilespmem:s6+$0xEB60];
	v26 =	vcvt.s32.f32 v26;
	v40 =	vadd.f32 $-8.000000000e+00, v23;
	v4 =	vadd.f32 $-8.000000000e+00, v55  }
0x247: {  	[tilespmem:s0+$0x16BB0] =	vst v5;
	v47 =	vld [tilespmem:s6+$0xEB80];
	v9 =	vshra.s32 v34, v3;
	v13 =	vadd.f32 $-8.000000000e+00, v58;
	v7 =	vadd.f32 $-8.000000000e+00, v60  }
0x248: {  	v50 =	vld [tilespmem:s6+$0x6BA0];
	[tilespmem:s0+$0x16BC0] =	vst v10;
	v43 =	vadd.f32 $-8.000000000e+00, v25;
	v51 =	vadd.f32 $-8.000000000e+00, v28;
	v60 =	vshra.s32 v52, v0  }
0x249: {  	[tilespmem:s0+$0x16BD0] =	vst v2;
	v15 =	vshra.s32 v36, v3;
	v9 =	vshll.u32 v9, $0x10;
	v17 =	vmul.f32 v20, v17  }
0x24a: {  	[tilespmem:s0+$0x16BE0] =	vst v11;
	v14 =	vshra.s32 v38, v3;
	v46 =	vadd.f32 $-8.000000000e+00, v26;
	v9 =	vmul.f32 v9, v18  }
0x24b: {  	v5 =	vshra.s32 v41, v3;
	v2 =	vshra.s32 v45, v3;
	v8 =	vmul.f32 v8, v24;
	[tilespmem:s6+$0x16B70] =	vst v17  }
0x24c: {  	v55 =	vld [tilespmem:s6+$0xEBD0];
	v56 =	vshra.s32 v47, v0;
	v15 =	vshll.u32 v15, $0x10;
	v1 =	vmul.f32 v1, v43;
	[tilespmem:s6+$0x16B00] =	vst v9  }
0x24d: {  	v20 =	vshra.s32 v50, v39;
	v39 =	vld [tilespmem:s6+$0xEB40];
	v2 =	vshll.u32 v2, $0x10;
	v15 =	vmul.f32 v15, v21;
	[tilespmem:s6+$0x16B20] =	vst v8  }
0x24e: {  	v50 =	vld [tilespmem:s6+$0xEBA0];
	v14 =	vshll.u32 v14, $0x10;
	v20 =	vand.u32 $0xF, v20;
	v2 =	vmul.f32 v2, v7;
	[tilespmem:s6+$0x16B90] =	vst v1  }
0x24f: {  	v58 =	vld [tilespmem:s6+$0xEBF0];
	v12 =	vmul.f32 v14, v40;
	v20 =	vcvt.s32.f32 v20;
	v1 =	vshll.u32 v62, $0x10;
	[tilespmem:s6+$0x16B10] =	vst v15  }
0x250: {  	v54 =	vshll.u32 v5, $0x10;
	[tilespmem:s6+$0x16B60] =	vst v2;
	v2 =	vshll.u32 v61, $0x10;
	v1 =	vmul.f32 v1, v51  }
0x251: {  	[tilespmem:s6+$0x16B30] =	vst v12;
	v5 =	vshra.s32 v55, v0;
	v44 =	vadd.f32 $-8.000000000e+00, v20;
	v2 =	vmul.f32 v2, v46  }
0x252: {  	v5 =	vshll.u32 v5, $0x10;
	v6 =	vshra.s32 v39, v3;
	v3 =	vmul.f32 v54, v13;
	[tilespmem:s6+$0x16BE0] =	vst v1  }
0x253: {  	v59 =	vshra.s32 v50, v0;
	v63 =	vmul.f32 v5, v48;
	v6 =	vshll.u32 v6, $0x10;
	[tilespmem:s6+$0x16BC0] =	vst v2  }
0x254: {  	v0 =	vshra.s32 v58, v0;
	v7 =	vshll.u32 v59, $0x10;
	v4 =	vmul.f32 v6, v4;
	[tilespmem:s6+$0x16B50] =	vst v3  }
0x255: {  	s31 =	sadd.s32 $0x1, s31;
	v0 =	vshll.u32 v0, $0x10;
	v7 =	vmul.f32 v7, v44;
	[tilespmem:s6+$0x16BD0] =	vst v63  }
0x256: {  	p0 =	sne.s32 s31, $0x28;
	v19 =	vadd.f32 $-8.000000000e+00, v19;
	v6 =	vshll.u32 v56, $0x10;
	v0 =	vmul.f32 v0, v22;
	[tilespmem:s6+$0x16B40] =	vst v4  }
.Ltmp3:
0x257: {  	s30 =	sshll.u32 s1, $0xE;
	v3 =	vshll.u32 v60, $0x10;
	v6 =	vmul.f32 v6, v42;
	[tilespmem:s6+$0x16BA0] =	vst v7;
	(pc) =	sbr.rel @p0 .LBB2_2-.Ltmp3, $4  }
0x258: {  	s0 =	sadd.s32 s7, s30;
	v3 =	vmul.f32 v3, v19;
	[tilespmem:s6+$0x16BF0] =	vst v0  }
0x259: {  	s0 =	sshrl.u32 s0, $0x3;
	[tilespmem:s6+$0x16B80] =	vst v6  }
0x25a: {  	s0 =	sadd.s32 s2, s0;
	[tilespmem:s6+$0x16BB0] =	vst v3  }
0x25b: {  	[hbm4b:s0+s3] =	stream.linear.scatter [tilespmem:s26], [sflag:$0x6], $0x4000, $0x38;
	[tilespmem:$0x1AB00] =	vst v63  }
0x25c: {  	s0 =	simm.s32 $0x5  }
0x25d: {  	_ =	swait.ge [sflag:s0], $0x4000  }
0x25e: {  	[sflag:s0] =	ssyncset.done $0x0  }
0x25f: {  	s1 =	simm.s32 $0x6;
	[sflag:s0] =	ssyncadd.s32 $0xFFFFC000  }
0x260: {  	_ =	swait.ge [sflag:s1], $0x4000  }
0x261: {  	s6 =	rddreg [dreg:$0x5]  }
0x262: {  	s31 =	rddreg [dreg:$0x4];
	s6 =	sadd.s32 $0x1, s6  }
0x263: {  	p0 =	sne.s32 s6, s31  }
.Ltmp4:
0x264: {  	_ = 	snop;
	(pc) =	sbr.rel @p0 .LBB2_1-.Ltmp4, $3  }
0x265: {  	_ =	sdelay $0x1  }
0x266: {  	[sflag:s1] =	ssyncset.done $0x0  }
0x267: {  	[sflag:s1] =	ssyncadd.s32 $0xFFFFC000  }
0x268: {  	_ =	sfence.sel $0x180000  }
0x269: {  	[bflag:$0x0] =	sbarrier.arrive $0xFFFF  }
0x26a: {  	_ =	strace $0x90000047  }
0x26b: {  	s0 =	stileid.u32;
	[bflag:$0x2] =	sbarrier.arrive $0xFFFF  }
0x26c: {  	p0 =	sne.s32 s0, $0x0;
	s0 =	rddreg [dreg:$0x2]  }
0x26d: {  	s0 =	sadd.s32 @!p0 $0x100000, s0  }
0x26e: {  	[sflag:s0] =	ssyncadd.tile.s32 @!p0 $0x1;
	_ =	shalt  }
.Lfunc_end2:
_tile_overlayer_lowered:
.L_overlay_start_2:
0x26f: {  	(tag) =	ssettag $0x2  }
0x270: {  	s0 =	rddreg [dreg:$0x0];
	s2 =	stileid.u32  }
0x271: {  	s1 =	rddreg [dreg:$0x1];
	p0 =	sne.s32 s2, $0x0  }
0x272: {  	s3 =	rddreg [dreg:$0x2];
	[bflag:$0x3] =	sbarrier.arrive $0xFFFF;
	s2 =	simm.s32 @!p0 $0x1C07  }
0x273: {  	[timem:s3], [sflag:s2] =	dma.local @!p0 [hbm:s0], s1  }
0x274: {  	s0 =	simm.s32 @!p0 $0x7  }
0x275: {  	_ =	swait.ge @!p0 [sflag:s0], s1  }
0x276: {  	s1 =	ssub.s32 @!p0 $0x0, s1;
	[sflag:s0] =	ssyncset.done @!p0 $0x0  }
0x277: {  	[sflag:s0] =	ssyncadd.s32 @!p0 s1  }
0x278: {  	[bflag:$0x3] =	sbarrier.arrive $0xFFFF  }
0x279: {  	_ =	shalt  }

</sc_bundles>
